<compile_context>
chip_gen: v7x
topology: tpu7x:2x2x1
jax: 0.10.2.dev20260603
libtpu: 0.0.44.dev20260713+nightly
codegen_flags: <defaults>
</compile_context>

<pallas_src>
import functools

import jax
import jax.numpy as jnp
from jax import lax
from jax.experimental import pallas as pl
from jax.experimental.pallas import tpu as pltpu
from jax.experimental.pallas import tpu_sc as plsc

_B, _C, _H, _W = 8, 512, 48, 48
_F = 256
_UPS = 3
_JH = _W // 2


def _sc_body(emb0_hbm, emb1_hbm, out_hbm, e0_v, e1_v, row_v, sem):
    wid = lax.axis_index("s") * 2 + lax.axis_index("c")
    u0 = wid * _UPS

    pltpu.sync_copy(emb0_hbm.at[pl.ds(0, _W)], e0_v)
    pltpu.sync_copy(emb1_hbm.at[pl.ds(0, _H)], e1_v)

    for m in range(_UPS):
        i = (u0 + m) // 2
        j0 = ((u0 + m) % 2) * _JH
        e1vals = [e1_v[i, pl.ds(16 * t, 16)] for t in range(16)]

        def _fill(j, _, m=m, j0=j0, e1vals=e1vals):
            for t in range(16):
                row_v[m, j, pl.ds(16 * t, 16)] = e0_v[j0 + j, pl.ds(16 * t, 16)]
            for t in range(16):
                row_v[m, j, pl.ds(_F + 16 * t, 16)] = e1vals[t]
            return None

        lax.fori_loop(0, _JH, _fill, None)

    copies = []
    for m in range(_UPS):
        i = (u0 + m) // 2
        j0 = ((u0 + m) % 2) * _JH
        for b in range(_B):
            copies.append(
                pltpu.async_copy(
                    row_v.at[m], out_hbm.at[b, i, pl.ds(j0, _JH)], sem
                )
            )
    for c in copies:
        c.wait()


def kernel(x, emb0, emb1):
    del x
    mesh = plsc.VectorSubcoreMesh(core_axis_name="c", subcore_axis_name="s")
    run = functools.partial(
        pl.kernel,
        mesh=mesh,
        out_type=jax.ShapeDtypeStruct((_B, _H, _W, _C), jnp.float32),
        scratch_types=[
            pltpu.VMEM((_W, _F), jnp.float32),
            pltpu.VMEM((_H, _F), jnp.float32),
            pltpu.VMEM((_UPS, _JH, _C), jnp.float32),
            pltpu.SemaphoreType.DMA,
        ],
    )(_sc_body)
    out = run(emb0, emb1)
    return jnp.transpose(out, (0, 3, 1, 2))

# --- scband reference (transcript-rebuilt; emitter-appended) ---
"""Pipeline reference for scband-position-embedding-learned-59674275610654 (READ-ONLY COPY).

The authoritative reference and input builder live on the scoring server;
editing this copy changes nothing except your own understanding.
"""

import jax, jax.numpy as jnp
import numpy as np

NUM_POS_FEATS = 256
TABLE_ROWS = 50
B, C, H, W = 8, 512, 48, 48


def setup_inputs(seed: int = 0) -> dict:
    key = jax.random.key(seed)
    k1, k2, k3 = jax.random.split(key, 3)
    x = jax.random.normal(k1, (B, C, H, W), dtype=jnp.float32)
    # nn.Embedding weights initialized with uniform_ in reset_parameters()
    emb0 = jax.random.uniform(k2, (TABLE_ROWS, NUM_POS_FEATS), dtype=jnp.float32)
    emb1 = jax.random.uniform(k3, (TABLE_ROWS, NUM_POS_FEATS), dtype=jnp.float32)
    return {"x": x, "emb0": emb0, "emb1": emb1}


def reference(x, emb0, emb1):
    # fixed_positions=True path of PositionEmbeddingLearned.forward (ndim=2)
    b, c, h, w = x.shape
    # positions along each feature axis
    pos_idx_h = jnp.arange(h)
    pos_idx_w = jnp.arange(w)
    # idx=0: embed(arange(H)) -> [H, F]; unsqueeze(0) -> [1, H, F]; repeat(H,1,1) -> [H, H, F]
    p0 = jnp.take(emb0, pos_idx_h, axis=0)
    p0 = jnp.tile(p0[None, :, :], (h, 1, 1))
    # idx=1: embed(arange(W)) -> [W, F]; unsqueeze(1) -> [W, 1, F]; repeat(1,W,1) -> [W, W, F]
    p1 = jnp.take(emb1, pos_idx_w, axis=0)
    p1 = jnp.tile(p1[:, None, :], (1, w, 1))
    pos = jnp.concatenate([p0, p1], axis=-1)  # [H, W, 2F]
    # permute: [len(x_dim)-2 if i==0 else i-1] = (2, 0, 1) -> [2F, H, W]
    pos = jnp.transpose(pos, (2, 0, 1))
    # unsqueeze(0) + repeat over batch -> [B, 2F, H, W]
    pos = jnp.tile(pos[None, :, :, :], (b, 1, 1, 1))
    return pos


if False:  # reference __main__ guard neutralized (emitter)
    out = reference(**setup_inputs())
    print(out.shape, out.dtype)

if __name__ == "__main__":
    import jax
    _d = setup_inputs()
    print(jax.jit(kernel)(*tuple(_d.values())))

</pallas_src>

<mosaic_0001>
#map = affine_map<(d0, d1) -> (0, 0)>
#map1 = affine_map<(d0, d1) -> (0, 0, 0, 0)>
module attributes {stable_mosaic.version = 14 : i64} {
  func.func @_sc_body(%arg0: i32, %arg1: i32, %arg2: memref<50x256xf32, #tpu.memory_space<hbm>>, %arg3: memref<50x256xf32, #tpu.memory_space<hbm>>, %arg4: memref<8x48x48x512xf32, #tpu.memory_space<hbm>>, %arg5: memref<48x256xf32, #tpu.memory_space<vmem>>, %arg6: memref<48x256xf32, #tpu.memory_space<vmem>>, %arg7: memref<3x24x512xf32, #tpu.memory_space<vmem>>, %arg8: memref<!tpu.dma_semaphore, #tpu.memory_space<semaphore_mem>>) attributes {dimension_semantics = [#tpu.dimension_semantics<core_parallel>, #tpu.dimension_semantics<subcore_parallel>], iteration_bounds = array<i64: 2, 16>, scalar_prefetch = 0 : i64, scratch_operands = 4 : i64, tpu.core_type = #tpu.core_type<sc_vector_subcore>, window_params = [{transform_indices = #map}, {transform_indices = #map}, {transform_indices = #map1}]} {
    %mul3A = arith.constant 2 : i32
    %mul3A_0 = arith.muli %arg1, %mul3A : i32
    %add3A = arith.addi %mul3A_0, %arg0 : i32
    %mul3A_1 = arith.constant 3 : i32
    %mul3A_2 = arith.muli %add3A, %mul3A_1 : i32
    "tpu.region"() ({
      %run_scoped3A = tpu.sem_alloc : memref<!tpu.dma_semaphore, #tpu.memory_space<semaphore_mem>>
      %dma_start3A_1240 = arith.constant 0 : i32
      %dma_start3A_1241 = arith.constant 0 : i32
      %dma_start3A_1242 = tpu.memref_slice %arg2[%dma_start3A_1240, %dma_start3A_1241] : memref<50x256xf32, #tpu.memory_space<hbm>> -> memref<48x256xf32, #tpu.memory_space<hbm>>
      %dma_start3A_1243 = arith.constant 0 : i32
      %dma_start3A_1244 = arith.constant 0 : i32
      %dma_start3A_1245 = tpu.memref_slice %arg2[%dma_start3A_1243, %dma_start3A_1244] : memref<50x256xf32, #tpu.memory_space<hbm>> -> memref<48x256xf32, #tpu.memory_space<hbm>>
      tpu.enqueue_dma source(%dma_start3A_1245 : memref<48x256xf32, #tpu.memory_space<hbm>>) target(%arg5 : memref<48x256xf32, #tpu.memory_space<vmem>>) target_semaphore(%run_scoped3A : memref<!tpu.dma_semaphore, #tpu.memory_space<semaphore_mem>>)
      %dma_wait3A_1246 = arith.constant 0 : i32
      %dma_wait3A_1247 = arith.constant 0 : i32
      %dma_wait3A_1248 = tpu.memref_slice %arg2[%dma_wait3A_1246, %dma_wait3A_1247] : memref<50x256xf32, #tpu.memory_space<hbm>> -> memref<48x256xf32, #tpu.memory_space<hbm>>
      %dma_wait3A_1249 = arith.constant 0 : i32
      %dma_wait3A_1250 = arith.constant 0 : i32
      %dma_wait3A_1251 = tpu.memref_slice %arg2[%dma_wait3A_1249, %dma_wait3A_1250] : memref<50x256xf32, #tpu.memory_space<hbm>> -> memref<48x256xf32, #tpu.memory_space<hbm>>
      tpu.wait_dma2 semaphore(%run_scoped3A : memref<!tpu.dma_semaphore, #tpu.memory_space<semaphore_mem>>) src(%dma_wait3A_1251 : memref<48x256xf32, #tpu.memory_space<hbm>>) dst(%arg5 : memref<48x256xf32, #tpu.memory_space<vmem>>)
      tpu.yield
    }) : () -> ()
    "tpu.region"() ({
      %run_scoped3A = tpu.sem_alloc : memref<!tpu.dma_semaphore, #tpu.memory_space<semaphore_mem>>
      %dma_start3A_1240 = arith.constant 0 : i32
      %dma_start3A_1241 = arith.constant 0 : i32
      %dma_start3A_1242 = tpu.memref_slice %arg3[%dma_start3A_1240, %dma_start3A_1241] : memref<50x256xf32, #tpu.memory_space<hbm>> -> memref<48x256xf32, #tpu.memory_space<hbm>>
      %dma_start3A_1243 = arith.constant 0 : i32
      %dma_start3A_1244 = arith.constant 0 : i32
      %dma_start3A_1245 = tpu.memref_slice %arg3[%dma_start3A_1243, %dma_start3A_1244] : memref<50x256xf32, #tpu.memory_space<hbm>> -> memref<48x256xf32, #tpu.memory_space<hbm>>
      tpu.enqueue_dma source(%dma_start3A_1245 : memref<48x256xf32, #tpu.memory_space<hbm>>) target(%arg6 : memref<48x256xf32, #tpu.memory_space<vmem>>) target_semaphore(%run_scoped3A : memref<!tpu.dma_semaphore, #tpu.memory_space<semaphore_mem>>)
      %dma_wait3A_1246 = arith.constant 0 : i32
      %dma_wait3A_1247 = arith.constant 0 : i32
      %dma_wait3A_1248 = tpu.memref_slice %arg3[%dma_wait3A_1246, %dma_wait3A_1247] : memref<50x256xf32, #tpu.memory_space<hbm>> -> memref<48x256xf32, #tpu.memory_space<hbm>>
      %dma_wait3A_1249 = arith.constant 0 : i32
      %dma_wait3A_1250 = arith.constant 0 : i32
      %dma_wait3A_1251 = tpu.memref_slice %arg3[%dma_wait3A_1249, %dma_wait3A_1250] : memref<50x256xf32, #tpu.memory_space<hbm>> -> memref<48x256xf32, #tpu.memory_space<hbm>>
      tpu.wait_dma2 semaphore(%run_scoped3A : memref<!tpu.dma_semaphore, #tpu.memory_space<semaphore_mem>>) src(%dma_wait3A_1251 : memref<48x256xf32, #tpu.memory_space<hbm>>) dst(%arg6 : memref<48x256xf32, #tpu.memory_space<vmem>>)
      tpu.yield
    }) : () -> ()
    %add3A_3 = arith.constant 0 : i32
    %add3A_4 = arith.addi %mul3A_2, %add3A_3 : i32
    %jit3A = arith.constant 2 : i32
    %div3A = arith.divsi %add3A_4, %jit3A : i32
    %sign3A = arith.constant 0 : i32
    %sign3A_5 = arith.cmpi sgt, %add3A_4, %sign3A : i32
    %sign3A_6 = arith.extui %sign3A_5 : i1 to i32
    %sign3A_7 = arith.constant 0 : i32
    %sign3A_8 = arith.cmpi slt, %add3A_4, %sign3A_7 : i32
    %sign3A_9 = arith.extui %sign3A_8 : i1 to i32
    %sign3A_10 = arith.subi %sign3A_6, %sign3A_9 : i32
    %sign3A_11 = arith.constant 0 : i32
    %sign3A_12 = arith.cmpi sgt, %jit3A, %sign3A_11 : i32
    %sign3A_13 = arith.extui %sign3A_12 : i1 to i32
    %sign3A_14 = arith.constant 0 : i32
    %sign3A_15 = arith.cmpi slt, %jit3A, %sign3A_14 : i32
    %sign3A_16 = arith.extui %sign3A_15 : i1 to i32
    %sign3A_17 = arith.subi %sign3A_13, %sign3A_16 : i32
    %ne3A = arith.cmpi ne, %sign3A_10, %sign3A_17 : i32
    %rem3A = arith.remsi %add3A_4, %jit3A : i32
    %ne3A_18 = arith.constant 0 : i32
    %ne3A_19 = arith.cmpi ne, %rem3A, %ne3A_18 : i32
    %and3A = arith.andi %ne3A, %ne3A_19 : i1
    %sub3A = arith.constant 1 : i32
    %sub3A_20 = arith.subi %div3A, %sub3A : i32
    %select_n3A = arith.select %and3A, %sub3A_20, %div3A : i32
    %add3A_21 = arith.constant 0 : i32
    %add3A_22 = arith.addi %mul3A_2, %add3A_21 : i32
    %jit3A_23 = arith.constant 2 : i32
    %eq3A = arith.constant 0 : i32
    %eq3A_24 = arith.cmpi eq, %jit3A_23, %eq3A : i32
    %jit3A_25 = arith.constant 1 : i32
    %select_n3A_26 = arith.select %eq3A_24, %jit3A_25, %jit3A_23 : i32
    %rem3A_27 = arith.remsi %add3A_22, %select_n3A_26 : i32
    %ne3A_28 = arith.constant 0 : i32
    %ne3A_29 = arith.cmpi ne, %rem3A_27, %ne3A_28 : i32
    %lt3A = arith.constant 0 : i32
    %lt3A_30 = arith.cmpi slt, %rem3A_27, %lt3A : i32
    %lt3A_31 = arith.constant 0 : i32
    %lt3A_32 = arith.cmpi slt, %select_n3A_26, %lt3A_31 : i32
    %ne3A_33 = arith.xori %lt3A_30, %lt3A_32 : i1
    %and3A_34 = arith.andi %ne3A_33, %ne3A_29 : i1
    %add3A_35 = arith.addi %rem3A_27, %select_n3A_26 : i32
    %select_n3A_36 = arith.select %and3A_34, %add3A_35, %rem3A_27 : i32
    %mul3A_37 = arith.constant 24 : i32
    %mul3A_38 = arith.muli %select_n3A_36, %mul3A_37 : i32
    %get3A = arith.index_cast %select_n3A : i32 to index
    %get3A_39 = arith.constant 0 : index
    %get3A_40 = tpu.vector_load %arg6[%get3A, %get3A_39] {strides = array<i32>} : memref<48x256xf32, #tpu.memory_space<vmem>>, vector<1x16xf32>,
    %get3A_41 = vector.shape_cast %get3A_40 : vector<1x16xf32> to vector<16xf32>
    %get3A_42 = arith.index_cast %select_n3A : i32 to index
    %get3A_43 = arith.constant 16 : index
    %get3A_44 = tpu.vector_load %arg6[%get3A_42, %get3A_43] {strides = array<i32>} : memref<48x256xf32, #tpu.memory_space<vmem>>, vector<1x16xf32>,
    %get3A_45 = vector.shape_cast %get3A_44 : vector<1x16xf32> to vector<16xf32>
    %get3A_46 = arith.index_cast %select_n3A : i32 to index
    %get3A_47 = arith.constant 32 : index
    %get3A_48 = tpu.vector_load %arg6[%get3A_46, %get3A_47] {strides = array<i32>} : memref<48x256xf32, #tpu.memory_space<vmem>>, vector<1x16xf32>,
    %get3A_49 = vector.shape_cast %get3A_48 : vector<1x16xf32> to vector<16xf32>
    %get3A_50 = arith.index_cast %select_n3A : i32 to index
    %get3A_51 = arith.constant 48 : index
    %get3A_52 = tpu.vector_load %arg6[%get3A_50, %get3A_51] {strides = array<i32>} : memref<48x256xf32, #tpu.memory_space<vmem>>, vector<1x16xf32>,
    %get3A_53 = vector.shape_cast %get3A_52 : vector<1x16xf32> to vector<16xf32>
    %get3A_54 = arith.index_cast %select_n3A : i32 to index
    %get3A_55 = arith.constant 64 : index
    %get3A_56 = tpu.vector_load %arg6[%get3A_54, %get3A_55] {strides = array<i32>} : memref<48x256xf32, #tpu.memory_space<vmem>>, vector<1x16xf32>,
    %get3A_57 = vector.shape_cast %get3A_56 : vector<1x16xf32> to vector<16xf32>
    %get3A_58 = arith.index_cast %select_n3A : i32 to index
    %get3A_59 = arith.constant 80 : index
    %get3A_60 = tpu.vector_load %arg6[%get3A_58, %get3A_59] {strides = array<i32>} : memref<48x256xf32, #tpu.memory_space<vmem>>, vector<1x16xf32>,
    %get3A_61 = vector.shape_cast %get3A_60 : vector<1x16xf32> to vector<16xf32>
    %get3A_62 = arith.index_cast %select_n3A : i32 to index
    %get3A_63 = arith.constant 96 : index
    %get3A_64 = tpu.vector_load %arg6[%get3A_62, %get3A_63] {strides = array<i32>} : memref<48x256xf32, #tpu.memory_space<vmem>>, vector<1x16xf32>,
    %get3A_65 = vector.shape_cast %get3A_64 : vector<1x16xf32> to vector<16xf32>
    %get3A_66 = arith.index_cast %select_n3A : i32 to index
    %get3A_67 = arith.constant 112 : index
    %get3A_68 = tpu.vector_load %arg6[%get3A_66, %get3A_67] {strides = array<i32>} : memref<48x256xf32, #tpu.memory_space<vmem>>, vector<1x16xf32>,
    %get3A_69 = vector.shape_cast %get3A_68 : vector<1x16xf32> to vector<16xf32>
    %get3A_70 = arith.index_cast %select_n3A : i32 to index
    %get3A_71 = arith.constant 128 : index
    %get3A_72 = tpu.vector_load %arg6[%get3A_70, %get3A_71] {strides = array<i32>} : memref<48x256xf32, #tpu.memory_space<vmem>>, vector<1x16xf32>,
    %get3A_73 = vector.shape_cast %get3A_72 : vector<1x16xf32> to vector<16xf32>
    %get3A_74 = arith.index_cast %select_n3A : i32 to index
    %get3A_75 = arith.constant 144 : index
    %get3A_76 = tpu.vector_load %arg6[%get3A_74, %get3A_75] {strides = array<i32>} : memref<48x256xf32, #tpu.memory_space<vmem>>, vector<1x16xf32>,
    %get3A_77 = vector.shape_cast %get3A_76 : vector<1x16xf32> to vector<16xf32>
    %get3A_78 = arith.index_cast %select_n3A : i32 to index
    %get3A_79 = arith.constant 160 : index
    %get3A_80 = tpu.vector_load %arg6[%get3A_78, %get3A_79] {strides = array<i32>} : memref<48x256xf32, #tpu.memory_space<vmem>>, vector<1x16xf32>,
    %get3A_81 = vector.shape_cast %get3A_80 : vector<1x16xf32> to vector<16xf32>
    %get3A_82 = arith.index_cast %select_n3A : i32 to index
    %get3A_83 = arith.constant 176 : index
    %get3A_84 = tpu.vector_load %arg6[%get3A_82, %get3A_83] {strides = array<i32>} : memref<48x256xf32, #tpu.memory_space<vmem>>, vector<1x16xf32>,
    %get3A_85 = vector.shape_cast %get3A_84 : vector<1x16xf32> to vector<16xf32>
    %get3A_86 = arith.index_cast %select_n3A : i32 to index
    %get3A_87 = arith.constant 192 : index
    %get3A_88 = tpu.vector_load %arg6[%get3A_86, %get3A_87] {strides = array<i32>} : memref<48x256xf32, #tpu.memory_space<vmem>>, vector<1x16xf32>,
    %get3A_89 = vector.shape_cast %get3A_88 : vector<1x16xf32> to vector<16xf32>
    %get3A_90 = arith.index_cast %select_n3A : i32 to index
    %get3A_91 = arith.constant 208 : index
    %get3A_92 = tpu.vector_load %arg6[%get3A_90, %get3A_91] {strides = array<i32>} : memref<48x256xf32, #tpu.memory_space<vmem>>, vector<1x16xf32>,
    %get3A_93 = vector.shape_cast %get3A_92 : vector<1x16xf32> to vector<16xf32>
    %get3A_94 = arith.index_cast %select_n3A : i32 to index
    %get3A_95 = arith.constant 224 : index
    %get3A_96 = tpu.vector_load %arg6[%get3A_94, %get3A_95] {strides = array<i32>} : memref<48x256xf32, #tpu.memory_space<vmem>>, vector<1x16xf32>,
    %get3A_97 = vector.shape_cast %get3A_96 : vector<1x16xf32> to vector<16xf32>
    %get3A_98 = arith.index_cast %select_n3A : i32 to index
    %get3A_99 = arith.constant 240 : index
    %get3A_100 = tpu.vector_load %arg6[%get3A_98, %get3A_99] {strides = array<i32>} : memref<48x256xf32, #tpu.memory_space<vmem>>, vector<1x16xf32>,
    %get3A_101 = vector.shape_cast %get3A_100 : vector<1x16xf32> to vector<16xf32>
    %scan3A = arith.constant 0 : i32
    %scan3A_102 = arith.constant 24 : i32
    %scan3A_103 = arith.addi %scan3A, %scan3A_102 : i32
    %scan3A_104 = arith.constant 1 : i32
    scf.for %scan3A_1240 = %scan3A to %scan3A_103 step %scan3A_104  : i32 {
      %add3A_1241 = arith.addi %mul3A_38, %scan3A_1240 : i32
      %get3A_1242 = arith.index_cast %add3A_1241 : i32 to index
      %get3A_1243 = arith.constant 0 : index
      %get3A_1244 = tpu.vector_load %arg5[%get3A_1242, %get3A_1243] {strides = array<i32>} : memref<48x256xf32, #tpu.memory_space<vmem>>, vector<1x16xf32>,
      %get3A_1245 = vector.shape_cast %get3A_1244 : vector<1x16xf32> to vector<16xf32>
      %swap3A = arith.constant 0 : i32
      %swap3A_1246 = arith.index_cast %swap3A : i32 to index
      %swap3A_1247 = arith.index_cast %scan3A_1240 : i32 to index
      %swap3A_1248 = arith.constant 0 : index
      %swap3A_1249 = tpu.vector_load %arg7[%swap3A_1246, %swap3A_1247, %swap3A_1248] {strides = array<i32>} : memref<3x24x512xf32, #tpu.memory_space<vmem>>, vector<1x1x16xf32>,
      %swap3A_1250 = vector.shape_cast %swap3A_1249 : vector<1x1x16xf32> to vector<16xf32>
      %swap3A_1251 = vector.shape_cast %get3A_1245 : vector<16xf32> to vector<1x1x16xf32>
      tpu.vector_store %arg7[%swap3A_1246, %swap3A_1247, %swap3A_1248], %swap3A_1251 {strides = array<i32>} : memref<3x24x512xf32, #tpu.memory_space<vmem>>, vector<1x1x16xf32>,
      %add3A_1252 = arith.addi %mul3A_38, %scan3A_1240 : i32
      %get3A_1253 = arith.index_cast %add3A_1252 : i32 to index
      %get3A_1254 = arith.constant 16 : index
      %get3A_1255 = tpu.vector_load %arg5[%get3A_1253, %get3A_1254] {strides = array<i32>} : memref<48x256xf32, #tpu.memory_space<vmem>>, vector<1x16xf32>,
      %get3A_1256 = vector.shape_cast %get3A_1255 : vector<1x16xf32> to vector<16xf32>
      %swap3A_1257 = arith.constant 0 : i32
      %swap3A_1258 = arith.index_cast %swap3A_1257 : i32 to index
      %swap3A_1259 = arith.index_cast %scan3A_1240 : i32 to index
      %swap3A_1260 = arith.constant 16 : index
      %swap3A_1261 = tpu.vector_load %arg7[%swap3A_1258, %swap3A_1259, %swap3A_1260] {strides = array<i32>} : memref<3x24x512xf32, #tpu.memory_space<vmem>>, vector<1x1x16xf32>,
      %swap3A_1262 = vector.shape_cast %swap3A_1261 : vector<1x1x16xf32> to vector<16xf32>
      %swap3A_1263 = vector.shape_cast %get3A_1256 : vector<16xf32> to vector<1x1x16xf32>
      tpu.vector_store %arg7[%swap3A_1258, %swap3A_1259, %swap3A_1260], %swap3A_1263 {strides = array<i32>} : memref<3x24x512xf32, #tpu.memory_space<vmem>>, vector<1x1x16xf32>,
      %add3A_1264 = arith.addi %mul3A_38, %scan3A_1240 : i32
      %get3A_1265 = arith.index_cast %add3A_1264 : i32 to index
      %get3A_1266 = arith.constant 32 : index
      %get3A_1267 = tpu.vector_load %arg5[%get3A_1265, %get3A_1266] {strides = array<i32>} : memref<48x256xf32, #tpu.memory_space<vmem>>, vector<1x16xf32>,
      %get3A_1268 = vector.shape_cast %get3A_1267 : vector<1x16xf32> to vector<16xf32>
      %swap3A_1269 = arith.constant 0 : i32
      %swap3A_1270 = arith.index_cast %swap3A_1269 : i32 to index
      %swap3A_1271 = arith.index_cast %scan3A_1240 : i32 to index
      %swap3A_1272 = arith.constant 32 : index
      %swap3A_1273 = tpu.vector_load %arg7[%swap3A_1270, %swap3A_1271, %swap3A_1272] {strides = array<i32>} : memref<3x24x512xf32, #tpu.memory_space<vmem>>, vector<1x1x16xf32>,
      %swap3A_1274 = vector.shape_cast %swap3A_1273 : vector<1x1x16xf32> to vector<16xf32>
      %swap3A_1275 = vector.shape_cast %get3A_1268 : vector<16xf32> to vector<1x1x16xf32>
      tpu.vector_store %arg7[%swap3A_1270, %swap3A_1271, %swap3A_1272], %swap3A_1275 {strides = array<i32>} : memref<3x24x512xf32, #tpu.memory_space<vmem>>, vector<1x1x16xf32>,
      %add3A_1276 = arith.addi %mul3A_38, %scan3A_1240 : i32
      %get3A_1277 = arith.index_cast %add3A_1276 : i32 to index
      %get3A_1278 = arith.constant 48 : index
      %get3A_1279 = tpu.vector_load %arg5[%get3A_1277, %get3A_1278] {strides = array<i32>} : memref<48x256xf32, #tpu.memory_space<vmem>>, vector<1x16xf32>,
      %get3A_1280 = vector.shape_cast %get3A_1279 : vector<1x16xf32> to vector<16xf32>
      %swap3A_1281 = arith.constant 0 : i32
      %swap3A_1282 = arith.index_cast %swap3A_1281 : i32 to index
      %swap3A_1283 = arith.index_cast %scan3A_1240 : i32 to index
      %swap3A_1284 = arith.constant 48 : index
      %swap3A_1285 = tpu.vector_load %arg7[%swap3A_1282, %swap3A_1283, %swap3A_1284] {strides = array<i32>} : memref<3x24x512xf32, #tpu.memory_space<vmem>>, vector<1x1x16xf32>,
      %swap3A_1286 = vector.shape_cast %swap3A_1285 : vector<1x1x16xf32> to vector<16xf32>
      %swap3A_1287 = vector.shape_cast %get3A_1280 : vector<16xf32> to vector<1x1x16xf32>
      tpu.vector_store %arg7[%swap3A_1282, %swap3A_1283, %swap3A_1284], %swap3A_1287 {strides = array<i32>} : memref<3x24x512xf32, #tpu.memory_space<vmem>>, vector<1x1x16xf32>,
      %add3A_1288 = arith.addi %mul3A_38, %scan3A_1240 : i32
      %get3A_1289 = arith.index_cast %add3A_1288 : i32 to index
      %get3A_1290 = arith.constant 64 : index
      %get3A_1291 = tpu.vector_load %arg5[%get3A_1289, %get3A_1290] {strides = array<i32>} : memref<48x256xf32, #tpu.memory_space<vmem>>, vector<1x16xf32>,
      %get3A_1292 = vector.shape_cast %get3A_1291 : vector<1x16xf32> to vector<16xf32>
      %swap3A_1293 = arith.constant 0 : i32
      %swap3A_1294 = arith.index_cast %swap3A_1293 : i32 to index
      %swap3A_1295 = arith.index_cast %scan3A_1240 : i32 to index
      %swap3A_1296 = arith.constant 64 : index
      %swap3A_1297 = tpu.vector_load %arg7[%swap3A_1294, %swap3A_1295, %swap3A_1296] {strides = array<i32>} : memref<3x24x512xf32, #tpu.memory_space<vmem>>, vector<1x1x16xf32>,
      %swap3A_1298 = vector.shape_cast %swap3A_1297 : vector<1x1x16xf32> to vector<16xf32>
      %swap3A_1299 = vector.shape_cast %get3A_1292 : vector<16xf32> to vector<1x1x16xf32>
      tpu.vector_store %arg7[%swap3A_1294, %swap3A_1295, %swap3A_1296], %swap3A_1299 {strides = array<i32>} : memref<3x24x512xf32, #tpu.memory_space<vmem>>, vector<1x1x16xf32>,
      %add3A_1300 = arith.addi %mul3A_38, %scan3A_1240 : i32
      %get3A_1301 = arith.index_cast %add3A_1300 : i32 to index
      %get3A_1302 = arith.constant 80 : index
      %get3A_1303 = tpu.vector_load %arg5[%get3A_1301, %get3A_1302] {strides = array<i32>} : memref<48x256xf32, #tpu.memory_space<vmem>>, vector<1x16xf32>,
      %get3A_1304 = vector.shape_cast %get3A_1303 : vector<1x16xf32> to vector<16xf32>
      %swap3A_1305 = arith.constant 0 : i32
      %swap3A_1306 = arith.index_cast %swap3A_1305 : i32 to index
      %swap3A_1307 = arith.index_cast %scan3A_1240 : i32 to index
      %swap3A_1308 = arith.constant 80 : index
      %swap3A_1309 = tpu.vector_load %arg7[%swap3A_1306, %swap3A_1307, %swap3A_1308] {strides = array<i32>} : memref<3x24x512xf32, #tpu.memory_space<vmem>>, vector<1x1x16xf32>,
      %swap3A_1310 = vector.shape_cast %swap3A_1309 : vector<1x1x16xf32> to vector<16xf32>
      %swap3A_1311 = vector.shape_cast %get3A_1304 : vector<16xf32> to vector<1x1x16xf32>
      tpu.vector_store %arg7[%swap3A_1306, %swap3A_1307, %swap3A_1308], %swap3A_1311 {strides = array<i32>} : memref<3x24x512xf32, #tpu.memory_space<vmem>>, vector<1x1x16xf32>,
      %add3A_1312 = arith.addi %mul3A_38, %scan3A_1240 : i32
      %get3A_1313 = arith.index_cast %add3A_1312 : i32 to index
      %get3A_1314 = arith.constant 96 : index
      %get3A_1315 = tpu.vector_load %arg5[%get3A_1313, %get3A_1314] {strides = array<i32>} : memref<48x256xf32, #tpu.memory_space<vmem>>, vector<1x16xf32>,
      %get3A_1316 = vector.shape_cast %get3A_1315 : vector<1x16xf32> to vector<16xf32>
      %swap3A_1317 = arith.constant 0 : i32
      %swap3A_1318 = arith.index_cast %swap3A_1317 : i32 to index
      %swap3A_1319 = arith.index_cast %scan3A_1240 : i32 to index
      %swap3A_1320 = arith.constant 96 : index
      %swap3A_1321 = tpu.vector_load %arg7[%swap3A_1318, %swap3A_1319, %swap3A_1320] {strides = array<i32>} : memref<3x24x512xf32, #tpu.memory_space<vmem>>, vector<1x1x16xf32>,
      %swap3A_1322 = vector.shape_cast %swap3A_1321 : vector<1x1x16xf32> to vector<16xf32>
      %swap3A_1323 = vector.shape_cast %get3A_1316 : vector<16xf32> to vector<1x1x16xf32>
      tpu.vector_store %arg7[%swap3A_1318, %swap3A_1319, %swap3A_1320], %swap3A_1323 {strides = array<i32>} : memref<3x24x512xf32, #tpu.memory_space<vmem>>, vector<1x1x16xf32>,
      %add3A_1324 = arith.addi %mul3A_38, %scan3A_1240 : i32
      %get3A_1325 = arith.index_cast %add3A_1324 : i32 to index
      %get3A_1326 = arith.constant 112 : index
      %get3A_1327 = tpu.vector_load %arg5[%get3A_1325, %get3A_1326] {strides = array<i32>} : memref<48x256xf32, #tpu.memory_space<vmem>>, vector<1x16xf32>,
      %get3A_1328 = vector.shape_cast %get3A_1327 : vector<1x16xf32> to vector<16xf32>
      %swap3A_1329 = arith.constant 0 : i32
      %swap3A_1330 = arith.index_cast %swap3A_1329 : i32 to index
      %swap3A_1331 = arith.index_cast %scan3A_1240 : i32 to index
      %swap3A_1332 = arith.constant 112 : index
      %swap3A_1333 = tpu.vector_load %arg7[%swap3A_1330, %swap3A_1331, %swap3A_1332] {strides = array<i32>} : memref<3x24x512xf32, #tpu.memory_space<vmem>>, vector<1x1x16xf32>,
      %swap3A_1334 = vector.shape_cast %swap3A_1333 : vector<1x1x16xf32> to vector<16xf32>
      %swap3A_1335 = vector.shape_cast %get3A_1328 : vector<16xf32> to vector<1x1x16xf32>
      tpu.vector_store %arg7[%swap3A_1330, %swap3A_1331, %swap3A_1332], %swap3A_1335 {strides = array<i32>} : memref<3x24x512xf32, #tpu.memory_space<vmem>>, vector<1x1x16xf32>,
      %add3A_1336 = arith.addi %mul3A_38, %scan3A_1240 : i32
      %get3A_1337 = arith.index_cast %add3A_1336 : i32 to index
      %get3A_1338 = arith.constant 128 : index
      %get3A_1339 = tpu.vector_load %arg5[%get3A_1337, %get3A_1338] {strides = array<i32>} : memref<48x256xf32, #tpu.memory_space<vmem>>, vector<1x16xf32>,
      %get3A_1340 = vector.shape_cast %get3A_1339 : vector<1x16xf32> to vector<16xf32>
      %swap3A_1341 = arith.constant 0 : i32
      %swap3A_1342 = arith.index_cast %swap3A_1341 : i32 to index
      %swap3A_1343 = arith.index_cast %scan3A_1240 : i32 to index
      %swap3A_1344 = arith.constant 128 : index
      %swap3A_1345 = tpu.vector_load %arg7[%swap3A_1342, %swap3A_1343, %swap3A_1344] {strides = array<i32>} : memref<3x24x512xf32, #tpu.memory_space<vmem>>, vector<1x1x16xf32>,
      %swap3A_1346 = vector.shape_cast %swap3A_1345 : vector<1x1x16xf32> to vector<16xf32>
      %swap3A_1347 = vector.shape_cast %get3A_1340 : vector<16xf32> to vector<1x1x16xf32>
      tpu.vector_store %arg7[%swap3A_1342, %swap3A_1343, %swap3A_1344], %swap3A_1347 {strides = array<i32>} : memref<3x24x512xf32, #tpu.memory_space<vmem>>, vector<1x1x16xf32>,
      %add3A_1348 = arith.addi %mul3A_38, %scan3A_1240 : i32
      %get3A_1349 = arith.index_cast %add3A_1348 : i32 to index
      %get3A_1350 = arith.constant 144 : index
      %get3A_1351 = tpu.vector_load %arg5[%get3A_1349, %get3A_1350] {strides = array<i32>} : memref<48x256xf32, #tpu.memory_space<vmem>>, vector<1x16xf32>,
      %get3A_1352 = vector.shape_cast %get3A_1351 : vector<1x16xf32> to vector<16xf32>
      %swap3A_1353 = arith.constant 0 : i32
      %swap3A_1354 = arith.index_cast %swap3A_1353 : i32 to index
      %swap3A_1355 = arith.index_cast %scan3A_1240 : i32 to index
      %swap3A_1356 = arith.constant 144 : index
      %swap3A_1357 = tpu.vector_load %arg7[%swap3A_1354, %swap3A_1355, %swap3A_1356] {strides = array<i32>} : memref<3x24x512xf32, #tpu.memory_space<vmem>>, vector<1x1x16xf32>,
      %swap3A_1358 = vector.shape_cast %swap3A_1357 : vector<1x1x16xf32> to vector<16xf32>
      %swap3A_1359 = vector.shape_cast %get3A_1352 : vector<16xf32> to vector<1x1x16xf32>
      tpu.vector_store %arg7[%swap3A_1354, %swap3A_1355, %swap3A_1356], %swap3A_1359 {strides = array<i32>} : memref<3x24x512xf32, #tpu.memory_space<vmem>>, vector<1x1x16xf32>,
      %add3A_1360 = arith.addi %mul3A_38, %scan3A_1240 : i32
      %get3A_1361 = arith.index_cast %add3A_1360 : i32 to index
      %get3A_1362 = arith.constant 160 : index
      %get3A_1363 = tpu.vector_load %arg5[%get3A_1361, %get3A_1362] {strides = array<i32>} : memref<48x256xf32, #tpu.memory_space<vmem>>, vector<1x16xf32>,
      %get3A_1364 = vector.shape_cast %get3A_1363 : vector<1x16xf32> to vector<16xf32>
      %swap3A_1365 = arith.constant 0 : i32
      %swap3A_1366 = arith.index_cast %swap3A_1365 : i32 to index
      %swap3A_1367 = arith.index_cast %scan3A_1240 : i32 to index
      %swap3A_1368 = arith.constant 160 : index
      %swap3A_1369 = tpu.vector_load %arg7[%swap3A_1366, %swap3A_1367, %swap3A_1368] {strides = array<i32>} : memref<3x24x512xf32, #tpu.memory_space<vmem>>, vector<1x1x16xf32>,
      %swap3A_1370 = vector.shape_cast %swap3A_1369 : vector<1x1x16xf32> to vector<16xf32>
      %swap3A_1371 = vector.shape_cast %get3A_1364 : vector<16xf32> to vector<1x1x16xf32>
      tpu.vector_store %arg7[%swap3A_1366, %swap3A_1367, %swap3A_1368], %swap3A_1371 {strides = array<i32>} : memref<3x24x512xf32, #tpu.memory_space<vmem>>, vector<1x1x16xf32>,
      %add3A_1372 = arith.addi %mul3A_38, %scan3A_1240 : i32
      %get3A_1373 = arith.index_cast %add3A_1372 : i32 to index
      %get3A_1374 = arith.constant 176 : index
      %get3A_1375 = tpu.vector_load %arg5[%get3A_1373, %get3A_1374] {strides = array<i32>} : memref<48x256xf32, #tpu.memory_space<vmem>>, vector<1x16xf32>,
      %get3A_1376 = vector.shape_cast %get3A_1375 : vector<1x16xf32> to vector<16xf32>
      %swap3A_1377 = arith.constant 0 : i32
      %swap3A_1378 = arith.index_cast %swap3A_1377 : i32 to index
      %swap3A_1379 = arith.index_cast %scan3A_1240 : i32 to index
      %swap3A_1380 = arith.constant 176 : index
      %swap3A_1381 = tpu.vector_load %arg7[%swap3A_1378, %swap3A_1379, %swap3A_1380] {strides = array<i32>} : memref<3x24x512xf32, #tpu.memory_space<vmem>>, vector<1x1x16xf32>,
      %swap3A_1382 = vector.shape_cast %swap3A_1381 : vector<1x1x16xf32> to vector<16xf32>
      %swap3A_1383 = vector.shape_cast %get3A_1376 : vector<16xf32> to vector<1x1x16xf32>
      tpu.vector_store %arg7[%swap3A_1378, %swap3A_1379, %swap3A_1380], %swap3A_1383 {strides = array<i32>} : memref<3x24x512xf32, #tpu.memory_space<vmem>>, vector<1x1x16xf32>,
      %add3A_1384 = arith.addi %mul3A_38, %scan3A_1240 : i32
      %get3A_1385 = arith.index_cast %add3A_1384 : i32 to index
      %get3A_1386 = arith.constant 192 : index
      %get3A_1387 = tpu.vector_load %arg5[%get3A_1385, %get3A_1386] {strides = array<i32>} : memref<48x256xf32, #tpu.memory_space<vmem>>, vector<1x16xf32>,
      %get3A_1388 = vector.shape_cast %get3A_1387 : vector<1x16xf32> to vector<16xf32>
      %swap3A_1389 = arith.constant 0 : i32
      %swap3A_1390 = arith.index_cast %swap3A_1389 : i32 to index
      %swap3A_1391 = arith.index_cast %scan3A_1240 : i32 to index
      %swap3A_1392 = arith.constant 192 : index
      %swap3A_1393 = tpu.vector_load %arg7[%swap3A_1390, %swap3A_1391, %swap3A_1392] {strides = array<i32>} : memref<3x24x512xf32, #tpu.memory_space<vmem>>, vector<1x1x16xf32>,
      %swap3A_1394 = vector.shape_cast %swap3A_1393 : vector<1x1x16xf32> to vector<16xf32>
      %swap3A_1395 = vector.shape_cast %get3A_1388 : vector<16xf32> to vector<1x1x16xf32>
      tpu.vector_store %arg7[%swap3A_1390, %swap3A_1391, %swap3A_1392], %swap3A_1395 {strides = array<i32>} : memref<3x24x512xf32, #tpu.memory_space<vmem>>, vector<1x1x16xf32>,
      %add3A_1396 = arith.addi %mul3A_38, %scan3A_1240 : i32
      %get3A_1397 = arith.index_cast %add3A_1396 : i32 to index
      %get3A_1398 = arith.constant 208 : index
      %get3A_1399 = tpu.vector_load %arg5[%get3A_1397, %get3A_1398] {strides = array<i32>} : memref<48x256xf32, #tpu.memory_space<vmem>>, vector<1x16xf32>,
      %get3A_1400 = vector.shape_cast %get3A_1399 : vector<1x16xf32> to vector<16xf32>
      %swap3A_1401 = arith.constant 0 : i32
      %swap3A_1402 = arith.index_cast %swap3A_1401 : i32 to index
      %swap3A_1403 = arith.index_cast %scan3A_1240 : i32 to index
      %swap3A_1404 = arith.constant 208 : index
      %swap3A_1405 = tpu.vector_load %arg7[%swap3A_1402, %swap3A_1403, %swap3A_1404] {strides = array<i32>} : memref<3x24x512xf32, #tpu.memory_space<vmem>>, vector<1x1x16xf32>,
      %swap3A_1406 = vector.shape_cast %swap3A_1405 : vector<1x1x16xf32> to vector<16xf32>
      %swap3A_1407 = vector.shape_cast %get3A_1400 : vector<16xf32> to vector<1x1x16xf32>
      tpu.vector_store %arg7[%swap3A_1402, %swap3A_1403, %swap3A_1404], %swap3A_1407 {strides = array<i32>} : memref<3x24x512xf32, #tpu.memory_space<vmem>>, vector<1x1x16xf32>,
      %add3A_1408 = arith.addi %mul3A_38, %scan3A_1240 : i32
      %get3A_1409 = arith.index_cast %add3A_1408 : i32 to index
      %get3A_1410 = arith.constant 224 : index
      %get3A_1411 = tpu.vector_load %arg5[%get3A_1409, %get3A_1410] {strides = array<i32>} : memref<48x256xf32, #tpu.memory_space<vmem>>, vector<1x16xf32>,
      %get3A_1412 = vector.shape_cast %get3A_1411 : vector<1x16xf32> to vector<16xf32>
      %swap3A_1413 = arith.constant 0 : i32
      %swap3A_1414 = arith.index_cast %swap3A_1413 : i32 to index
      %swap3A_1415 = arith.index_cast %scan3A_1240 : i32 to index
      %swap3A_1416 = arith.constant 224 : index
      %swap3A_1417 = tpu.vector_load %arg7[%swap3A_1414, %swap3A_1415, %swap3A_1416] {strides = array<i32>} : memref<3x24x512xf32, #tpu.memory_space<vmem>>, vector<1x1x16xf32>,
      %swap3A_1418 = vector.shape_cast %swap3A_1417 : vector<1x1x16xf32> to vector<16xf32>
      %swap3A_1419 = vector.shape_cast %get3A_1412 : vector<16xf32> to vector<1x1x16xf32>
      tpu.vector_store %arg7[%swap3A_1414, %swap3A_1415, %swap3A_1416], %swap3A_1419 {strides = array<i32>} : memref<3x24x512xf32, #tpu.memory_space<vmem>>, vector<1x1x16xf32>,
      %add3A_1420 = arith.addi %mul3A_38, %scan3A_1240 : i32
      %get3A_1421 = arith.index_cast %add3A_1420 : i32 to index
      %get3A_1422 = arith.constant 240 : index
      %get3A_1423 = tpu.vector_load %arg5[%get3A_1421, %get3A_1422] {strides = array<i32>} : memref<48x256xf32, #tpu.memory_space<vmem>>, vector<1x16xf32>,
      %get3A_1424 = vector.shape_cast %get3A_1423 : vector<1x16xf32> to vector<16xf32>
      %swap3A_1425 = arith.constant 0 : i32
      %swap3A_1426 = arith.index_cast %swap3A_1425 : i32 to index
      %swap3A_1427 = arith.index_cast %scan3A_1240 : i32 to index
      %swap3A_1428 = arith.constant 240 : index
      %swap3A_1429 = tpu.vector_load %arg7[%swap3A_1426, %swap3A_1427, %swap3A_1428] {strides = array<i32>} : memref<3x24x512xf32, #tpu.memory_space<vmem>>, vector<1x1x16xf32>,
      %swap3A_1430 = vector.shape_cast %swap3A_1429 : vector<1x1x16xf32> to vector<16xf32>
      %swap3A_1431 = vector.shape_cast %get3A_1424 : vector<16xf32> to vector<1x1x16xf32>
      tpu.vector_store %arg7[%swap3A_1426, %swap3A_1427, %swap3A_1428], %swap3A_1431 {strides = array<i32>} : memref<3x24x512xf32, #tpu.memory_space<vmem>>, vector<1x1x16xf32>,
      %swap3A_1432 = arith.constant 0 : i32
      %swap3A_1433 = arith.index_cast %swap3A_1432 : i32 to index
      %swap3A_1434 = arith.index_cast %scan3A_1240 : i32 to index
      %swap3A_1435 = arith.constant 256 : index
      %swap3A_1436 = tpu.vector_load %arg7[%swap3A_1433, %swap3A_1434, %swap3A_1435] {strides = array<i32>} : memref<3x24x512xf32, #tpu.memory_space<vmem>>, vector<1x1x16xf32>,
      %swap3A_1437 = vector.shape_cast %swap3A_1436 : vector<1x1x16xf32> to vector<16xf32>
      %swap3A_1438 = vector.shape_cast %get3A_41 : vector<16xf32> to vector<1x1x16xf32>
      tpu.vector_store %arg7[%swap3A_1433, %swap3A_1434, %swap3A_1435], %swap3A_1438 {strides = array<i32>} : memref<3x24x512xf32, #tpu.memory_space<vmem>>, vector<1x1x16xf32>,
      %swap3A_1439 = arith.constant 0 : i32
      %swap3A_1440 = arith.index_cast %swap3A_1439 : i32 to index
      %swap3A_1441 = arith.index_cast %scan3A_1240 : i32 to index
      %swap3A_1442 = arith.constant 272 : index
      %swap3A_1443 = tpu.vector_load %arg7[%swap3A_1440, %swap3A_1441, %swap3A_1442] {strides = array<i32>} : memref<3x24x512xf32, #tpu.memory_space<vmem>>, vector<1x1x16xf32>,
      %swap3A_1444 = vector.shape_cast %swap3A_1443 : vector<1x1x16xf32> to vector<16xf32>
      %swap3A_1445 = vector.shape_cast %get3A_45 : vector<16xf32> to vector<1x1x16xf32>
      tpu.vector_store %arg7[%swap3A_1440, %swap3A_1441, %swap3A_1442], %swap3A_1445 {strides = array<i32>} : memref<3x24x512xf32, #tpu.memory_space<vmem>>, vector<1x1x16xf32>,
      %swap3A_1446 = arith.constant 0 : i32
      %swap3A_1447 = arith.index_cast %swap3A_1446 : i32 to index
      %swap3A_1448 = arith.index_cast %scan3A_1240 : i32 to index
      %swap3A_1449 = arith.constant 288 : index
      %swap3A_1450 = tpu.vector_load %arg7[%swap3A_1447, %swap3A_1448, %swap3A_1449] {strides = array<i32>} : memref<3x24x512xf32, #tpu.memory_space<vmem>>, vector<1x1x16xf32>,
      %swap3A_1451 = vector.shape_cast %swap3A_1450 : vector<1x1x16xf32> to vector<16xf32>
      %swap3A_1452 = vector.shape_cast %get3A_49 : vector<16xf32> to vector<1x1x16xf32>
      tpu.vector_store %arg7[%swap3A_1447, %swap3A_1448, %swap3A_1449], %swap3A_1452 {strides = array<i32>} : memref<3x24x512xf32, #tpu.memory_space<vmem>>, vector<1x1x16xf32>,
      %swap3A_1453 = arith.constant 0 : i32
      %swap3A_1454 = arith.index_cast %swap3A_1453 : i32 to index
      %swap3A_1455 = arith.index_cast %scan3A_1240 : i32 to index
      %swap3A_1456 = arith.constant 304 : index
      %swap3A_1457 = tpu.vector_load %arg7[%swap3A_1454, %swap3A_1455, %swap3A_1456] {strides = array<i32>} : memref<3x24x512xf32, #tpu.memory_space<vmem>>, vector<1x1x16xf32>,
      %swap3A_1458 = vector.shape_cast %swap3A_1457 : vector<1x1x16xf32> to vector<16xf32>
      %swap3A_1459 = vector.shape_cast %get3A_53 : vector<16xf32> to vector<1x1x16xf32>
      tpu.vector_store %arg7[%swap3A_1454, %swap3A_1455, %swap3A_1456], %swap3A_1459 {strides = array<i32>} : memref<3x24x512xf32, #tpu.memory_space<vmem>>, vector<1x1x16xf32>,
      %swap3A_1460 = arith.constant 0 : i32
      %swap3A_1461 = arith.index_cast %swap3A_1460 : i32 to index
      %swap3A_1462 = arith.index_cast %scan3A_1240 : i32 to index
      %swap3A_1463 = arith.constant 320 : index
      %swap3A_1464 = tpu.vector_load %arg7[%swap3A_1461, %swap3A_1462, %swap3A_1463] {strides = array<i32>} : memref<3x24x512xf32, #tpu.memory_space<vmem>>, vector<1x1x16xf32>,
      %swap3A_1465 = vector.shape_cast %swap3A_1464 : vector<1x1x16xf32> to vector<16xf32>
      %swap3A_1466 = vector.shape_cast %get3A_57 : vector<16xf32> to vector<1x1x16xf32>
      tpu.vector_store %arg7[%swap3A_1461, %swap3A_1462, %swap3A_1463], %swap3A_1466 {strides = array<i32>} : memref<3x24x512xf32, #tpu.memory_space<vmem>>, vector<1x1x16xf32>,
      %swap3A_1467 = arith.constant 0 : i32
      %swap3A_1468 = arith.index_cast %swap3A_1467 : i32 to index
      %swap3A_1469 = arith.index_cast %scan3A_1240 : i32 to index
      %swap3A_1470 = arith.constant 336 : index
      %swap3A_1471 = tpu.vector_load %arg7[%swap3A_1468, %swap3A_1469, %swap3A_1470] {strides = array<i32>} : memref<3x24x512xf32, #tpu.memory_space<vmem>>, vector<1x1x16xf32>,
      %swap3A_1472 = vector.shape_cast %swap3A_1471 : vector<1x1x16xf32> to vector<16xf32>
      %swap3A_1473 = vector.shape_cast %get3A_61 : vector<16xf32> to vector<1x1x16xf32>
      tpu.vector_store %arg7[%swap3A_1468, %swap3A_1469, %swap3A_1470], %swap3A_1473 {strides = array<i32>} : memref<3x24x512xf32, #tpu.memory_space<vmem>>, vector<1x1x16xf32>,
      %swap3A_1474 = arith.constant 0 : i32
      %swap3A_1475 = arith.index_cast %swap3A_1474 : i32 to index
      %swap3A_1476 = arith.index_cast %scan3A_1240 : i32 to index
      %swap3A_1477 = arith.constant 352 : index
      %swap3A_1478 = tpu.vector_load %arg7[%swap3A_1475, %swap3A_1476, %swap3A_1477] {strides = array<i32>} : memref<3x24x512xf32, #tpu.memory_space<vmem>>, vector<1x1x16xf32>,
      %swap3A_1479 = vector.shape_cast %swap3A_1478 : vector<1x1x16xf32> to vector<16xf32>
      %swap3A_1480 = vector.shape_cast %get3A_65 : vector<16xf32> to vector<1x1x16xf32>
      tpu.vector_store %arg7[%swap3A_1475, %swap3A_1476, %swap3A_1477], %swap3A_1480 {strides = array<i32>} : memref<3x24x512xf32, #tpu.memory_space<vmem>>, vector<1x1x16xf32>,
      %swap3A_1481 = arith.constant 0 : i32
      %swap3A_1482 = arith.index_cast %swap3A_1481 : i32 to index
      %swap3A_1483 = arith.index_cast %scan3A_1240 : i32 to index
      %swap3A_1484 = arith.constant 368 : index
      %swap3A_1485 = tpu.vector_load %arg7[%swap3A_1482, %swap3A_1483, %swap3A_1484] {strides = array<i32>} : memref<3x24x512xf32, #tpu.memory_space<vmem>>, vector<1x1x16xf32>,
      %swap3A_1486 = vector.shape_cast %swap3A_1485 : vector<1x1x16xf32> to vector<16xf32>
      %swap3A_1487 = vector.shape_cast %get3A_69 : vector<16xf32> to vector<1x1x16xf32>
      tpu.vector_store %arg7[%swap3A_1482, %swap3A_1483, %swap3A_1484], %swap3A_1487 {strides = array<i32>} : memref<3x24x512xf32, #tpu.memory_space<vmem>>, vector<1x1x16xf32>,
      %swap3A_1488 = arith.constant 0 : i32
      %swap3A_1489 = arith.index_cast %swap3A_1488 : i32 to index
      %swap3A_1490 = arith.index_cast %scan3A_1240 : i32 to index
      %swap3A_1491 = arith.constant 384 : index
      %swap3A_1492 = tpu.vector_load %arg7[%swap3A_1489, %swap3A_1490, %swap3A_1491] {strides = array<i32>} : memref<3x24x512xf32, #tpu.memory_space<vmem>>, vector<1x1x16xf32>,
      %swap3A_1493 = vector.shape_cast %swap3A_1492 : vector<1x1x16xf32> to vector<16xf32>
      %swap3A_1494 = vector.shape_cast %get3A_73 : vector<16xf32> to vector<1x1x16xf32>
      tpu.vector_store %arg7[%swap3A_1489, %swap3A_1490, %swap3A_1491], %swap3A_1494 {strides = array<i32>} : memref<3x24x512xf32, #tpu.memory_space<vmem>>, vector<1x1x16xf32>,
      %swap3A_1495 = arith.constant 0 : i32
      %swap3A_1496 = arith.index_cast %swap3A_1495 : i32 to index
      %swap3A_1497 = arith.index_cast %scan3A_1240 : i32 to index
      %swap3A_1498 = arith.constant 400 : index
      %swap3A_1499 = tpu.vector_load %arg7[%swap3A_1496, %swap3A_1497, %swap3A_1498] {strides = array<i32>} : memref<3x24x512xf32, #tpu.memory_space<vmem>>, vector<1x1x16xf32>,
      %swap3A_1500 = vector.shape_cast %swap3A_1499 : vector<1x1x16xf32> to vector<16xf32>
      %swap3A_1501 = vector.shape_cast %get3A_77 : vector<16xf32> to vector<1x1x16xf32>
      tpu.vector_store %arg7[%swap3A_1496, %swap3A_1497, %swap3A_1498], %swap3A_1501 {strides = array<i32>} : memref<3x24x512xf32, #tpu.memory_space<vmem>>, vector<1x1x16xf32>,
      %swap3A_1502 = arith.constant 0 : i32
      %swap3A_1503 = arith.index_cast %swap3A_1502 : i32 to index
      %swap3A_1504 = arith.index_cast %scan3A_1240 : i32 to index
      %swap3A_1505 = arith.constant 416 : index
      %swap3A_1506 = tpu.vector_load %arg7[%swap3A_1503, %swap3A_1504, %swap3A_1505] {strides = array<i32>} : memref<3x24x512xf32, #tpu.memory_space<vmem>>, vector<1x1x16xf32>,
      %swap3A_1507 = vector.shape_cast %swap3A_1506 : vector<1x1x16xf32> to vector<16xf32>
      %swap3A_1508 = vector.shape_cast %get3A_81 : vector<16xf32> to vector<1x1x16xf32>
      tpu.vector_store %arg7[%swap3A_1503, %swap3A_1504, %swap3A_1505], %swap3A_1508 {strides = array<i32>} : memref<3x24x512xf32, #tpu.memory_space<vmem>>, vector<1x1x16xf32>,
      %swap3A_1509 = arith.constant 0 : i32
      %swap3A_1510 = arith.index_cast %swap3A_1509 : i32 to index
      %swap3A_1511 = arith.index_cast %scan3A_1240 : i32 to index
      %swap3A_1512 = arith.constant 432 : index
      %swap3A_1513 = tpu.vector_load %arg7[%swap3A_1510, %swap3A_1511, %swap3A_1512] {strides = array<i32>} : memref<3x24x512xf32, #tpu.memory_space<vmem>>, vector<1x1x16xf32>,
      %swap3A_1514 = vector.shape_cast %swap3A_1513 : vector<1x1x16xf32> to vector<16xf32>
      %swap3A_1515 = vector.shape_cast %get3A_85 : vector<16xf32> to vector<1x1x16xf32>
      tpu.vector_store %arg7[%swap3A_1510, %swap3A_1511, %swap3A_1512], %swap3A_1515 {strides = array<i32>} : memref<3x24x512xf32, #tpu.memory_space<vmem>>, vector<1x1x16xf32>,
      %swap3A_1516 = arith.constant 0 : i32
      %swap3A_1517 = arith.index_cast %swap3A_1516 : i32 to index
      %swap3A_1518 = arith.index_cast %scan3A_1240 : i32 to index
      %swap3A_1519 = arith.constant 448 : index
      %swap3A_1520 = tpu.vector_load %arg7[%swap3A_1517, %swap3A_1518, %swap3A_1519] {strides = array<i32>} : memref<3x24x512xf32, #tpu.memory_space<vmem>>, vector<1x1x16xf32>,
      %swap3A_1521 = vector.shape_cast %swap3A_1520 : vector<1x1x16xf32> to vector<16xf32>
      %swap3A_1522 = vector.shape_cast %get3A_89 : vector<16xf32> to vector<1x1x16xf32>
      tpu.vector_store %arg7[%swap3A_1517, %swap3A_1518, %swap3A_1519], %swap3A_1522 {strides = array<i32>} : memref<3x24x512xf32, #tpu.memory_space<vmem>>, vector<1x1x16xf32>,
      %swap3A_1523 = arith.constant 0 : i32
      %swap3A_1524 = arith.index_cast %swap3A_1523 : i32 to index
      %swap3A_1525 = arith.index_cast %scan3A_1240 : i32 to index
      %swap3A_1526 = arith.constant 464 : index
      %swap3A_1527 = tpu.vector_load %arg7[%swap3A_1524, %swap3A_1525, %swap3A_1526] {strides = array<i32>} : memref<3x24x512xf32, #tpu.memory_space<vmem>>, vector<1x1x16xf32>,
      %swap3A_1528 = vector.shape_cast %swap3A_1527 : vector<1x1x16xf32> to vector<16xf32>
      %swap3A_1529 = vector.shape_cast %get3A_93 : vector<16xf32> to vector<1x1x16xf32>
      tpu.vector_store %arg7[%swap3A_1524, %swap3A_1525, %swap3A_1526], %swap3A_1529 {strides = array<i32>} : memref<3x24x512xf32, #tpu.memory_space<vmem>>, vector<1x1x16xf32>,
      %swap3A_1530 = arith.constant 0 : i32
      %swap3A_1531 = arith.index_cast %swap3A_1530 : i32 to index
      %swap3A_1532 = arith.index_cast %scan3A_1240 : i32 to index
      %swap3A_1533 = arith.constant 480 : index
      %swap3A_1534 = tpu.vector_load %arg7[%swap3A_1531, %swap3A_1532, %swap3A_1533] {strides = array<i32>} : memref<3x24x512xf32, #tpu.memory_space<vmem>>, vector<1x1x16xf32>,
      %swap3A_1535 = vector.shape_cast %swap3A_1534 : vector<1x1x16xf32> to vector<16xf32>
      %swap3A_1536 = vector.shape_cast %get3A_97 : vector<16xf32> to vector<1x1x16xf32>
      tpu.vector_store %arg7[%swap3A_1531, %swap3A_1532, %swap3A_1533], %swap3A_1536 {strides = array<i32>} : memref<3x24x512xf32, #tpu.memory_space<vmem>>, vector<1x1x16xf32>,
      %swap3A_1537 = arith.constant 0 : i32
      %swap3A_1538 = arith.index_cast %swap3A_1537 : i32 to index
      %swap3A_1539 = arith.index_cast %scan3A_1240 : i32 to index
      %swap3A_1540 = arith.constant 496 : index
      %swap3A_1541 = tpu.vector_load %arg7[%swap3A_1538, %swap3A_1539, %swap3A_1540] {strides = array<i32>} : memref<3x24x512xf32, #tpu.memory_space<vmem>>, vector<1x1x16xf32>,
      %swap3A_1542 = vector.shape_cast %swap3A_1541 : vector<1x1x16xf32> to vector<16xf32>
      %swap3A_1543 = vector.shape_cast %get3A_101 : vector<16xf32> to vector<1x1x16xf32>
      tpu.vector_store %arg7[%swap3A_1538, %swap3A_1539, %swap3A_1540], %swap3A_1543 {strides = array<i32>} : memref<3x24x512xf32, #tpu.memory_space<vmem>>, vector<1x1x16xf32>,
    }
    %scan3A_105 = arith.constant 24 : i32
    %add3A_106 = arith.constant 1 : i32
    %add3A_107 = arith.addi %mul3A_2, %add3A_106 : i32
    %jit3A_108 = arith.constant 2 : i32
    %div3A_109 = arith.divsi %add3A_107, %jit3A_108 : i32
    %sign3A_110 = arith.constant 0 : i32
    %sign3A_111 = arith.cmpi sgt, %add3A_107, %sign3A_110 : i32
    %sign3A_112 = arith.extui %sign3A_111 : i1 to i32
    %sign3A_113 = arith.constant 0 : i32
    %sign3A_114 = arith.cmpi slt, %add3A_107, %sign3A_113 : i32
    %sign3A_115 = arith.extui %sign3A_114 : i1 to i32
    %sign3A_116 = arith.subi %sign3A_112, %sign3A_115 : i32
    %sign3A_117 = arith.constant 0 : i32
    %sign3A_118 = arith.cmpi sgt, %jit3A_108, %sign3A_117 : i32
    %sign3A_119 = arith.extui %sign3A_118 : i1 to i32
    %sign3A_120 = arith.constant 0 : i32
    %sign3A_121 = arith.cmpi slt, %jit3A_108, %sign3A_120 : i32
    %sign3A_122 = arith.extui %sign3A_121 : i1 to i32
    %sign3A_123 = arith.subi %sign3A_119, %sign3A_122 : i32
    %ne3A_124 = arith.cmpi ne, %sign3A_116, %sign3A_123 : i32
    %rem3A_125 = arith.remsi %add3A_107, %jit3A_108 : i32
    %ne3A_126 = arith.constant 0 : i32
    %ne3A_127 = arith.cmpi ne, %rem3A_125, %ne3A_126 : i32
    %and3A_128 = arith.andi %ne3A_124, %ne3A_127 : i1
    %sub3A_129 = arith.constant 1 : i32
    %sub3A_130 = arith.subi %div3A_109, %sub3A_129 : i32
    %select_n3A_131 = arith.select %and3A_128, %sub3A_130, %div3A_109 : i32
    %add3A_132 = arith.constant 1 : i32
    %add3A_133 = arith.addi %mul3A_2, %add3A_132 : i32
    %jit3A_134 = arith.constant 2 : i32
    %eq3A_135 = arith.constant 0 : i32
    %eq3A_136 = arith.cmpi eq, %jit3A_134, %eq3A_135 : i32
    %jit3A_137 = arith.constant 1 : i32
    %select_n3A_138 = arith.select %eq3A_136, %jit3A_137, %jit3A_134 : i32
    %rem3A_139 = arith.remsi %add3A_133, %select_n3A_138 : i32
    %ne3A_140 = arith.constant 0 : i32
    %ne3A_141 = arith.cmpi ne, %rem3A_139, %ne3A_140 : i32
    %lt3A_142 = arith.constant 0 : i32
    %lt3A_143 = arith.cmpi slt, %rem3A_139, %lt3A_142 : i32
    %lt3A_144 = arith.constant 0 : i32
    %lt3A_145 = arith.cmpi slt, %select_n3A_138, %lt3A_144 : i32
    %ne3A_146 = arith.xori %lt3A_143, %lt3A_145 : i1
    %and3A_147 = arith.andi %ne3A_146, %ne3A_141 : i1
    %add3A_148 = arith.addi %rem3A_139, %select_n3A_138 : i32
    %select_n3A_149 = arith.select %and3A_147, %add3A_148, %rem3A_139 : i32
    %mul3A_150 = arith.constant 24 : i32
    %mul3A_151 = arith.muli %select_n3A_149, %mul3A_150 : i32
    %get3A_152 = arith.index_cast %select_n3A_131 : i32 to index
    %get3A_153 = arith.constant 0 : index
    %get3A_154 = tpu.vector_load %arg6[%get3A_152, %get3A_153] {strides = array<i32>} : memref<48x256xf32, #tpu.memory_space<vmem>>, vector<1x16xf32>,
    %get3A_155 = vector.shape_cast %get3A_154 : vector<1x16xf32> to vector<16xf32>
    %get3A_156 = arith.index_cast %select_n3A_131 : i32 to index
    %get3A_157 = arith.constant 16 : index
    %get3A_158 = tpu.vector_load %arg6[%get3A_156, %get3A_157] {strides = array<i32>} : memref<48x256xf32, #tpu.memory_space<vmem>>, vector<1x16xf32>,
    %get3A_159 = vector.shape_cast %get3A_158 : vector<1x16xf32> to vector<16xf32>
    %get3A_160 = arith.index_cast %select_n3A_131 : i32 to index
    %get3A_161 = arith.constant 32 : index
    %get3A_162 = tpu.vector_load %arg6[%get3A_160, %get3A_161] {strides = array<i32>} : memref<48x256xf32, #tpu.memory_space<vmem>>, vector<1x16xf32>,
    %get3A_163 = vector.shape_cast %get3A_162 : vector<1x16xf32> to vector<16xf32>
    %get3A_164 = arith.index_cast %select_n3A_131 : i32 to index
    %get3A_165 = arith.constant 48 : index
    %get3A_166 = tpu.vector_load %arg6[%get3A_164, %get3A_165] {strides = array<i32>} : memref<48x256xf32, #tpu.memory_space<vmem>>, vector<1x16xf32>,
    %get3A_167 = vector.shape_cast %get3A_166 : vector<1x16xf32> to vector<16xf32>
    %get3A_168 = arith.index_cast %select_n3A_131 : i32 to index
    %get3A_169 = arith.constant 64 : index
    %get3A_170 = tpu.vector_load %arg6[%get3A_168, %get3A_169] {strides = array<i32>} : memref<48x256xf32, #tpu.memory_space<vmem>>, vector<1x16xf32>,
    %get3A_171 = vector.shape_cast %get3A_170 : vector<1x16xf32> to vector<16xf32>
    %get3A_172 = arith.index_cast %select_n3A_131 : i32 to index
    %get3A_173 = arith.constant 80 : index
    %get3A_174 = tpu.vector_load %arg6[%get3A_172, %get3A_173] {strides = array<i32>} : memref<48x256xf32, #tpu.memory_space<vmem>>, vector<1x16xf32>,
    %get3A_175 = vector.shape_cast %get3A_174 : vector<1x16xf32> to vector<16xf32>
    %get3A_176 = arith.index_cast %select_n3A_131 : i32 to index
    %get3A_177 = arith.constant 96 : index
    %get3A_178 = tpu.vector_load %arg6[%get3A_176, %get3A_177] {strides = array<i32>} : memref<48x256xf32, #tpu.memory_space<vmem>>, vector<1x16xf32>,
    %get3A_179 = vector.shape_cast %get3A_178 : vector<1x16xf32> to vector<16xf32>
    %get3A_180 = arith.index_cast %select_n3A_131 : i32 to index
    %get3A_181 = arith.constant 112 : index
    %get3A_182 = tpu.vector_load %arg6[%get3A_180, %get3A_181] {strides = array<i32>} : memref<48x256xf32, #tpu.memory_space<vmem>>, vector<1x16xf32>,
    %get3A_183 = vector.shape_cast %get3A_182 : vector<1x16xf32> to vector<16xf32>
    %get3A_184 = arith.index_cast %select_n3A_131 : i32 to index
    %get3A_185 = arith.constant 128 : index
    %get3A_186 = tpu.vector_load %arg6[%get3A_184, %get3A_185] {strides = array<i32>} : memref<48x256xf32, #tpu.memory_space<vmem>>, vector<1x16xf32>,
    %get3A_187 = vector.shape_cast %get3A_186 : vector<1x16xf32> to vector<16xf32>
    %get3A_188 = arith.index_cast %select_n3A_131 : i32 to index
    %get3A_189 = arith.constant 144 : index
    %get3A_190 = tpu.vector_load %arg6[%get3A_188, %get3A_189] {strides = array<i32>} : memref<48x256xf32, #tpu.memory_space<vmem>>, vector<1x16xf32>,
    %get3A_191 = vector.shape_cast %get3A_190 : vector<1x16xf32> to vector<16xf32>
    %get3A_192 = arith.index_cast %select_n3A_131 : i32 to index
    %get3A_193 = arith.constant 160 : index
    %get3A_194 = tpu.vector_load %arg6[%get3A_192, %get3A_193] {strides = array<i32>} : memref<48x256xf32, #tpu.memory_space<vmem>>, vector<1x16xf32>,
    %get3A_195 = vector.shape_cast %get3A_194 : vector<1x16xf32> to vector<16xf32>
    %get3A_196 = arith.index_cast %select_n3A_131 : i32 to index
    %get3A_197 = arith.constant 176 : index
    %get3A_198 = tpu.vector_load %arg6[%get3A_196, %get3A_197] {strides = array<i32>} : memref<48x256xf32, #tpu.memory_space<vmem>>, vector<1x16xf32>,
    %get3A_199 = vector.shape_cast %get3A_198 : vector<1x16xf32> to vector<16xf32>
    %get3A_200 = arith.index_cast %select_n3A_131 : i32 to index
    %get3A_201 = arith.constant 192 : index
    %get3A_202 = tpu.vector_load %arg6[%get3A_200, %get3A_201] {strides = array<i32>} : memref<48x256xf32, #tpu.memory_space<vmem>>, vector<1x16xf32>,
    %get3A_203 = vector.shape_cast %get3A_202 : vector<1x16xf32> to vector<16xf32>
    %get3A_204 = arith.index_cast %select_n3A_131 : i32 to index
    %get3A_205 = arith.constant 208 : index
    %get3A_206 = tpu.vector_load %arg6[%get3A_204, %get3A_205] {strides = array<i32>} : memref<48x256xf32, #tpu.memory_space<vmem>>, vector<1x16xf32>,
    %get3A_207 = vector.shape_cast %get3A_206 : vector<1x16xf32> to vector<16xf32>
    %get3A_208 = arith.index_cast %select_n3A_131 : i32 to index
    %get3A_209 = arith.constant 224 : index
    %get3A_210 = tpu.vector_load %arg6[%get3A_208, %get3A_209] {strides = array<i32>} : memref<48x256xf32, #tpu.memory_space<vmem>>, vector<1x16xf32>,
    %get3A_211 = vector.shape_cast %get3A_210 : vector<1x16xf32> to vector<16xf32>
    %get3A_212 = arith.index_cast %select_n3A_131 : i32 to index
    %get3A_213 = arith.constant 240 : index
    %get3A_214 = tpu.vector_load %arg6[%get3A_212, %get3A_213] {strides = array<i32>} : memref<48x256xf32, #tpu.memory_space<vmem>>, vector<1x16xf32>,
    %get3A_215 = vector.shape_cast %get3A_214 : vector<1x16xf32> to vector<16xf32>
    %scan3A_216 = arith.constant 0 : i32
    %scan3A_217 = arith.constant 24 : i32
    %scan3A_218 = arith.addi %scan3A_216, %scan3A_217 : i32
    %scan3A_219 = arith.constant 1 : i32
    scf.for %scan3A_1240 = %scan3A_216 to %scan3A_218 step %scan3A_219  : i32 {
      %add3A_1241 = arith.addi %mul3A_151, %scan3A_1240 : i32
      %get3A_1242 = arith.index_cast %add3A_1241 : i32 to index
      %get3A_1243 = arith.constant 0 : index
      %get3A_1244 = tpu.vector_load %arg5[%get3A_1242, %get3A_1243] {strides = array<i32>} : memref<48x256xf32, #tpu.memory_space<vmem>>, vector<1x16xf32>,
      %get3A_1245 = vector.shape_cast %get3A_1244 : vector<1x16xf32> to vector<16xf32>
      %swap3A = arith.constant 1 : i32
      %swap3A_1246 = arith.index_cast %swap3A : i32 to index
      %swap3A_1247 = arith.index_cast %scan3A_1240 : i32 to index
      %swap3A_1248 = arith.constant 0 : index
      %swap3A_1249 = tpu.vector_load %arg7[%swap3A_1246, %swap3A_1247, %swap3A_1248] {strides = array<i32>} : memref<3x24x512xf32, #tpu.memory_space<vmem>>, vector<1x1x16xf32>,
      %swap3A_1250 = vector.shape_cast %swap3A_1249 : vector<1x1x16xf32> to vector<16xf32>
      %swap3A_1251 = vector.shape_cast %get3A_1245 : vector<16xf32> to vector<1x1x16xf32>
      tpu.vector_store %arg7[%swap3A_1246, %swap3A_1247, %swap3A_1248], %swap3A_1251 {strides = array<i32>} : memref<3x24x512xf32, #tpu.memory_space<vmem>>, vector<1x1x16xf32>,
      %add3A_1252 = arith.addi %mul3A_151, %scan3A_1240 : i32
      %get3A_1253 = arith.index_cast %add3A_1252 : i32 to index
      %get3A_1254 = arith.constant 16 : index
      %get3A_1255 = tpu.vector_load %arg5[%get3A_1253, %get3A_1254] {strides = array<i32>} : memref<48x256xf32, #tpu.memory_space<vmem>>, vector<1x16xf32>,
      %get3A_1256 = vector.shape_cast %get3A_1255 : vector<1x16xf32> to vector<16xf32>
      %swap3A_1257 = arith.constant 1 : i32
      %swap3A_1258 = arith.index_cast %swap3A_1257 : i32 to index
      %swap3A_1259 = arith.index_cast %scan3A_1240 : i32 to index
      %swap3A_1260 = arith.constant 16 : index
      %swap3A_1261 = tpu.vector_load %arg7[%swap3A_1258, %swap3A_1259, %swap3A_1260] {strides = array<i32>} : memref<3x24x512xf32, #tpu.memory_space<vmem>>, vector<1x1x16xf32>,
      %swap3A_1262 = vector.shape_cast %swap3A_1261 : vector<1x1x16xf32> to vector<16xf32>
      %swap3A_1263 = vector.shape_cast %get3A_1256 : vector<16xf32> to vector<1x1x16xf32>
      tpu.vector_store %arg7[%swap3A_1258, %swap3A_1259, %swap3A_1260], %swap3A_1263 {strides = array<i32>} : memref<3x24x512xf32, #tpu.memory_space<vmem>>, vector<1x1x16xf32>,
      %add3A_1264 = arith.addi %mul3A_151, %scan3A_1240 : i32
      %get3A_1265 = arith.index_cast %add3A_1264 : i32 to index
      %get3A_1266 = arith.constant 32 : index
      %get3A_1267 = tpu.vector_load %arg5[%get3A_1265, %get3A_1266] {strides = array<i32>} : memref<48x256xf32, #tpu.memory_space<vmem>>, vector<1x16xf32>,
      %get3A_1268 = vector.shape_cast %get3A_1267 : vector<1x16xf32> to vector<16xf32>
      %swap3A_1269 = arith.constant 1 : i32
      %swap3A_1270 = arith.index_cast %swap3A_1269 : i32 to index
      %swap3A_1271 = arith.index_cast %scan3A_1240 : i32 to index
      %swap3A_1272 = arith.constant 32 : index
      %swap3A_1273 = tpu.vector_load %arg7[%swap3A_1270, %swap3A_1271, %swap3A_1272] {strides = array<i32>} : memref<3x24x512xf32, #tpu.memory_space<vmem>>, vector<1x1x16xf32>,
      %swap3A_1274 = vector.shape_cast %swap3A_1273 : vector<1x1x16xf32> to vector<16xf32>
      %swap3A_1275 = vector.shape_cast %get3A_1268 : vector<16xf32> to vector<1x1x16xf32>
      tpu.vector_store %arg7[%swap3A_1270, %swap3A_1271, %swap3A_1272], %swap3A_1275 {strides = array<i32>} : memref<3x24x512xf32, #tpu.memory_space<vmem>>, vector<1x1x16xf32>,
      %add3A_1276 = arith.addi %mul3A_151, %scan3A_1240 : i32
      %get3A_1277 = arith.index_cast %add3A_1276 : i32 to index
      %get3A_1278 = arith.constant 48 : index
      %get3A_1279 = tpu.vector_load %arg5[%get3A_1277, %get3A_1278] {strides = array<i32>} : memref<48x256xf32, #tpu.memory_space<vmem>>, vector<1x16xf32>,
      %get3A_1280 = vector.shape_cast %get3A_1279 : vector<1x16xf32> to vector<16xf32>
      %swap3A_1281 = arith.constant 1 : i32
      %swap3A_1282 = arith.index_cast %swap3A_1281 : i32 to index
      %swap3A_1283 = arith.index_cast %scan3A_1240 : i32 to index
      %swap3A_1284 = arith.constant 48 : index
      %swap3A_1285 = tpu.vector_load %arg7[%swap3A_1282, %swap3A_1283, %swap3A_1284] {strides = array<i32>} : memref<3x24x512xf32, #tpu.memory_space<vmem>>, vector<1x1x16xf32>,
      %swap3A_1286 = vector.shape_cast %swap3A_1285 : vector<1x1x16xf32> to vector<16xf32>
      %swap3A_1287 = vector.shape_cast %get3A_1280 : vector<16xf32> to vector<1x1x16xf32>
      tpu.vector_store %arg7[%swap3A_1282, %swap3A_1283, %swap3A_1284], %swap3A_1287 {strides = array<i32>} : memref<3x24x512xf32, #tpu.memory_space<vmem>>, vector<1x1x16xf32>,
      %add3A_1288 = arith.addi %mul3A_151, %scan3A_1240 : i32
      %get3A_1289 = arith.index_cast %add3A_1288 : i32 to index
      %get3A_1290 = arith.constant 64 : index
      %get3A_1291 = tpu.vector_load %arg5[%get3A_1289, %get3A_1290] {strides = array<i32>} : memref<48x256xf32, #tpu.memory_space<vmem>>, vector<1x16xf32>,
      %get3A_1292 = vector.shape_cast %get3A_1291 : vector<1x16xf32> to vector<16xf32>
      %swap3A_1293 = arith.constant 1 : i32
      %swap3A_1294 = arith.index_cast %swap3A_1293 : i32 to index
      %swap3A_1295 = arith.index_cast %scan3A_1240 : i32 to index
      %swap3A_1296 = arith.constant 64 : index
      %swap3A_1297 = tpu.vector_load %arg7[%swap3A_1294, %swap3A_1295, %swap3A_1296] {strides = array<i32>} : memref<3x24x512xf32, #tpu.memory_space<vmem>>, vector<1x1x16xf32>,
      %swap3A_1298 = vector.shape_cast %swap3A_1297 : vector<1x1x16xf32> to vector<16xf32>
      %swap3A_1299 = vector.shape_cast %get3A_1292 : vector<16xf32> to vector<1x1x16xf32>
      tpu.vector_store %arg7[%swap3A_1294, %swap3A_1295, %swap3A_1296], %swap3A_1299 {strides = array<i32>} : memref<3x24x512xf32, #tpu.memory_space<vmem>>, vector<1x1x16xf32>,
      %add3A_1300 = arith.addi %mul3A_151, %scan3A_1240 : i32
      %get3A_1301 = arith.index_cast %add3A_1300 : i32 to index
      %get3A_1302 = arith.constant 80 : index
      %get3A_1303 = tpu.vector_load %arg5[%get3A_1301, %get3A_1302] {strides = array<i32>} : memref<48x256xf32, #tpu.memory_space<vmem>>, vector<1x16xf32>,
      %get3A_1304 = vector.shape_cast %get3A_1303 : vector<1x16xf32> to vector<16xf32>
      %swap3A_1305 = arith.constant 1 : i32
      %swap3A_1306 = arith.index_cast %swap3A_1305 : i32 to index
      %swap3A_1307 = arith.index_cast %scan3A_1240 : i32 to index
      %swap3A_1308 = arith.constant 80 : index
      %swap3A_1309 = tpu.vector_load %arg7[%swap3A_1306, %swap3A_1307, %swap3A_1308] {strides = array<i32>} : memref<3x24x512xf32, #tpu.memory_space<vmem>>, vector<1x1x16xf32>,
      %swap3A_1310 = vector.shape_cast %swap3A_1309 : vector<1x1x16xf32> to vector<16xf32>
      %swap3A_1311 = vector.shape_cast %get3A_1304 : vector<16xf32> to vector<1x1x16xf32>
      tpu.vector_store %arg7[%swap3A_1306, %swap3A_1307, %swap3A_1308], %swap3A_1311 {strides = array<i32>} : memref<3x24x512xf32, #tpu.memory_space<vmem>>, vector<1x1x16xf32>,
      %add3A_1312 = arith.addi %mul3A_151, %scan3A_1240 : i32
      %get3A_1313 = arith.index_cast %add3A_1312 : i32 to index
      %get3A_1314 = arith.constant 96 : index
      %get3A_1315 = tpu.vector_load %arg5[%get3A_1313, %get3A_1314] {strides = array<i32>} : memref<48x256xf32, #tpu.memory_space<vmem>>, vector<1x16xf32>,
      %get3A_1316 = vector.shape_cast %get3A_1315 : vector<1x16xf32> to vector<16xf32>
      %swap3A_1317 = arith.constant 1 : i32
      %swap3A_1318 = arith.index_cast %swap3A_1317 : i32 to index
      %swap3A_1319 = arith.index_cast %scan3A_1240 : i32 to index
      %swap3A_1320 = arith.constant 96 : index
      %swap3A_1321 = tpu.vector_load %arg7[%swap3A_1318, %swap3A_1319, %swap3A_1320] {strides = array<i32>} : memref<3x24x512xf32, #tpu.memory_space<vmem>>, vector<1x1x16xf32>,
      %swap3A_1322 = vector.shape_cast %swap3A_1321 : vector<1x1x16xf32> to vector<16xf32>
      %swap3A_1323 = vector.shape_cast %get3A_1316 : vector<16xf32> to vector<1x1x16xf32>
      tpu.vector_store %arg7[%swap3A_1318, %swap3A_1319, %swap3A_1320], %swap3A_1323 {strides = array<i32>} : memref<3x24x512xf32, #tpu.memory_space<vmem>>, vector<1x1x16xf32>,
      %add3A_1324 = arith.addi %mul3A_151, %scan3A_1240 : i32
      %get3A_1325 = arith.index_cast %add3A_1324 : i32 to index
      %get3A_1326 = arith.constant 112 : index
      %get3A_1327 = tpu.vector_load %arg5[%get3A_1325, %get3A_1326] {strides = array<i32>} : memref<48x256xf32, #tpu.memory_space<vmem>>, vector<1x16xf32>,
      %get3A_1328 = vector.shape_cast %get3A_1327 : vector<1x16xf32> to vector<16xf32>
      %swap3A_1329 = arith.constant 1 : i32
      %swap3A_1330 = arith.index_cast %swap3A_1329 : i32 to index
      %swap3A_1331 = arith.index_cast %scan3A_1240 : i32 to index
      %swap3A_1332 = arith.constant 112 : index
      %swap3A_1333 = tpu.vector_load %arg7[%swap3A_1330, %swap3A_1331, %swap3A_1332] {strides = array<i32>} : memref<3x24x512xf32, #tpu.memory_space<vmem>>, vector<1x1x16xf32>,
      %swap3A_1334 = vector.shape_cast %swap3A_1333 : vector<1x1x16xf32> to vector<16xf32>
      %swap3A_1335 = vector.shape_cast %get3A_1328 : vector<16xf32> to vector<1x1x16xf32>
      tpu.vector_store %arg7[%swap3A_1330, %swap3A_1331, %swap3A_1332], %swap3A_1335 {strides = array<i32>} : memref<3x24x512xf32, #tpu.memory_space<vmem>>, vector<1x1x16xf32>,
      %add3A_1336 = arith.addi %mul3A_151, %scan3A_1240 : i32
      %get3A_1337 = arith.index_cast %add3A_1336 : i32 to index
      %get3A_1338 = arith.constant 128 : index
      %get3A_1339 = tpu.vector_load %arg5[%get3A_1337, %get3A_1338] {strides = array<i32>} : memref<48x256xf32, #tpu.memory_space<vmem>>, vector<1x16xf32>,
      %get3A_1340 = vector.shape_cast %get3A_1339 : vector<1x16xf32> to vector<16xf32>
      %swap3A_1341 = arith.constant 1 : i32
      %swap3A_1342 = arith.index_cast %swap3A_1341 : i32 to index
      %swap3A_1343 = arith.index_cast %scan3A_1240 : i32 to index
      %swap3A_1344 = arith.constant 128 : index
      %swap3A_1345 = tpu.vector_load %arg7[%swap3A_1342, %swap3A_1343, %swap3A_1344] {strides = array<i32>} : memref<3x24x512xf32, #tpu.memory_space<vmem>>, vector<1x1x16xf32>,
      %swap3A_1346 = vector.shape_cast %swap3A_1345 : vector<1x1x16xf32> to vector<16xf32>
      %swap3A_1347 = vector.shape_cast %get3A_1340 : vector<16xf32> to vector<1x1x16xf32>
      tpu.vector_store %arg7[%swap3A_1342, %swap3A_1343, %swap3A_1344], %swap3A_1347 {strides = array<i32>} : memref<3x24x512xf32, #tpu.memory_space<vmem>>, vector<1x1x16xf32>,
      %add3A_1348 = arith.addi %mul3A_151, %scan3A_1240 : i32
      %get3A_1349 = arith.index_cast %add3A_1348 : i32 to index
      %get3A_1350 = arith.constant 144 : index
      %get3A_1351 = tpu.vector_load %arg5[%get3A_1349, %get3A_1350] {strides = array<i32>} : memref<48x256xf32, #tpu.memory_space<vmem>>, vector<1x16xf32>,
      %get3A_1352 = vector.shape_cast %get3A_1351 : vector<1x16xf32> to vector<16xf32>
      %swap3A_1353 = arith.constant 1 : i32
      %swap3A_1354 = arith.index_cast %swap3A_1353 : i32 to index
      %swap3A_1355 = arith.index_cast %scan3A_1240 : i32 to index
      %swap3A_1356 = arith.constant 144 : index
      %swap3A_1357 = tpu.vector_load %arg7[%swap3A_1354, %swap3A_1355, %swap3A_1356] {strides = array<i32>} : memref<3x24x512xf32, #tpu.memory_space<vmem>>, vector<1x1x16xf32>,
      %swap3A_1358 = vector.shape_cast %swap3A_1357 : vector<1x1x16xf32> to vector<16xf32>
      %swap3A_1359 = vector.shape_cast %get3A_1352 : vector<16xf32> to vector<1x1x16xf32>
      tpu.vector_store %arg7[%swap3A_1354, %swap3A_1355, %swap3A_1356], %swap3A_1359 {strides = array<i32>} : memref<3x24x512xf32, #tpu.memory_space<vmem>>, vector<1x1x16xf32>,
      %add3A_1360 = arith.addi %mul3A_151, %scan3A_1240 : i32
      %get3A_1361 = arith.index_cast %add3A_1360 : i32 to index
      %get3A_1362 = arith.constant 160 : index
      %get3A_1363 = tpu.vector_load %arg5[%get3A_1361, %get3A_1362] {strides = array<i32>} : memref<48x256xf32, #tpu.memory_space<vmem>>, vector<1x16xf32>,
      %get3A_1364 = vector.shape_cast %get3A_1363 : vector<1x16xf32> to vector<16xf32>
      %swap3A_1365 = arith.constant 1 : i32
      %swap3A_1366 = arith.index_cast %swap3A_1365 : i32 to index
      %swap3A_1367 = arith.index_cast %scan3A_1240 : i32 to index
      %swap3A_1368 = arith.constant 160 : index
      %swap3A_1369 = tpu.vector_load %arg7[%swap3A_1366, %swap3A_1367, %swap3A_1368] {strides = array<i32>} : memref<3x24x512xf32, #tpu.memory_space<vmem>>, vector<1x1x16xf32>,
      %swap3A_1370 = vector.shape_cast %swap3A_1369 : vector<1x1x16xf32> to vector<16xf32>
      %swap3A_1371 = vector.shape_cast %get3A_1364 : vector<16xf32> to vector<1x1x16xf32>
      tpu.vector_store %arg7[%swap3A_1366, %swap3A_1367, %swap3A_1368], %swap3A_1371 {strides = array<i32>} : memref<3x24x512xf32, #tpu.memory_space<vmem>>, vector<1x1x16xf32>,
      %add3A_1372 = arith.addi %mul3A_151, %scan3A_1240 : i32
      %get3A_1373 = arith.index_cast %add3A_1372 : i32 to index
      %get3A_1374 = arith.constant 176 : index
      %get3A_1375 = tpu.vector_load %arg5[%get3A_1373, %get3A_1374] {strides = array<i32>} : memref<48x256xf32, #tpu.memory_space<vmem>>, vector<1x16xf32>,
      %get3A_1376 = vector.shape_cast %get3A_1375 : vector<1x16xf32> to vector<16xf32>
      %swap3A_1377 = arith.constant 1 : i32
      %swap3A_1378 = arith.index_cast %swap3A_1377 : i32 to index
      %swap3A_1379 = arith.index_cast %scan3A_1240 : i32 to index
      %swap3A_1380 = arith.constant 176 : index
      %swap3A_1381 = tpu.vector_load %arg7[%swap3A_1378, %swap3A_1379, %swap3A_1380] {strides = array<i32>} : memref<3x24x512xf32, #tpu.memory_space<vmem>>, vector<1x1x16xf32>,
      %swap3A_1382 = vector.shape_cast %swap3A_1381 : vector<1x1x16xf32> to vector<16xf32>
      %swap3A_1383 = vector.shape_cast %get3A_1376 : vector<16xf32> to vector<1x1x16xf32>
      tpu.vector_store %arg7[%swap3A_1378, %swap3A_1379, %swap3A_1380], %swap3A_1383 {strides = array<i32>} : memref<3x24x512xf32, #tpu.memory_space<vmem>>, vector<1x1x16xf32>,
      %add3A_1384 = arith.addi %mul3A_151, %scan3A_1240 : i32
      %get3A_1385 = arith.index_cast %add3A_1384 : i32 to index
      %get3A_1386 = arith.constant 192 : index
      %get3A_1387 = tpu.vector_load %arg5[%get3A_1385, %get3A_1386] {strides = array<i32>} : memref<48x256xf32, #tpu.memory_space<vmem>>, vector<1x16xf32>,
      %get3A_1388 = vector.shape_cast %get3A_1387 : vector<1x16xf32> to vector<16xf32>
      %swap3A_1389 = arith.constant 1 : i32
      %swap3A_1390 = arith.index_cast %swap3A_1389 : i32 to index
      %swap3A_1391 = arith.index_cast %scan3A_1240 : i32 to index
      %swap3A_1392 = arith.constant 192 : index
      %swap3A_1393 = tpu.vector_load %arg7[%swap3A_1390, %swap3A_1391, %swap3A_1392] {strides = array<i32>} : memref<3x24x512xf32, #tpu.memory_space<vmem>>, vector<1x1x16xf32>,
      %swap3A_1394 = vector.shape_cast %swap3A_1393 : vector<1x1x16xf32> to vector<16xf32>
      %swap3A_1395 = vector.shape_cast %get3A_1388 : vector<16xf32> to vector<1x1x16xf32>
      tpu.vector_store %arg7[%swap3A_1390, %swap3A_1391, %swap3A_1392], %swap3A_1395 {strides = array<i32>} : memref<3x24x512xf32, #tpu.memory_space<vmem>>, vector<1x1x16xf32>,
      %add3A_1396 = arith.addi %mul3A_151, %scan3A_1240 : i32
      %get3A_1397 = arith.index_cast %add3A_1396 : i32 to index
      %get3A_1398 = arith.constant 208 : index
      %get3A_1399 = tpu.vector_load %arg5[%get3A_1397, %get3A_1398] {strides = array<i32>} : memref<48x256xf32, #tpu.memory_space<vmem>>, vector<1x16xf32>,
      %get3A_1400 = vector.shape_cast %get3A_1399 : vector<1x16xf32> to vector<16xf32>
      %swap3A_1401 = arith.constant 1 : i32
      %swap3A_1402 = arith.index_cast %swap3A_1401 : i32 to index
      %swap3A_1403 = arith.index_cast %scan3A_1240 : i32 to index
      %swap3A_1404 = arith.constant 208 : index
      %swap3A_1405 = tpu.vector_load %arg7[%swap3A_1402, %swap3A_1403, %swap3A_1404] {strides = array<i32>} : memref<3x24x512xf32, #tpu.memory_space<vmem>>, vector<1x1x16xf32>,
      %swap3A_1406 = vector.shape_cast %swap3A_1405 : vector<1x1x16xf32> to vector<16xf32>
      %swap3A_1407 = vector.shape_cast %get3A_1400 : vector<16xf32> to vector<1x1x16xf32>
      tpu.vector_store %arg7[%swap3A_1402, %swap3A_1403, %swap3A_1404], %swap3A_1407 {strides = array<i32>} : memref<3x24x512xf32, #tpu.memory_space<vmem>>, vector<1x1x16xf32>,
      %add3A_1408 = arith.addi %mul3A_151, %scan3A_1240 : i32
      %get3A_1409 = arith.index_cast %add3A_1408 : i32 to index
      %get3A_1410 = arith.constant 224 : index
      %get3A_1411 = tpu.vector_load %arg5[%get3A_1409, %get3A_1410] {strides = array<i32>} : memref<48x256xf32, #tpu.memory_space<vmem>>, vector<1x16xf32>,
      %get3A_1412 = vector.shape_cast %get3A_1411 : vector<1x16xf32> to vector<16xf32>
      %swap3A_1413 = arith.constant 1 : i32
      %swap3A_1414 = arith.index_cast %swap3A_1413 : i32 to index
      %swap3A_1415 = arith.index_cast %scan3A_1240 : i32 to index
      %swap3A_1416 = arith.constant 224 : index
      %swap3A_1417 = tpu.vector_load %arg7[%swap3A_1414, %swap3A_1415, %swap3A_1416] {strides = array<i32>} : memref<3x24x512xf32, #tpu.memory_space<vmem>>, vector<1x1x16xf32>,
      %swap3A_1418 = vector.shape_cast %swap3A_1417 : vector<1x1x16xf32> to vector<16xf32>
      %swap3A_1419 = vector.shape_cast %get3A_1412 : vector<16xf32> to vector<1x1x16xf32>
      tpu.vector_store %arg7[%swap3A_1414, %swap3A_1415, %swap3A_1416], %swap3A_1419 {strides = array<i32>} : memref<3x24x512xf32, #tpu.memory_space<vmem>>, vector<1x1x16xf32>,
      %add3A_1420 = arith.addi %mul3A_151, %scan3A_1240 : i32
      %get3A_1421 = arith.index_cast %add3A_1420 : i32 to index
      %get3A_1422 = arith.constant 240 : index
      %get3A_1423 = tpu.vector_load %arg5[%get3A_1421, %get3A_1422] {strides = array<i32>} : memref<48x256xf32, #tpu.memory_space<vmem>>, vector<1x16xf32>,
      %get3A_1424 = vector.shape_cast %get3A_1423 : vector<1x16xf32> to vector<16xf32>
      %swap3A_1425 = arith.constant 1 : i32
      %swap3A_1426 = arith.index_cast %swap3A_1425 : i32 to index
      %swap3A_1427 = arith.index_cast %scan3A_1240 : i32 to index
      %swap3A_1428 = arith.constant 240 : index
      %swap3A_1429 = tpu.vector_load %arg7[%swap3A_1426, %swap3A_1427, %swap3A_1428] {strides = array<i32>} : memref<3x24x512xf32, #tpu.memory_space<vmem>>, vector<1x1x16xf32>,
      %swap3A_1430 = vector.shape_cast %swap3A_1429 : vector<1x1x16xf32> to vector<16xf32>
      %swap3A_1431 = vector.shape_cast %get3A_1424 : vector<16xf32> to vector<1x1x16xf32>
      tpu.vector_store %arg7[%swap3A_1426, %swap3A_1427, %swap3A_1428], %swap3A_1431 {strides = array<i32>} : memref<3x24x512xf32, #tpu.memory_space<vmem>>, vector<1x1x16xf32>,
      %swap3A_1432 = arith.constant 1 : i32
      %swap3A_1433 = arith.index_cast %swap3A_1432 : i32 to index
      %swap3A_1434 = arith.index_cast %scan3A_1240 : i32 to index
      %swap3A_1435 = arith.constant 256 : index
      %swap3A_1436 = tpu.vector_load %arg7[%swap3A_1433, %swap3A_1434, %swap3A_1435] {strides = array<i32>} : memref<3x24x512xf32, #tpu.memory_space<vmem>>, vector<1x1x16xf32>,
      %swap3A_1437 = vector.shape_cast %swap3A_1436 : vector<1x1x16xf32> to vector<16xf32>
      %swap3A_1438 = vector.shape_cast %get3A_155 : vector<16xf32> to vector<1x1x16xf32>
      tpu.vector_store %arg7[%swap3A_1433, %swap3A_1434, %swap3A_1435], %swap3A_1438 {strides = array<i32>} : memref<3x24x512xf32, #tpu.memory_space<vmem>>, vector<1x1x16xf32>,
      %swap3A_1439 = arith.constant 1 : i32
      %swap3A_1440 = arith.index_cast %swap3A_1439 : i32 to index
      %swap3A_1441 = arith.index_cast %scan3A_1240 : i32 to index
      %swap3A_1442 = arith.constant 272 : index
      %swap3A_1443 = tpu.vector_load %arg7[%swap3A_1440, %swap3A_1441, %swap3A_1442] {strides = array<i32>} : memref<3x24x512xf32, #tpu.memory_space<vmem>>, vector<1x1x16xf32>,
      %swap3A_1444 = vector.shape_cast %swap3A_1443 : vector<1x1x16xf32> to vector<16xf32>
      %swap3A_1445 = vector.shape_cast %get3A_159 : vector<16xf32> to vector<1x1x16xf32>
      tpu.vector_store %arg7[%swap3A_1440, %swap3A_1441, %swap3A_1442], %swap3A_1445 {strides = array<i32>} : memref<3x24x512xf32, #tpu.memory_space<vmem>>, vector<1x1x16xf32>,
      %swap3A_1446 = arith.constant 1 : i32
      %swap3A_1447 = arith.index_cast %swap3A_1446 : i32 to index
      %swap3A_1448 = arith.index_cast %scan3A_1240 : i32 to index
      %swap3A_1449 = arith.constant 288 : index
      %swap3A_1450 = tpu.vector_load %arg7[%swap3A_1447, %swap3A_1448, %swap3A_1449] {strides = array<i32>} : memref<3x24x512xf32, #tpu.memory_space<vmem>>, vector<1x1x16xf32>,
      %swap3A_1451 = vector.shape_cast %swap3A_1450 : vector<1x1x16xf32> to vector<16xf32>
      %swap3A_1452 = vector.shape_cast %get3A_163 : vector<16xf32> to vector<1x1x16xf32>
      tpu.vector_store %arg7[%swap3A_1447, %swap3A_1448, %swap3A_1449], %swap3A_1452 {strides = array<i32>} : memref<3x24x512xf32, #tpu.memory_space<vmem>>, vector<1x1x16xf32>,
      %swap3A_1453 = arith.constant 1 : i32
      %swap3A_1454 = arith.index_cast %swap3A_1453 : i32 to index
      %swap3A_1455 = arith.index_cast %scan3A_1240 : i32 to index
      %swap3A_1456 = arith.constant 304 : index
      %swap3A_1457 = tpu.vector_load %arg7[%swap3A_1454, %swap3A_1455, %swap3A_1456] {strides = array<i32>} : memref<3x24x512xf32, #tpu.memory_space<vmem>>, vector<1x1x16xf32>,
      %swap3A_1458 = vector.shape_cast %swap3A_1457 : vector<1x1x16xf32> to vector<16xf32>
      %swap3A_1459 = vector.shape_cast %get3A_167 : vector<16xf32> to vector<1x1x16xf32>
      tpu.vector_store %arg7[%swap3A_1454, %swap3A_1455, %swap3A_1456], %swap3A_1459 {strides = array<i32>} : memref<3x24x512xf32, #tpu.memory_space<vmem>>, vector<1x1x16xf32>,
      %swap3A_1460 = arith.constant 1 : i32
      %swap3A_1461 = arith.index_cast %swap3A_1460 : i32 to index
      %swap3A_1462 = arith.index_cast %scan3A_1240 : i32 to index
      %swap3A_1463 = arith.constant 320 : index
      %swap3A_1464 = tpu.vector_load %arg7[%swap3A_1461, %swap3A_1462, %swap3A_1463] {strides = array<i32>} : memref<3x24x512xf32, #tpu.memory_space<vmem>>, vector<1x1x16xf32>,
      %swap3A_1465 = vector.shape_cast %swap3A_1464 : vector<1x1x16xf32> to vector<16xf32>
      %swap3A_1466 = vector.shape_cast %get3A_171 : vector<16xf32> to vector<1x1x16xf32>
      tpu.vector_store %arg7[%swap3A_1461, %swap3A_1462, %swap3A_1463], %swap3A_1466 {strides = array<i32>} : memref<3x24x512xf32, #tpu.memory_space<vmem>>, vector<1x1x16xf32>,
      %swap3A_1467 = arith.constant 1 : i32
      %swap3A_1468 = arith.index_cast %swap3A_1467 : i32 to index
      %swap3A_1469 = arith.index_cast %scan3A_1240 : i32 to index
      %swap3A_1470 = arith.constant 336 : index
      %swap3A_1471 = tpu.vector_load %arg7[%swap3A_1468, %swap3A_1469, %swap3A_1470] {strides = array<i32>} : memref<3x24x512xf32, #tpu.memory_space<vmem>>, vector<1x1x16xf32>,
      %swap3A_1472 = vector.shape_cast %swap3A_1471 : vector<1x1x16xf32> to vector<16xf32>
      %swap3A_1473 = vector.shape_cast %get3A_175 : vector<16xf32> to vector<1x1x16xf32>
      tpu.vector_store %arg7[%swap3A_1468, %swap3A_1469, %swap3A_1470], %swap3A_1473 {strides = array<i32>} : memref<3x24x512xf32, #tpu.memory_space<vmem>>, vector<1x1x16xf32>,
      %swap3A_1474 = arith.constant 1 : i32
      %swap3A_1475 = arith.index_cast %swap3A_1474 : i32 to index
      %swap3A_1476 = arith.index_cast %scan3A_1240 : i32 to index
      %swap3A_1477 = arith.constant 352 : index
      %swap3A_1478 = tpu.vector_load %arg7[%swap3A_1475, %swap3A_1476, %swap3A_1477] {strides = array<i32>} : memref<3x24x512xf32, #tpu.memory_space<vmem>>, vector<1x1x16xf32>,
      %swap3A_1479 = vector.shape_cast %swap3A_1478 : vector<1x1x16xf32> to vector<16xf32>
      %swap3A_1480 = vector.shape_cast %get3A_179 : vector<16xf32> to vector<1x1x16xf32>
      tpu.vector_store %arg7[%swap3A_1475, %swap3A_1476, %swap3A_1477], %swap3A_1480 {strides = array<i32>} : memref<3x24x512xf32, #tpu.memory_space<vmem>>, vector<1x1x16xf32>,
      %swap3A_1481 = arith.constant 1 : i32
      %swap3A_1482 = arith.index_cast %swap3A_1481 : i32 to index
      %swap3A_1483 = arith.index_cast %scan3A_1240 : i32 to index
      %swap3A_1484 = arith.constant 368 : index
      %swap3A_1485 = tpu.vector_load %arg7[%swap3A_1482, %swap3A_1483, %swap3A_1484] {strides = array<i32>} : memref<3x24x512xf32, #tpu.memory_space<vmem>>, vector<1x1x16xf32>,
      %swap3A_1486 = vector.shape_cast %swap3A_1485 : vector<1x1x16xf32> to vector<16xf32>
      %swap3A_1487 = vector.shape_cast %get3A_183 : vector<16xf32> to vector<1x1x16xf32>
      tpu.vector_store %arg7[%swap3A_1482, %swap3A_1483, %swap3A_1484], %swap3A_1487 {strides = array<i32>} : memref<3x24x512xf32, #tpu.memory_space<vmem>>, vector<1x1x16xf32>,
      %swap3A_1488 = arith.constant 1 : i32
      %swap3A_1489 = arith.index_cast %swap3A_1488 : i32 to index
      %swap3A_1490 = arith.index_cast %scan3A_1240 : i32 to index
      %swap3A_1491 = arith.constant 384 : index
      %swap3A_1492 = tpu.vector_load %arg7[%swap3A_1489, %swap3A_1490, %swap3A_1491] {strides = array<i32>} : memref<3x24x512xf32, #tpu.memory_space<vmem>>, vector<1x1x16xf32>,
      %swap3A_1493 = vector.shape_cast %swap3A_1492 : vector<1x1x16xf32> to vector<16xf32>
      %swap3A_1494 = vector.shape_cast %get3A_187 : vector<16xf32> to vector<1x1x16xf32>
      tpu.vector_store %arg7[%swap3A_1489, %swap3A_1490, %swap3A_1491], %swap3A_1494 {strides = array<i32>} : memref<3x24x512xf32, #tpu.memory_space<vmem>>, vector<1x1x16xf32>,
      %swap3A_1495 = arith.constant 1 : i32
      %swap3A_1496 = arith.index_cast %swap3A_1495 : i32 to index
      %swap3A_1497 = arith.index_cast %scan3A_1240 : i32 to index
      %swap3A_1498 = arith.constant 400 : index
      %swap3A_1499 = tpu.vector_load %arg7[%swap3A_1496, %swap3A_1497, %swap3A_1498] {strides = array<i32>} : memref<3x24x512xf32, #tpu.memory_space<vmem>>, vector<1x1x16xf32>,
      %swap3A_1500 = vector.shape_cast %swap3A_1499 : vector<1x1x16xf32> to vector<16xf32>
      %swap3A_1501 = vector.shape_cast %get3A_191 : vector<16xf32> to vector<1x1x16xf32>
      tpu.vector_store %arg7[%swap3A_1496, %swap3A_1497, %swap3A_1498], %swap3A_1501 {strides = array<i32>} : memref<3x24x512xf32, #tpu.memory_space<vmem>>, vector<1x1x16xf32>,
      %swap3A_1502 = arith.constant 1 : i32
      %swap3A_1503 = arith.index_cast %swap3A_1502 : i32 to index
      %swap3A_1504 = arith.index_cast %scan3A_1240 : i32 to index
      %swap3A_1505 = arith.constant 416 : index
      %swap3A_1506 = tpu.vector_load %arg7[%swap3A_1503, %swap3A_1504, %swap3A_1505] {strides = array<i32>} : memref<3x24x512xf32, #tpu.memory_space<vmem>>, vector<1x1x16xf32>,
      %swap3A_1507 = vector.shape_cast %swap3A_1506 : vector<1x1x16xf32> to vector<16xf32>
      %swap3A_1508 = vector.shape_cast %get3A_195 : vector<16xf32> to vector<1x1x16xf32>
      tpu.vector_store %arg7[%swap3A_1503, %swap3A_1504, %swap3A_1505], %swap3A_1508 {strides = array<i32>} : memref<3x24x512xf32, #tpu.memory_space<vmem>>, vector<1x1x16xf32>,
      %swap3A_1509 = arith.constant 1 : i32
      %swap3A_1510 = arith.index_cast %swap3A_1509 : i32 to index
      %swap3A_1511 = arith.index_cast %scan3A_1240 : i32 to index
      %swap3A_1512 = arith.constant 432 : index
      %swap3A_1513 = tpu.vector_load %arg7[%swap3A_1510, %swap3A_1511, %swap3A_1512] {strides = array<i32>} : memref<3x24x512xf32, #tpu.memory_space<vmem>>, vector<1x1x16xf32>,
      %swap3A_1514 = vector.shape_cast %swap3A_1513 : vector<1x1x16xf32> to vector<16xf32>
      %swap3A_1515 = vector.shape_cast %get3A_199 : vector<16xf32> to vector<1x1x16xf32>
      tpu.vector_store %arg7[%swap3A_1510, %swap3A_1511, %swap3A_1512], %swap3A_1515 {strides = array<i32>} : memref<3x24x512xf32, #tpu.memory_space<vmem>>, vector<1x1x16xf32>,
      %swap3A_1516 = arith.constant 1 : i32
      %swap3A_1517 = arith.index_cast %swap3A_1516 : i32 to index
      %swap3A_1518 = arith.index_cast %scan3A_1240 : i32 to index
      %swap3A_1519 = arith.constant 448 : index
      %swap3A_1520 = tpu.vector_load %arg7[%swap3A_1517, %swap3A_1518, %swap3A_1519] {strides = array<i32>} : memref<3x24x512xf32, #tpu.memory_space<vmem>>, vector<1x1x16xf32>,
      %swap3A_1521 = vector.shape_cast %swap3A_1520 : vector<1x1x16xf32> to vector<16xf32>
      %swap3A_1522 = vector.shape_cast %get3A_203 : vector<16xf32> to vector<1x1x16xf32>
      tpu.vector_store %arg7[%swap3A_1517, %swap3A_1518, %swap3A_1519], %swap3A_1522 {strides = array<i32>} : memref<3x24x512xf32, #tpu.memory_space<vmem>>, vector<1x1x16xf32>,
      %swap3A_1523 = arith.constant 1 : i32
      %swap3A_1524 = arith.index_cast %swap3A_1523 : i32 to index
      %swap3A_1525 = arith.index_cast %scan3A_1240 : i32 to index
      %swap3A_1526 = arith.constant 464 : index
      %swap3A_1527 = tpu.vector_load %arg7[%swap3A_1524, %swap3A_1525, %swap3A_1526] {strides = array<i32>} : memref<3x24x512xf32, #tpu.memory_space<vmem>>, vector<1x1x16xf32>,
      %swap3A_1528 = vector.shape_cast %swap3A_1527 : vector<1x1x16xf32> to vector<16xf32>
      %swap3A_1529 = vector.shape_cast %get3A_207 : vector<16xf32> to vector<1x1x16xf32>
      tpu.vector_store %arg7[%swap3A_1524, %swap3A_1525, %swap3A_1526], %swap3A_1529 {strides = array<i32>} : memref<3x24x512xf32, #tpu.memory_space<vmem>>, vector<1x1x16xf32>,
      %swap3A_1530 = arith.constant 1 : i32
      %swap3A_1531 = arith.index_cast %swap3A_1530 : i32 to index
      %swap3A_1532 = arith.index_cast %scan3A_1240 : i32 to index
      %swap3A_1533 = arith.constant 480 : index
      %swap3A_1534 = tpu.vector_load %arg7[%swap3A_1531, %swap3A_1532, %swap3A_1533] {strides = array<i32>} : memref<3x24x512xf32, #tpu.memory_space<vmem>>, vector<1x1x16xf32>,
      %swap3A_1535 = vector.shape_cast %swap3A_1534 : vector<1x1x16xf32> to vector<16xf32>
      %swap3A_1536 = vector.shape_cast %get3A_211 : vector<16xf32> to vector<1x1x16xf32>
      tpu.vector_store %arg7[%swap3A_1531, %swap3A_1532, %swap3A_1533], %swap3A_1536 {strides = array<i32>} : memref<3x24x512xf32, #tpu.memory_space<vmem>>, vector<1x1x16xf32>,
      %swap3A_1537 = arith.constant 1 : i32
      %swap3A_1538 = arith.index_cast %swap3A_1537 : i32 to index
      %swap3A_1539 = arith.index_cast %scan3A_1240 : i32 to index
      %swap3A_1540 = arith.constant 496 : index
      %swap3A_1541 = tpu.vector_load %arg7[%swap3A_1538, %swap3A_1539, %swap3A_1540] {strides = array<i32>} : memref<3x24x512xf32, #tpu.memory_space<vmem>>, vector<1x1x16xf32>,
      %swap3A_1542 = vector.shape_cast %swap3A_1541 : vector<1x1x16xf32> to vector<16xf32>
      %swap3A_1543 = vector.shape_cast %get3A_215 : vector<16xf32> to vector<1x1x16xf32>
      tpu.vector_store %arg7[%swap3A_1538, %swap3A_1539, %swap3A_1540], %swap3A_1543 {strides = array<i32>} : memref<3x24x512xf32, #tpu.memory_space<vmem>>, vector<1x1x16xf32>,
    }
    %scan3A_220 = arith.constant 24 : i32
    %add3A_221 = arith.constant 2 : i32
    %add3A_222 = arith.addi %mul3A_2, %add3A_221 : i32
    %jit3A_223 = arith.constant 2 : i32
    %div3A_224 = arith.divsi %add3A_222, %jit3A_223 : i32
    %sign3A_225 = arith.constant 0 : i32
    %sign3A_226 = arith.cmpi sgt, %add3A_222, %sign3A_225 : i32
    %sign3A_227 = arith.extui %sign3A_226 : i1 to i32
    %sign3A_228 = arith.constant 0 : i32
    %sign3A_229 = arith.cmpi slt, %add3A_222, %sign3A_228 : i32
    %sign3A_230 = arith.extui %sign3A_229 : i1 to i32
    %sign3A_231 = arith.subi %sign3A_227, %sign3A_230 : i32
    %sign3A_232 = arith.constant 0 : i32
    %sign3A_233 = arith.cmpi sgt, %jit3A_223, %sign3A_232 : i32
    %sign3A_234 = arith.extui %sign3A_233 : i1 to i32
    %sign3A_235 = arith.constant 0 : i32
    %sign3A_236 = arith.cmpi slt, %jit3A_223, %sign3A_235 : i32
    %sign3A_237 = arith.extui %sign3A_236 : i1 to i32
    %sign3A_238 = arith.subi %sign3A_234, %sign3A_237 : i32
    %ne3A_239 = arith.cmpi ne, %sign3A_231, %sign3A_238 : i32
    %rem3A_240 = arith.remsi %add3A_222, %jit3A_223 : i32
    %ne3A_241 = arith.constant 0 : i32
    %ne3A_242 = arith.cmpi ne, %rem3A_240, %ne3A_241 : i32
    %and3A_243 = arith.andi %ne3A_239, %ne3A_242 : i1
    %sub3A_244 = arith.constant 1 : i32
    %sub3A_245 = arith.subi %div3A_224, %sub3A_244 : i32
    %select_n3A_246 = arith.select %and3A_243, %sub3A_245, %div3A_224 : i32
    %add3A_247 = arith.constant 2 : i32
    %add3A_248 = arith.addi %mul3A_2, %add3A_247 : i32
    %jit3A_249 = arith.constant 2 : i32
    %eq3A_250 = arith.constant 0 : i32
    %eq3A_251 = arith.cmpi eq, %jit3A_249, %eq3A_250 : i32
    %jit3A_252 = arith.constant 1 : i32
    %select_n3A_253 = arith.select %eq3A_251, %jit3A_252, %jit3A_249 : i32
    %rem3A_254 = arith.remsi %add3A_248, %select_n3A_253 : i32
    %ne3A_255 = arith.constant 0 : i32
    %ne3A_256 = arith.cmpi ne, %rem3A_254, %ne3A_255 : i32
    %lt3A_257 = arith.constant 0 : i32
    %lt3A_258 = arith.cmpi slt, %rem3A_254, %lt3A_257 : i32
    %lt3A_259 = arith.constant 0 : i32
    %lt3A_260 = arith.cmpi slt, %select_n3A_253, %lt3A_259 : i32
    %ne3A_261 = arith.xori %lt3A_258, %lt3A_260 : i1
    %and3A_262 = arith.andi %ne3A_261, %ne3A_256 : i1
    %add3A_263 = arith.addi %rem3A_254, %select_n3A_253 : i32
    %select_n3A_264 = arith.select %and3A_262, %add3A_263, %rem3A_254 : i32
    %mul3A_265 = arith.constant 24 : i32
    %mul3A_266 = arith.muli %select_n3A_264, %mul3A_265 : i32
    %get3A_267 = arith.index_cast %select_n3A_246 : i32 to index
    %get3A_268 = arith.constant 0 : index
    %get3A_269 = tpu.vector_load %arg6[%get3A_267, %get3A_268] {strides = array<i32>} : memref<48x256xf32, #tpu.memory_space<vmem>>, vector<1x16xf32>,
    %get3A_270 = vector.shape_cast %get3A_269 : vector<1x16xf32> to vector<16xf32>
    %get3A_271 = arith.index_cast %select_n3A_246 : i32 to index
    %get3A_272 = arith.constant 16 : index
    %get3A_273 = tpu.vector_load %arg6[%get3A_271, %get3A_272] {strides = array<i32>} : memref<48x256xf32, #tpu.memory_space<vmem>>, vector<1x16xf32>,
    %get3A_274 = vector.shape_cast %get3A_273 : vector<1x16xf32> to vector<16xf32>
    %get3A_275 = arith.index_cast %select_n3A_246 : i32 to index
    %get3A_276 = arith.constant 32 : index
    %get3A_277 = tpu.vector_load %arg6[%get3A_275, %get3A_276] {strides = array<i32>} : memref<48x256xf32, #tpu.memory_space<vmem>>, vector<1x16xf32>,
    %get3A_278 = vector.shape_cast %get3A_277 : vector<1x16xf32> to vector<16xf32>
    %get3A_279 = arith.index_cast %select_n3A_246 : i32 to index
    %get3A_280 = arith.constant 48 : index
    %get3A_281 = tpu.vector_load %arg6[%get3A_279, %get3A_280] {strides = array<i32>} : memref<48x256xf32, #tpu.memory_space<vmem>>, vector<1x16xf32>,
    %get3A_282 = vector.shape_cast %get3A_281 : vector<1x16xf32> to vector<16xf32>
    %get3A_283 = arith.index_cast %select_n3A_246 : i32 to index
    %get3A_284 = arith.constant 64 : index
    %get3A_285 = tpu.vector_load %arg6[%get3A_283, %get3A_284] {strides = array<i32>} : memref<48x256xf32, #tpu.memory_space<vmem>>, vector<1x16xf32>,
    %get3A_286 = vector.shape_cast %get3A_285 : vector<1x16xf32> to vector<16xf32>
    %get3A_287 = arith.index_cast %select_n3A_246 : i32 to index
    %get3A_288 = arith.constant 80 : index
    %get3A_289 = tpu.vector_load %arg6[%get3A_287, %get3A_288] {strides = array<i32>} : memref<48x256xf32, #tpu.memory_space<vmem>>, vector<1x16xf32>,
    %get3A_290 = vector.shape_cast %get3A_289 : vector<1x16xf32> to vector<16xf32>
    %get3A_291 = arith.index_cast %select_n3A_246 : i32 to index
    %get3A_292 = arith.constant 96 : index
    %get3A_293 = tpu.vector_load %arg6[%get3A_291, %get3A_292] {strides = array<i32>} : memref<48x256xf32, #tpu.memory_space<vmem>>, vector<1x16xf32>,
    %get3A_294 = vector.shape_cast %get3A_293 : vector<1x16xf32> to vector<16xf32>
    %get3A_295 = arith.index_cast %select_n3A_246 : i32 to index
    %get3A_296 = arith.constant 112 : index
    %get3A_297 = tpu.vector_load %arg6[%get3A_295, %get3A_296] {strides = array<i32>} : memref<48x256xf32, #tpu.memory_space<vmem>>, vector<1x16xf32>,
    %get3A_298 = vector.shape_cast %get3A_297 : vector<1x16xf32> to vector<16xf32>
    %get3A_299 = arith.index_cast %select_n3A_246 : i32 to index
    %get3A_300 = arith.constant 128 : index
    %get3A_301 = tpu.vector_load %arg6[%get3A_299, %get3A_300] {strides = array<i32>} : memref<48x256xf32, #tpu.memory_space<vmem>>, vector<1x16xf32>,
    %get3A_302 = vector.shape_cast %get3A_301 : vector<1x16xf32> to vector<16xf32>
    %get3A_303 = arith.index_cast %select_n3A_246 : i32 to index
    %get3A_304 = arith.constant 144 : index
    %get3A_305 = tpu.vector_load %arg6[%get3A_303, %get3A_304] {strides = array<i32>} : memref<48x256xf32, #tpu.memory_space<vmem>>, vector<1x16xf32>,
    %get3A_306 = vector.shape_cast %get3A_305 : vector<1x16xf32> to vector<16xf32>
    %get3A_307 = arith.index_cast %select_n3A_246 : i32 to index
    %get3A_308 = arith.constant 160 : index
    %get3A_309 = tpu.vector_load %arg6[%get3A_307, %get3A_308] {strides = array<i32>} : memref<48x256xf32, #tpu.memory_space<vmem>>, vector<1x16xf32>,
    %get3A_310 = vector.shape_cast %get3A_309 : vector<1x16xf32> to vector<16xf32>
    %get3A_311 = arith.index_cast %select_n3A_246 : i32 to index
    %get3A_312 = arith.constant 176 : index
    %get3A_313 = tpu.vector_load %arg6[%get3A_311, %get3A_312] {strides = array<i32>} : memref<48x256xf32, #tpu.memory_space<vmem>>, vector<1x16xf32>,
    %get3A_314 = vector.shape_cast %get3A_313 : vector<1x16xf32> to vector<16xf32>
    %get3A_315 = arith.index_cast %select_n3A_246 : i32 to index
    %get3A_316 = arith.constant 192 : index
    %get3A_317 = tpu.vector_load %arg6[%get3A_315, %get3A_316] {strides = array<i32>} : memref<48x256xf32, #tpu.memory_space<vmem>>, vector<1x16xf32>,
    %get3A_318 = vector.shape_cast %get3A_317 : vector<1x16xf32> to vector<16xf32>
    %get3A_319 = arith.index_cast %select_n3A_246 : i32 to index
    %get3A_320 = arith.constant 208 : index
    %get3A_321 = tpu.vector_load %arg6[%get3A_319, %get3A_320] {strides = array<i32>} : memref<48x256xf32, #tpu.memory_space<vmem>>, vector<1x16xf32>,
    %get3A_322 = vector.shape_cast %get3A_321 : vector<1x16xf32> to vector<16xf32>
    %get3A_323 = arith.index_cast %select_n3A_246 : i32 to index
    %get3A_324 = arith.constant 224 : index
    %get3A_325 = tpu.vector_load %arg6[%get3A_323, %get3A_324] {strides = array<i32>} : memref<48x256xf32, #tpu.memory_space<vmem>>, vector<1x16xf32>,
    %get3A_326 = vector.shape_cast %get3A_325 : vector<1x16xf32> to vector<16xf32>
    %get3A_327 = arith.index_cast %select_n3A_246 : i32 to index
    %get3A_328 = arith.constant 240 : index
    %get3A_329 = tpu.vector_load %arg6[%get3A_327, %get3A_328] {strides = array<i32>} : memref<48x256xf32, #tpu.memory_space<vmem>>, vector<1x16xf32>,
    %get3A_330 = vector.shape_cast %get3A_329 : vector<1x16xf32> to vector<16xf32>
    %scan3A_331 = arith.constant 0 : i32
    %scan3A_332 = arith.constant 24 : i32
    %scan3A_333 = arith.addi %scan3A_331, %scan3A_332 : i32
    %scan3A_334 = arith.constant 1 : i32
    scf.for %scan3A_1240 = %scan3A_331 to %scan3A_333 step %scan3A_334  : i32 {
      %add3A_1241 = arith.addi %mul3A_266, %scan3A_1240 : i32
      %get3A_1242 = arith.index_cast %add3A_1241 : i32 to index
      %get3A_1243 = arith.constant 0 : index
      %get3A_1244 = tpu.vector_load %arg5[%get3A_1242, %get3A_1243] {strides = array<i32>} : memref<48x256xf32, #tpu.memory_space<vmem>>, vector<1x16xf32>,
      %get3A_1245 = vector.shape_cast %get3A_1244 : vector<1x16xf32> to vector<16xf32>
      %swap3A = arith.constant 2 : i32
      %swap3A_1246 = arith.index_cast %swap3A : i32 to index
      %swap3A_1247 = arith.index_cast %scan3A_1240 : i32 to index
      %swap3A_1248 = arith.constant 0 : index
      %swap3A_1249 = tpu.vector_load %arg7[%swap3A_1246, %swap3A_1247, %swap3A_1248] {strides = array<i32>} : memref<3x24x512xf32, #tpu.memory_space<vmem>>, vector<1x1x16xf32>,
      %swap3A_1250 = vector.shape_cast %swap3A_1249 : vector<1x1x16xf32> to vector<16xf32>
      %swap3A_1251 = vector.shape_cast %get3A_1245 : vector<16xf32> to vector<1x1x16xf32>
      tpu.vector_store %arg7[%swap3A_1246, %swap3A_1247, %swap3A_1248], %swap3A_1251 {strides = array<i32>} : memref<3x24x512xf32, #tpu.memory_space<vmem>>, vector<1x1x16xf32>,
      %add3A_1252 = arith.addi %mul3A_266, %scan3A_1240 : i32
      %get3A_1253 = arith.index_cast %add3A_1252 : i32 to index
      %get3A_1254 = arith.constant 16 : index
      %get3A_1255 = tpu.vector_load %arg5[%get3A_1253, %get3A_1254] {strides = array<i32>} : memref<48x256xf32, #tpu.memory_space<vmem>>, vector<1x16xf32>,
      %get3A_1256 = vector.shape_cast %get3A_1255 : vector<1x16xf32> to vector<16xf32>
      %swap3A_1257 = arith.constant 2 : i32
      %swap3A_1258 = arith.index_cast %swap3A_1257 : i32 to index
      %swap3A_1259 = arith.index_cast %scan3A_1240 : i32 to index
      %swap3A_1260 = arith.constant 16 : index
      %swap3A_1261 = tpu.vector_load %arg7[%swap3A_1258, %swap3A_1259, %swap3A_1260] {strides = array<i32>} : memref<3x24x512xf32, #tpu.memory_space<vmem>>, vector<1x1x16xf32>,
      %swap3A_1262 = vector.shape_cast %swap3A_1261 : vector<1x1x16xf32> to vector<16xf32>
      %swap3A_1263 = vector.shape_cast %get3A_1256 : vector<16xf32> to vector<1x1x16xf32>
      tpu.vector_store %arg7[%swap3A_1258, %swap3A_1259, %swap3A_1260], %swap3A_1263 {strides = array<i32>} : memref<3x24x512xf32, #tpu.memory_space<vmem>>, vector<1x1x16xf32>,
      %add3A_1264 = arith.addi %mul3A_266, %scan3A_1240 : i32
      %get3A_1265 = arith.index_cast %add3A_1264 : i32 to index
      %get3A_1266 = arith.constant 32 : index
      %get3A_1267 = tpu.vector_load %arg5[%get3A_1265, %get3A_1266] {strides = array<i32>} : memref<48x256xf32, #tpu.memory_space<vmem>>, vector<1x16xf32>,
      %get3A_1268 = vector.shape_cast %get3A_1267 : vector<1x16xf32> to vector<16xf32>
      %swap3A_1269 = arith.constant 2 : i32
      %swap3A_1270 = arith.index_cast %swap3A_1269 : i32 to index
      %swap3A_1271 = arith.index_cast %scan3A_1240 : i32 to index
      %swap3A_1272 = arith.constant 32 : index
      %swap3A_1273 = tpu.vector_load %arg7[%swap3A_1270, %swap3A_1271, %swap3A_1272] {strides = array<i32>} : memref<3x24x512xf32, #tpu.memory_space<vmem>>, vector<1x1x16xf32>,
      %swap3A_1274 = vector.shape_cast %swap3A_1273 : vector<1x1x16xf32> to vector<16xf32>
      %swap3A_1275 = vector.shape_cast %get3A_1268 : vector<16xf32> to vector<1x1x16xf32>
      tpu.vector_store %arg7[%swap3A_1270, %swap3A_1271, %swap3A_1272], %swap3A_1275 {strides = array<i32>} : memref<3x24x512xf32, #tpu.memory_space<vmem>>, vector<1x1x16xf32>,
      %add3A_1276 = arith.addi %mul3A_266, %scan3A_1240 : i32
      %get3A_1277 = arith.index_cast %add3A_1276 : i32 to index
      %get3A_1278 = arith.constant 48 : index
      %get3A_1279 = tpu.vector_load %arg5[%get3A_1277, %get3A_1278] {strides = array<i32>} : memref<48x256xf32, #tpu.memory_space<vmem>>, vector<1x16xf32>,
      %get3A_1280 = vector.shape_cast %get3A_1279 : vector<1x16xf32> to vector<16xf32>
      %swap3A_1281 = arith.constant 2 : i32
      %swap3A_1282 = arith.index_cast %swap3A_1281 : i32 to index
      %swap3A_1283 = arith.index_cast %scan3A_1240 : i32 to index
      %swap3A_1284 = arith.constant 48 : index
      %swap3A_1285 = tpu.vector_load %arg7[%swap3A_1282, %swap3A_1283, %swap3A_1284] {strides = array<i32>} : memref<3x24x512xf32, #tpu.memory_space<vmem>>, vector<1x1x16xf32>,
      %swap3A_1286 = vector.shape_cast %swap3A_1285 : vector<1x1x16xf32> to vector<16xf32>
      %swap3A_1287 = vector.shape_cast %get3A_1280 : vector<16xf32> to vector<1x1x16xf32>
      tpu.vector_store %arg7[%swap3A_1282, %swap3A_1283, %swap3A_1284], %swap3A_1287 {strides = array<i32>} : memref<3x24x512xf32, #tpu.memory_space<vmem>>, vector<1x1x16xf32>,
      %add3A_1288 = arith.addi %mul3A_266, %scan3A_1240 : i32
      %get3A_1289 = arith.index_cast %add3A_1288 : i32 to index
      %get3A_1290 = arith.constant 64 : index
      %get3A_1291 = tpu.vector_load %arg5[%get3A_1289, %get3A_1290] {strides = array<i32>} : memref<48x256xf32, #tpu.memory_space<vmem>>, vector<1x16xf32>,
      %get3A_1292 = vector.shape_cast %get3A_1291 : vector<1x16xf32> to vector<16xf32>
      %swap3A_1293 = arith.constant 2 : i32
      %swap3A_1294 = arith.index_cast %swap3A_1293 : i32 to index
      %swap3A_1295 = arith.index_cast %scan3A_1240 : i32 to index
      %swap3A_1296 = arith.constant 64 : index
      %swap3A_1297 = tpu.vector_load %arg7[%swap3A_1294, %swap3A_1295, %swap3A_1296] {strides = array<i32>} : memref<3x24x512xf32, #tpu.memory_space<vmem>>, vector<1x1x16xf32>,
      %swap3A_1298 = vector.shape_cast %swap3A_1297 : vector<1x1x16xf32> to vector<16xf32>
      %swap3A_1299 = vector.shape_cast %get3A_1292 : vector<16xf32> to vector<1x1x16xf32>
      tpu.vector_store %arg7[%swap3A_1294, %swap3A_1295, %swap3A_1296], %swap3A_1299 {strides = array<i32>} : memref<3x24x512xf32, #tpu.memory_space<vmem>>, vector<1x1x16xf32>,
      %add3A_1300 = arith.addi %mul3A_266, %scan3A_1240 : i32
      %get3A_1301 = arith.index_cast %add3A_1300 : i32 to index
      %get3A_1302 = arith.constant 80 : index
      %get3A_1303 = tpu.vector_load %arg5[%get3A_1301, %get3A_1302] {strides = array<i32>} : memref<48x256xf32, #tpu.memory_space<vmem>>, vector<1x16xf32>,
      %get3A_1304 = vector.shape_cast %get3A_1303 : vector<1x16xf32> to vector<16xf32>
      %swap3A_1305 = arith.constant 2 : i32
      %swap3A_1306 = arith.index_cast %swap3A_1305 : i32 to index
      %swap3A_1307 = arith.index_cast %scan3A_1240 : i32 to index
      %swap3A_1308 = arith.constant 80 : index
      %swap3A_1309 = tpu.vector_load %arg7[%swap3A_1306, %swap3A_1307, %swap3A_1308] {strides = array<i32>} : memref<3x24x512xf32, #tpu.memory_space<vmem>>, vector<1x1x16xf32>,
      %swap3A_1310 = vector.shape_cast %swap3A_1309 : vector<1x1x16xf32> to vector<16xf32>
      %swap3A_1311 = vector.shape_cast %get3A_1304 : vector<16xf32> to vector<1x1x16xf32>
      tpu.vector_store %arg7[%swap3A_1306, %swap3A_1307, %swap3A_1308], %swap3A_1311 {strides = array<i32>} : memref<3x24x512xf32, #tpu.memory_space<vmem>>, vector<1x1x16xf32>,
      %add3A_1312 = arith.addi %mul3A_266, %scan3A_1240 : i32
      %get3A_1313 = arith.index_cast %add3A_1312 : i32 to index
      %get3A_1314 = arith.constant 96 : index
      %get3A_1315 = tpu.vector_load %arg5[%get3A_1313, %get3A_1314] {strides = array<i32>} : memref<48x256xf32, #tpu.memory_space<vmem>>, vector<1x16xf32>,
      %get3A_1316 = vector.shape_cast %get3A_1315 : vector<1x16xf32> to vector<16xf32>
      %swap3A_1317 = arith.constant 2 : i32
      %swap3A_1318 = arith.index_cast %swap3A_1317 : i32 to index
      %swap3A_1319 = arith.index_cast %scan3A_1240 : i32 to index
      %swap3A_1320 = arith.constant 96 : index
      %swap3A_1321 = tpu.vector_load %arg7[%swap3A_1318, %swap3A_1319, %swap3A_1320] {strides = array<i32>} : memref<3x24x512xf32, #tpu.memory_space<vmem>>, vector<1x1x16xf32>,
      %swap3A_1322 = vector.shape_cast %swap3A_1321 : vector<1x1x16xf32> to vector<16xf32>
      %swap3A_1323 = vector.shape_cast %get3A_1316 : vector<16xf32> to vector<1x1x16xf32>
      tpu.vector_store %arg7[%swap3A_1318, %swap3A_1319, %swap3A_1320], %swap3A_1323 {strides = array<i32>} : memref<3x24x512xf32, #tpu.memory_space<vmem>>, vector<1x1x16xf32>,
      %add3A_1324 = arith.addi %mul3A_266, %scan3A_1240 : i32
      %get3A_1325 = arith.index_cast %add3A_1324 : i32 to index
      %get3A_1326 = arith.constant 112 : index
      %get3A_1327 = tpu.vector_load %arg5[%get3A_1325, %get3A_1326] {strides = array<i32>} : memref<48x256xf32, #tpu.memory_space<vmem>>, vector<1x16xf32>,
      %get3A_1328 = vector.shape_cast %get3A_1327 : vector<1x16xf32> to vector<16xf32>
      %swap3A_1329 = arith.constant 2 : i32
      %swap3A_1330 = arith.index_cast %swap3A_1329 : i32 to index
      %swap3A_1331 = arith.index_cast %scan3A_1240 : i32 to index
      %swap3A_1332 = arith.constant 112 : index
      %swap3A_1333 = tpu.vector_load %arg7[%swap3A_1330, %swap3A_1331, %swap3A_1332] {strides = array<i32>} : memref<3x24x512xf32, #tpu.memory_space<vmem>>, vector<1x1x16xf32>,
      %swap3A_1334 = vector.shape_cast %swap3A_1333 : vector<1x1x16xf32> to vector<16xf32>
      %swap3A_1335 = vector.shape_cast %get3A_1328 : vector<16xf32> to vector<1x1x16xf32>
      tpu.vector_store %arg7[%swap3A_1330, %swap3A_1331, %swap3A_1332], %swap3A_1335 {strides = array<i32>} : memref<3x24x512xf32, #tpu.memory_space<vmem>>, vector<1x1x16xf32>,
      %add3A_1336 = arith.addi %mul3A_266, %scan3A_1240 : i32
      %get3A_1337 = arith.index_cast %add3A_1336 : i32 to index
      %get3A_1338 = arith.constant 128 : index
      %get3A_1339 = tpu.vector_load %arg5[%get3A_1337, %get3A_1338] {strides = array<i32>} : memref<48x256xf32, #tpu.memory_space<vmem>>, vector<1x16xf32>,
      %get3A_1340 = vector.shape_cast %get3A_1339 : vector<1x16xf32> to vector<16xf32>
      %swap3A_1341 = arith.constant 2 : i32
      %swap3A_1342 = arith.index_cast %swap3A_1341 : i32 to index
      %swap3A_1343 = arith.index_cast %scan3A_1240 : i32 to index
      %swap3A_1344 = arith.constant 128 : index
      %swap3A_1345 = tpu.vector_load %arg7[%swap3A_1342, %swap3A_1343, %swap3A_1344] {strides = array<i32>} : memref<3x24x512xf32, #tpu.memory_space<vmem>>, vector<1x1x16xf32>,
      %swap3A_1346 = vector.shape_cast %swap3A_1345 : vector<1x1x16xf32> to vector<16xf32>
      %swap3A_1347 = vector.shape_cast %get3A_1340 : vector<16xf32> to vector<1x1x16xf32>
      tpu.vector_store %arg7[%swap3A_1342, %swap3A_1343, %swap3A_1344], %swap3A_1347 {strides = array<i32>} : memref<3x24x512xf32, #tpu.memory_space<vmem>>, vector<1x1x16xf32>,
      %add3A_1348 = arith.addi %mul3A_266, %scan3A_1240 : i32
      %get3A_1349 = arith.index_cast %add3A_1348 : i32 to index
      %get3A_1350 = arith.constant 144 : index
      %get3A_1351 = tpu.vector_load %arg5[%get3A_1349, %get3A_1350] {strides = array<i32>} : memref<48x256xf32, #tpu.memory_space<vmem>>, vector<1x16xf32>,
      %get3A_1352 = vector.shape_cast %get3A_1351 : vector<1x16xf32> to vector<16xf32>
      %swap3A_1353 = arith.constant 2 : i32
      %swap3A_1354 = arith.index_cast %swap3A_1353 : i32 to index
      %swap3A_1355 = arith.index_cast %scan3A_1240 : i32 to index
      %swap3A_1356 = arith.constant 144 : index
      %swap3A_1357 = tpu.vector_load %arg7[%swap3A_1354, %swap3A_1355, %swap3A_1356] {strides = array<i32>} : memref<3x24x512xf32, #tpu.memory_space<vmem>>, vector<1x1x16xf32>,
      %swap3A_1358 = vector.shape_cast %swap3A_1357 : vector<1x1x16xf32> to vector<16xf32>
      %swap3A_1359 = vector.shape_cast %get3A_1352 : vector<16xf32> to vector<1x1x16xf32>
      tpu.vector_store %arg7[%swap3A_1354, %swap3A_1355, %swap3A_1356], %swap3A_1359 {strides = array<i32>} : memref<3x24x512xf32, #tpu.memory_space<vmem>>, vector<1x1x16xf32>,
      %add3A_1360 = arith.addi %mul3A_266, %scan3A_1240 : i32
      %get3A_1361 = arith.index_cast %add3A_1360 : i32 to index
      %get3A_1362 = arith.constant 160 : index
      %get3A_1363 = tpu.vector_load %arg5[%get3A_1361, %get3A_1362] {strides = array<i32>} : memref<48x256xf32, #tpu.memory_space<vmem>>, vector<1x16xf32>,
      %get3A_1364 = vector.shape_cast %get3A_1363 : vector<1x16xf32> to vector<16xf32>
      %swap3A_1365 = arith.constant 2 : i32
      %swap3A_1366 = arith.index_cast %swap3A_1365 : i32 to index
      %swap3A_1367 = arith.index_cast %scan3A_1240 : i32 to index
      %swap3A_1368 = arith.constant 160 : index
      %swap3A_1369 = tpu.vector_load %arg7[%swap3A_1366, %swap3A_1367, %swap3A_1368] {strides = array<i32>} : memref<3x24x512xf32, #tpu.memory_space<vmem>>, vector<1x1x16xf32>,
      %swap3A_1370 = vector.shape_cast %swap3A_1369 : vector<1x1x16xf32> to vector<16xf32>
      %swap3A_1371 = vector.shape_cast %get3A_1364 : vector<16xf32> to vector<1x1x16xf32>
      tpu.vector_store %arg7[%swap3A_1366, %swap3A_1367, %swap3A_1368], %swap3A_1371 {strides = array<i32>} : memref<3x24x512xf32, #tpu.memory_space<vmem>>, vector<1x1x16xf32>,
      %add3A_1372 = arith.addi %mul3A_266, %scan3A_1240 : i32
      %get3A_1373 = arith.index_cast %add3A_1372 : i32 to index
      %get3A_1374 = arith.constant 176 : index
      %get3A_1375 = tpu.vector_load %arg5[%get3A_1373, %get3A_1374] {strides = array<i32>} : memref<48x256xf32, #tpu.memory_space<vmem>>, vector<1x16xf32>,
      %get3A_1376 = vector.shape_cast %get3A_1375 : vector<1x16xf32> to vector<16xf32>
      %swap3A_1377 = arith.constant 2 : i32
      %swap3A_1378 = arith.index_cast %swap3A_1377 : i32 to index
      %swap3A_1379 = arith.index_cast %scan3A_1240 : i32 to index
      %swap3A_1380 = arith.constant 176 : index
      %swap3A_1381 = tpu.vector_load %arg7[%swap3A_1378, %swap3A_1379, %swap3A_1380] {strides = array<i32>} : memref<3x24x512xf32, #tpu.memory_space<vmem>>, vector<1x1x16xf32>,
      %swap3A_1382 = vector.shape_cast %swap3A_1381 : vector<1x1x16xf32> to vector<16xf32>
      %swap3A_1383 = vector.shape_cast %get3A_1376 : vector<16xf32> to vector<1x1x16xf32>
      tpu.vector_store %arg7[%swap3A_1378, %swap3A_1379, %swap3A_1380], %swap3A_1383 {strides = array<i32>} : memref<3x24x512xf32, #tpu.memory_space<vmem>>, vector<1x1x16xf32>,
      %add3A_1384 = arith.addi %mul3A_266, %scan3A_1240 : i32
      %get3A_1385 = arith.index_cast %add3A_1384 : i32 to index
      %get3A_1386 = arith.constant 192 : index
      %get3A_1387 = tpu.vector_load %arg5[%get3A_1385, %get3A_1386] {strides = array<i32>} : memref<48x256xf32, #tpu.memory_space<vmem>>, vector<1x16xf32>,
      %get3A_1388 = vector.shape_cast %get3A_1387 : vector<1x16xf32> to vector<16xf32>
      %swap3A_1389 = arith.constant 2 : i32
      %swap3A_1390 = arith.index_cast %swap3A_1389 : i32 to index
      %swap3A_1391 = arith.index_cast %scan3A_1240 : i32 to index
      %swap3A_1392 = arith.constant 192 : index
      %swap3A_1393 = tpu.vector_load %arg7[%swap3A_1390, %swap3A_1391, %swap3A_1392] {strides = array<i32>} : memref<3x24x512xf32, #tpu.memory_space<vmem>>, vector<1x1x16xf32>,
      %swap3A_1394 = vector.shape_cast %swap3A_1393 : vector<1x1x16xf32> to vector<16xf32>
      %swap3A_1395 = vector.shape_cast %get3A_1388 : vector<16xf32> to vector<1x1x16xf32>
      tpu.vector_store %arg7[%swap3A_1390, %swap3A_1391, %swap3A_1392], %swap3A_1395 {strides = array<i32>} : memref<3x24x512xf32, #tpu.memory_space<vmem>>, vector<1x1x16xf32>,
      %add3A_1396 = arith.addi %mul3A_266, %scan3A_1240 : i32
      %get3A_1397 = arith.index_cast %add3A_1396 : i32 to index
      %get3A_1398 = arith.constant 208 : index
      %get3A_1399 = tpu.vector_load %arg5[%get3A_1397, %get3A_1398] {strides = array<i32>} : memref<48x256xf32, #tpu.memory_space<vmem>>, vector<1x16xf32>,
      %get3A_1400 = vector.shape_cast %get3A_1399 : vector<1x16xf32> to vector<16xf32>
      %swap3A_1401 = arith.constant 2 : i32
      %swap3A_1402 = arith.index_cast %swap3A_1401 : i32 to index
      %swap3A_1403 = arith.index_cast %scan3A_1240 : i32 to index
      %swap3A_1404 = arith.constant 208 : index
      %swap3A_1405 = tpu.vector_load %arg7[%swap3A_1402, %swap3A_1403, %swap3A_1404] {strides = array<i32>} : memref<3x24x512xf32, #tpu.memory_space<vmem>>, vector<1x1x16xf32>,
      %swap3A_1406 = vector.shape_cast %swap3A_1405 : vector<1x1x16xf32> to vector<16xf32>
      %swap3A_1407 = vector.shape_cast %get3A_1400 : vector<16xf32> to vector<1x1x16xf32>
      tpu.vector_store %arg7[%swap3A_1402, %swap3A_1403, %swap3A_1404], %swap3A_1407 {strides = array<i32>} : memref<3x24x512xf32, #tpu.memory_space<vmem>>, vector<1x1x16xf32>,
      %add3A_1408 = arith.addi %mul3A_266, %scan3A_1240 : i32
      %get3A_1409 = arith.index_cast %add3A_1408 : i32 to index
      %get3A_1410 = arith.constant 224 : index
      %get3A_1411 = tpu.vector_load %arg5[%get3A_1409, %get3A_1410] {strides = array<i32>} : memref<48x256xf32, #tpu.memory_space<vmem>>, vector<1x16xf32>,
      %get3A_1412 = vector.shape_cast %get3A_1411 : vector<1x16xf32> to vector<16xf32>
      %swap3A_1413 = arith.constant 2 : i32
      %swap3A_1414 = arith.index_cast %swap3A_1413 : i32 to index
      %swap3A_1415 = arith.index_cast %scan3A_1240 : i32 to index
      %swap3A_1416 = arith.constant 224 : index
      %swap3A_1417 = tpu.vector_load %arg7[%swap3A_1414, %swap3A_1415, %swap3A_1416] {strides = array<i32>} : memref<3x24x512xf32, #tpu.memory_space<vmem>>, vector<1x1x16xf32>,
      %swap3A_1418 = vector.shape_cast %swap3A_1417 : vector<1x1x16xf32> to vector<16xf32>
      %swap3A_1419 = vector.shape_cast %get3A_1412 : vector<16xf32> to vector<1x1x16xf32>
      tpu.vector_store %arg7[%swap3A_1414, %swap3A_1415, %swap3A_1416], %swap3A_1419 {strides = array<i32>} : memref<3x24x512xf32, #tpu.memory_space<vmem>>, vector<1x1x16xf32>,
      %add3A_1420 = arith.addi %mul3A_266, %scan3A_1240 : i32
      %get3A_1421 = arith.index_cast %add3A_1420 : i32 to index
      %get3A_1422 = arith.constant 240 : index
      %get3A_1423 = tpu.vector_load %arg5[%get3A_1421, %get3A_1422] {strides = array<i32>} : memref<48x256xf32, #tpu.memory_space<vmem>>, vector<1x16xf32>,
      %get3A_1424 = vector.shape_cast %get3A_1423 : vector<1x16xf32> to vector<16xf32>
      %swap3A_1425 = arith.constant 2 : i32
      %swap3A_1426 = arith.index_cast %swap3A_1425 : i32 to index
      %swap3A_1427 = arith.index_cast %scan3A_1240 : i32 to index
      %swap3A_1428 = arith.constant 240 : index
      %swap3A_1429 = tpu.vector_load %arg7[%swap3A_1426, %swap3A_1427, %swap3A_1428] {strides = array<i32>} : memref<3x24x512xf32, #tpu.memory_space<vmem>>, vector<1x1x16xf32>,
      %swap3A_1430 = vector.shape_cast %swap3A_1429 : vector<1x1x16xf32> to vector<16xf32>
      %swap3A_1431 = vector.shape_cast %get3A_1424 : vector<16xf32> to vector<1x1x16xf32>
      tpu.vector_store %arg7[%swap3A_1426, %swap3A_1427, %swap3A_1428], %swap3A_1431 {strides = array<i32>} : memref<3x24x512xf32, #tpu.memory_space<vmem>>, vector<1x1x16xf32>,
      %swap3A_1432 = arith.constant 2 : i32
      %swap3A_1433 = arith.index_cast %swap3A_1432 : i32 to index
      %swap3A_1434 = arith.index_cast %scan3A_1240 : i32 to index
      %swap3A_1435 = arith.constant 256 : index
      %swap3A_1436 = tpu.vector_load %arg7[%swap3A_1433, %swap3A_1434, %swap3A_1435] {strides = array<i32>} : memref<3x24x512xf32, #tpu.memory_space<vmem>>, vector<1x1x16xf32>,
      %swap3A_1437 = vector.shape_cast %swap3A_1436 : vector<1x1x16xf32> to vector<16xf32>
      %swap3A_1438 = vector.shape_cast %get3A_270 : vector<16xf32> to vector<1x1x16xf32>
      tpu.vector_store %arg7[%swap3A_1433, %swap3A_1434, %swap3A_1435], %swap3A_1438 {strides = array<i32>} : memref<3x24x512xf32, #tpu.memory_space<vmem>>, vector<1x1x16xf32>,
      %swap3A_1439 = arith.constant 2 : i32
      %swap3A_1440 = arith.index_cast %swap3A_1439 : i32 to index
      %swap3A_1441 = arith.index_cast %scan3A_1240 : i32 to index
      %swap3A_1442 = arith.constant 272 : index
      %swap3A_1443 = tpu.vector_load %arg7[%swap3A_1440, %swap3A_1441, %swap3A_1442] {strides = array<i32>} : memref<3x24x512xf32, #tpu.memory_space<vmem>>, vector<1x1x16xf32>,
      %swap3A_1444 = vector.shape_cast %swap3A_1443 : vector<1x1x16xf32> to vector<16xf32>
      %swap3A_1445 = vector.shape_cast %get3A_274 : vector<16xf32> to vector<1x1x16xf32>
      tpu.vector_store %arg7[%swap3A_1440, %swap3A_1441, %swap3A_1442], %swap3A_1445 {strides = array<i32>} : memref<3x24x512xf32, #tpu.memory_space<vmem>>, vector<1x1x16xf32>,
      %swap3A_1446 = arith.constant 2 : i32
      %swap3A_1447 = arith.index_cast %swap3A_1446 : i32 to index
      %swap3A_1448 = arith.index_cast %scan3A_1240 : i32 to index
      %swap3A_1449 = arith.constant 288 : index
      %swap3A_1450 = tpu.vector_load %arg7[%swap3A_1447, %swap3A_1448, %swap3A_1449] {strides = array<i32>} : memref<3x24x512xf32, #tpu.memory_space<vmem>>, vector<1x1x16xf32>,
      %swap3A_1451 = vector.shape_cast %swap3A_1450 : vector<1x1x16xf32> to vector<16xf32>
      %swap3A_1452 = vector.shape_cast %get3A_278 : vector<16xf32> to vector<1x1x16xf32>
      tpu.vector_store %arg7[%swap3A_1447, %swap3A_1448, %swap3A_1449], %swap3A_1452 {strides = array<i32>} : memref<3x24x512xf32, #tpu.memory_space<vmem>>, vector<1x1x16xf32>,
      %swap3A_1453 = arith.constant 2 : i32
      %swap3A_1454 = arith.index_cast %swap3A_1453 : i32 to index
      %swap3A_1455 = arith.index_cast %scan3A_1240 : i32 to index
      %swap3A_1456 = arith.constant 304 : index
      %swap3A_1457 = tpu.vector_load %arg7[%swap3A_1454, %swap3A_1455, %swap3A_1456] {strides = array<i32>} : memref<3x24x512xf32, #tpu.memory_space<vmem>>, vector<1x1x16xf32>,
      %swap3A_1458 = vector.shape_cast %swap3A_1457 : vector<1x1x16xf32> to vector<16xf32>
      %swap3A_1459 = vector.shape_cast %get3A_282 : vector<16xf32> to vector<1x1x16xf32>
      tpu.vector_store %arg7[%swap3A_1454, %swap3A_1455, %swap3A_1456], %swap3A_1459 {strides = array<i32>} : memref<3x24x512xf32, #tpu.memory_space<vmem>>, vector<1x1x16xf32>,
      %swap3A_1460 = arith.constant 2 : i32
      %swap3A_1461 = arith.index_cast %swap3A_1460 : i32 to index
      %swap3A_1462 = arith.index_cast %scan3A_1240 : i32 to index
      %swap3A_1463 = arith.constant 320 : index
      %swap3A_1464 = tpu.vector_load %arg7[%swap3A_1461, %swap3A_1462, %swap3A_1463] {strides = array<i32>} : memref<3x24x512xf32, #tpu.memory_space<vmem>>, vector<1x1x16xf32>,
      %swap3A_1465 = vector.shape_cast %swap3A_1464 : vector<1x1x16xf32> to vector<16xf32>
      %swap3A_1466 = vector.shape_cast %get3A_286 : vector<16xf32> to vector<1x1x16xf32>
      tpu.vector_store %arg7[%swap3A_1461, %swap3A_1462, %swap3A_1463], %swap3A_1466 {strides = array<i32>} : memref<3x24x512xf32, #tpu.memory_space<vmem>>, vector<1x1x16xf32>,
      %swap3A_1467 = arith.constant 2 : i32
      %swap3A_1468 = arith.index_cast %swap3A_1467 : i32 to index
      %swap3A_1469 = arith.index_cast %scan3A_1240 : i32 to index
      %swap3A_1470 = arith.constant 336 : index
      %swap3A_1471 = tpu.vector_load %arg7[%swap3A_1468, %swap3A_1469, %swap3A_1470] {strides = array<i32>} : memref<3x24x512xf32, #tpu.memory_space<vmem>>, vector<1x1x16xf32>,
      %swap3A_1472 = vector.shape_cast %swap3A_1471 : vector<1x1x16xf32> to vector<16xf32>
      %swap3A_1473 = vector.shape_cast %get3A_290 : vector<16xf32> to vector<1x1x16xf32>
      tpu.vector_store %arg7[%swap3A_1468, %swap3A_1469, %swap3A_1470], %swap3A_1473 {strides = array<i32>} : memref<3x24x512xf32, #tpu.memory_space<vmem>>, vector<1x1x16xf32>,
      %swap3A_1474 = arith.constant 2 : i32
      %swap3A_1475 = arith.index_cast %swap3A_1474 : i32 to index
      %swap3A_1476 = arith.index_cast %scan3A_1240 : i32 to index
      %swap3A_1477 = arith.constant 352 : index
      %swap3A_1478 = tpu.vector_load %arg7[%swap3A_1475, %swap3A_1476, %swap3A_1477] {strides = array<i32>} : memref<3x24x512xf32, #tpu.memory_space<vmem>>, vector<1x1x16xf32>,
      %swap3A_1479 = vector.shape_cast %swap3A_1478 : vector<1x1x16xf32> to vector<16xf32>
      %swap3A_1480 = vector.shape_cast %get3A_294 : vector<16xf32> to vector<1x1x16xf32>
      tpu.vector_store %arg7[%swap3A_1475, %swap3A_1476, %swap3A_1477], %swap3A_1480 {strides = array<i32>} : memref<3x24x512xf32, #tpu.memory_space<vmem>>, vector<1x1x16xf32>,
      %swap3A_1481 = arith.constant 2 : i32
      %swap3A_1482 = arith.index_cast %swap3A_1481 : i32 to index
      %swap3A_1483 = arith.index_cast %scan3A_1240 : i32 to index
      %swap3A_1484 = arith.constant 368 : index
      %swap3A_1485 = tpu.vector_load %arg7[%swap3A_1482, %swap3A_1483, %swap3A_1484] {strides = array<i32>} : memref<3x24x512xf32, #tpu.memory_space<vmem>>, vector<1x1x16xf32>,
      %swap3A_1486 = vector.shape_cast %swap3A_1485 : vector<1x1x16xf32> to vector<16xf32>
      %swap3A_1487 = vector.shape_cast %get3A_298 : vector<16xf32> to vector<1x1x16xf32>
      tpu.vector_store %arg7[%swap3A_1482, %swap3A_1483, %swap3A_1484], %swap3A_1487 {strides = array<i32>} : memref<3x24x512xf32, #tpu.memory_space<vmem>>, vector<1x1x16xf32>,
      %swap3A_1488 = arith.constant 2 : i32
      %swap3A_1489 = arith.index_cast %swap3A_1488 : i32 to index
      %swap3A_1490 = arith.index_cast %scan3A_1240 : i32 to index
      %swap3A_1491 = arith.constant 384 : index
      %swap3A_1492 = tpu.vector_load %arg7[%swap3A_1489, %swap3A_1490, %swap3A_1491] {strides = array<i32>} : memref<3x24x512xf32, #tpu.memory_space<vmem>>, vector<1x1x16xf32>,
      %swap3A_1493 = vector.shape_cast %swap3A_1492 : vector<1x1x16xf32> to vector<16xf32>
      %swap3A_1494 = vector.shape_cast %get3A_302 : vector<16xf32> to vector<1x1x16xf32>
      tpu.vector_store %arg7[%swap3A_1489, %swap3A_1490, %swap3A_1491], %swap3A_1494 {strides = array<i32>} : memref<3x24x512xf32, #tpu.memory_space<vmem>>, vector<1x1x16xf32>,
      %swap3A_1495 = arith.constant 2 : i32
      %swap3A_1496 = arith.index_cast %swap3A_1495 : i32 to index
      %swap3A_1497 = arith.index_cast %scan3A_1240 : i32 to index
      %swap3A_1498 = arith.constant 400 : index
      %swap3A_1499 = tpu.vector_load %arg7[%swap3A_1496, %swap3A_1497, %swap3A_1498] {strides = array<i32>} : memref<3x24x512xf32, #tpu.memory_space<vmem>>, vector<1x1x16xf32>,
      %swap3A_1500 = vector.shape_cast %swap3A_1499 : vector<1x1x16xf32> to vector<16xf32>
      %swap3A_1501 = vector.shape_cast %get3A_306 : vector<16xf32> to vector<1x1x16xf32>
      tpu.vector_store %arg7[%swap3A_1496, %swap3A_1497, %swap3A_1498], %swap3A_1501 {strides = array<i32>} : memref<3x24x512xf32, #tpu.memory_space<vmem>>, vector<1x1x16xf32>,
      %swap3A_1502 = arith.constant 2 : i32
      %swap3A_1503 = arith.index_cast %swap3A_1502 : i32 to index
      %swap3A_1504 = arith.index_cast %scan3A_1240 : i32 to index
      %swap3A_1505 = arith.constant 416 : index
      %swap3A_1506 = tpu.vector_load %arg7[%swap3A_1503, %swap3A_1504, %swap3A_1505] {strides = array<i32>} : memref<3x24x512xf32, #tpu.memory_space<vmem>>, vector<1x1x16xf32>,
      %swap3A_1507 = vector.shape_cast %swap3A_1506 : vector<1x1x16xf32> to vector<16xf32>
      %swap3A_1508 = vector.shape_cast %get3A_310 : vector<16xf32> to vector<1x1x16xf32>
      tpu.vector_store %arg7[%swap3A_1503, %swap3A_1504, %swap3A_1505], %swap3A_1508 {strides = array<i32>} : memref<3x24x512xf32, #tpu.memory_space<vmem>>, vector<1x1x16xf32>,
      %swap3A_1509 = arith.constant 2 : i32
      %swap3A_1510 = arith.index_cast %swap3A_1509 : i32 to index
      %swap3A_1511 = arith.index_cast %scan3A_1240 : i32 to index
      %swap3A_1512 = arith.constant 432 : index
      %swap3A_1513 = tpu.vector_load %arg7[%swap3A_1510, %swap3A_1511, %swap3A_1512] {strides = array<i32>} : memref<3x24x512xf32, #tpu.memory_space<vmem>>, vector<1x1x16xf32>,
      %swap3A_1514 = vector.shape_cast %swap3A_1513 : vector<1x1x16xf32> to vector<16xf32>
      %swap3A_1515 = vector.shape_cast %get3A_314 : vector<16xf32> to vector<1x1x16xf32>
      tpu.vector_store %arg7[%swap3A_1510, %swap3A_1511, %swap3A_1512], %swap3A_1515 {strides = array<i32>} : memref<3x24x512xf32, #tpu.memory_space<vmem>>, vector<1x1x16xf32>,
      %swap3A_1516 = arith.constant 2 : i32
      %swap3A_1517 = arith.index_cast %swap3A_1516 : i32 to index
      %swap3A_1518 = arith.index_cast %scan3A_1240 : i32 to index
      %swap3A_1519 = arith.constant 448 : index
      %swap3A_1520 = tpu.vector_load %arg7[%swap3A_1517, %swap3A_1518, %swap3A_1519] {strides = array<i32>} : memref<3x24x512xf32, #tpu.memory_space<vmem>>, vector<1x1x16xf32>,
      %swap3A_1521 = vector.shape_cast %swap3A_1520 : vector<1x1x16xf32> to vector<16xf32>
      %swap3A_1522 = vector.shape_cast %get3A_318 : vector<16xf32> to vector<1x1x16xf32>
      tpu.vector_store %arg7[%swap3A_1517, %swap3A_1518, %swap3A_1519], %swap3A_1522 {strides = array<i32>} : memref<3x24x512xf32, #tpu.memory_space<vmem>>, vector<1x1x16xf32>,
      %swap3A_1523 = arith.constant 2 : i32
      %swap3A_1524 = arith.index_cast %swap3A_1523 : i32 to index
      %swap3A_1525 = arith.index_cast %scan3A_1240 : i32 to index
      %swap3A_1526 = arith.constant 464 : index
      %swap3A_1527 = tpu.vector_load %arg7[%swap3A_1524, %swap3A_1525, %swap3A_1526] {strides = array<i32>} : memref<3x24x512xf32, #tpu.memory_space<vmem>>, vector<1x1x16xf32>,
      %swap3A_1528 = vector.shape_cast %swap3A_1527 : vector<1x1x16xf32> to vector<16xf32>
      %swap3A_1529 = vector.shape_cast %get3A_322 : vector<16xf32> to vector<1x1x16xf32>
      tpu.vector_store %arg7[%swap3A_1524, %swap3A_1525, %swap3A_1526], %swap3A_1529 {strides = array<i32>} : memref<3x24x512xf32, #tpu.memory_space<vmem>>, vector<1x1x16xf32>,
      %swap3A_1530 = arith.constant 2 : i32
      %swap3A_1531 = arith.index_cast %swap3A_1530 : i32 to index
      %swap3A_1532 = arith.index_cast %scan3A_1240 : i32 to index
      %swap3A_1533 = arith.constant 480 : index
      %swap3A_1534 = tpu.vector_load %arg7[%swap3A_1531, %swap3A_1532, %swap3A_1533] {strides = array<i32>} : memref<3x24x512xf32, #tpu.memory_space<vmem>>, vector<1x1x16xf32>,
      %swap3A_1535 = vector.shape_cast %swap3A_1534 : vector<1x1x16xf32> to vector<16xf32>
      %swap3A_1536 = vector.shape_cast %get3A_326 : vector<16xf32> to vector<1x1x16xf32>
      tpu.vector_store %arg7[%swap3A_1531, %swap3A_1532, %swap3A_1533], %swap3A_1536 {strides = array<i32>} : memref<3x24x512xf32, #tpu.memory_space<vmem>>, vector<1x1x16xf32>,
      %swap3A_1537 = arith.constant 2 : i32
      %swap3A_1538 = arith.index_cast %swap3A_1537 : i32 to index
      %swap3A_1539 = arith.index_cast %scan3A_1240 : i32 to index
      %swap3A_1540 = arith.constant 496 : index
      %swap3A_1541 = tpu.vector_load %arg7[%swap3A_1538, %swap3A_1539, %swap3A_1540] {strides = array<i32>} : memref<3x24x512xf32, #tpu.memory_space<vmem>>, vector<1x1x16xf32>,
      %swap3A_1542 = vector.shape_cast %swap3A_1541 : vector<1x1x16xf32> to vector<16xf32>
      %swap3A_1543 = vector.shape_cast %get3A_330 : vector<16xf32> to vector<1x1x16xf32>
      tpu.vector_store %arg7[%swap3A_1538, %swap3A_1539, %swap3A_1540], %swap3A_1543 {strides = array<i32>} : memref<3x24x512xf32, #tpu.memory_space<vmem>>, vector<1x1x16xf32>,
    }
    %scan3A_335 = arith.constant 24 : i32
    %add3A_336 = arith.constant 0 : i32
    %add3A_337 = arith.addi %mul3A_2, %add3A_336 : i32
    %jit3A_338 = arith.constant 2 : i32
    %div3A_339 = arith.divsi %add3A_337, %jit3A_338 : i32
    %sign3A_340 = arith.constant 0 : i32
    %sign3A_341 = arith.cmpi sgt, %add3A_337, %sign3A_340 : i32
    %sign3A_342 = arith.extui %sign3A_341 : i1 to i32
    %sign3A_343 = arith.constant 0 : i32
    %sign3A_344 = arith.cmpi slt, %add3A_337, %sign3A_343 : i32
    %sign3A_345 = arith.extui %sign3A_344 : i1 to i32
    %sign3A_346 = arith.subi %sign3A_342, %sign3A_345 : i32
    %sign3A_347 = arith.constant 0 : i32
    %sign3A_348 = arith.cmpi sgt, %jit3A_338, %sign3A_347 : i32
    %sign3A_349 = arith.extui %sign3A_348 : i1 to i32
    %sign3A_350 = arith.constant 0 : i32
    %sign3A_351 = arith.cmpi slt, %jit3A_338, %sign3A_350 : i32
    %sign3A_352 = arith.extui %sign3A_351 : i1 to i32
    %sign3A_353 = arith.subi %sign3A_349, %sign3A_352 : i32
    %ne3A_354 = arith.cmpi ne, %sign3A_346, %sign3A_353 : i32
    %rem3A_355 = arith.remsi %add3A_337, %jit3A_338 : i32
    %ne3A_356 = arith.constant 0 : i32
    %ne3A_357 = arith.cmpi ne, %rem3A_355, %ne3A_356 : i32
    %and3A_358 = arith.andi %ne3A_354, %ne3A_357 : i1
    %sub3A_359 = arith.constant 1 : i32
    %sub3A_360 = arith.subi %div3A_339, %sub3A_359 : i32
    %select_n3A_361 = arith.select %and3A_358, %sub3A_360, %div3A_339 : i32
    %add3A_362 = arith.constant 0 : i32
    %add3A_363 = arith.addi %mul3A_2, %add3A_362 : i32
    %jit3A_364 = arith.constant 2 : i32
    %eq3A_365 = arith.constant 0 : i32
    %eq3A_366 = arith.cmpi eq, %jit3A_364, %eq3A_365 : i32
    %jit3A_367 = arith.constant 1 : i32
    %select_n3A_368 = arith.select %eq3A_366, %jit3A_367, %jit3A_364 : i32
    %rem3A_369 = arith.remsi %add3A_363, %select_n3A_368 : i32
    %ne3A_370 = arith.constant 0 : i32
    %ne3A_371 = arith.cmpi ne, %rem3A_369, %ne3A_370 : i32
    %lt3A_372 = arith.constant 0 : i32
    %lt3A_373 = arith.cmpi slt, %rem3A_369, %lt3A_372 : i32
    %lt3A_374 = arith.constant 0 : i32
    %lt3A_375 = arith.cmpi slt, %select_n3A_368, %lt3A_374 : i32
    %ne3A_376 = arith.xori %lt3A_373, %lt3A_375 : i1
    %and3A_377 = arith.andi %ne3A_376, %ne3A_371 : i1
    %add3A_378 = arith.addi %rem3A_369, %select_n3A_368 : i32
    %select_n3A_379 = arith.select %and3A_377, %add3A_378, %rem3A_369 : i32
    %mul3A_380 = arith.constant 24 : i32
    %mul3A_381 = arith.muli %select_n3A_379, %mul3A_380 : i32
    %dma_start3A = arith.constant 0 : i32
    %dma_start3A_382 = arith.constant 0 : i32
    %dma_start3A_383 = arith.constant 0 : i32
    %dma_start3A_384 = arith.constant 0 : i32
    %dma_start3A_385 = tpu.memref_slice %arg7[%dma_start3A, %dma_start3A_383, %dma_start3A_384] : memref<3x24x512xf32, #tpu.memory_space<vmem>> -> memref<1x24x512xf32, #tpu.memory_space<vmem>>
    %dma_start3A_386 = tpu.memref_squeeze %dma_start3A_385 : memref<1x24x512xf32, #tpu.memory_space<vmem>> -> memref<24x512xf32, #tpu.memory_space<vmem>>
    %dma_start3A_387 = arith.constant 0 : i32
    %dma_start3A_388 = tpu.memref_slice %arg4[%dma_start3A_382, %select_n3A_361, %mul3A_381, %dma_start3A_387] : memref<8x48x48x512xf32, #tpu.memory_space<hbm>> -> memref<1x1x24x512xf32, #tpu.memory_space<hbm>>
    %dma_start3A_389 = tpu.memref_squeeze %dma_start3A_388 : memref<1x1x24x512xf32, #tpu.memory_space<hbm>> -> memref<24x512xf32, #tpu.memory_space<hbm>>
    %dma_start3A_390 = arith.constant 0 : i32
    %dma_start3A_391 = tpu.memref_slice %arg4[%dma_start3A_382, %select_n3A_361, %mul3A_381, %dma_start3A_390] : memref<8x48x48x512xf32, #tpu.memory_space<hbm>> -> memref<1x1x24x512xf32, #tpu.memory_space<hbm>>
    %dma_start3A_392 = tpu.memref_squeeze %dma_start3A_391 : memref<1x1x24x512xf32, #tpu.memory_space<hbm>> -> memref<24x512xf32, #tpu.memory_space<hbm>>
    %dma_start3A_393 = arith.constant 0 : i32
    %dma_start3A_394 = arith.constant 0 : i32
    %dma_start3A_395 = tpu.memref_slice %arg7[%dma_start3A, %dma_start3A_393, %dma_start3A_394] : memref<3x24x512xf32, #tpu.memory_space<vmem>> -> memref<1x24x512xf32, #tpu.memory_space<vmem>>
    %dma_start3A_396 = tpu.memref_squeeze %dma_start3A_395 : memref<1x24x512xf32, #tpu.memory_space<vmem>> -> memref<24x512xf32, #tpu.memory_space<vmem>>
    tpu.enqueue_dma source(%dma_start3A_396 : memref<24x512xf32, #tpu.memory_space<vmem>>) target(%dma_start3A_392 : memref<24x512xf32, #tpu.memory_space<hbm>>) target_semaphore(%arg8 : memref<!tpu.dma_semaphore, #tpu.memory_space<semaphore_mem>>)
    %dma_start3A_397 = arith.constant 0 : i32
    %dma_start3A_398 = arith.constant 1 : i32
    %dma_start3A_399 = arith.constant 0 : i32
    %dma_start3A_400 = arith.constant 0 : i32
    %dma_start3A_401 = tpu.memref_slice %arg7[%dma_start3A_397, %dma_start3A_399, %dma_start3A_400] : memref<3x24x512xf32, #tpu.memory_space<vmem>> -> memref<1x24x512xf32, #tpu.memory_space<vmem>>
    %dma_start3A_402 = tpu.memref_squeeze %dma_start3A_401 : memref<1x24x512xf32, #tpu.memory_space<vmem>> -> memref<24x512xf32, #tpu.memory_space<vmem>>
    %dma_start3A_403 = arith.constant 0 : i32
    %dma_start3A_404 = tpu.memref_slice %arg4[%dma_start3A_398, %select_n3A_361, %mul3A_381, %dma_start3A_403] : memref<8x48x48x512xf32, #tpu.memory_space<hbm>> -> memref<1x1x24x512xf32, #tpu.memory_space<hbm>>
    %dma_start3A_405 = tpu.memref_squeeze %dma_start3A_404 : memref<1x1x24x512xf32, #tpu.memory_space<hbm>> -> memref<24x512xf32, #tpu.memory_space<hbm>>
    %dma_start3A_406 = arith.constant 0 : i32
    %dma_start3A_407 = tpu.memref_slice %arg4[%dma_start3A_398, %select_n3A_361, %mul3A_381, %dma_start3A_406] : memref<8x48x48x512xf32, #tpu.memory_space<hbm>> -> memref<1x1x24x512xf32, #tpu.memory_space<hbm>>
    %dma_start3A_408 = tpu.memref_squeeze %dma_start3A_407 : memref<1x1x24x512xf32, #tpu.memory_space<hbm>> -> memref<24x512xf32, #tpu.memory_space<hbm>>
    %dma_start3A_409 = arith.constant 0 : i32
    %dma_start3A_410 = arith.constant 0 : i32
    %dma_start3A_411 = tpu.memref_slice %arg7[%dma_start3A_397, %dma_start3A_409, %dma_start3A_410] : memref<3x24x512xf32, #tpu.memory_space<vmem>> -> memref<1x24x512xf32, #tpu.memory_space<vmem>>
    %dma_start3A_412 = tpu.memref_squeeze %dma_start3A_411 : memref<1x24x512xf32, #tpu.memory_space<vmem>> -> memref<24x512xf32, #tpu.memory_space<vmem>>
    tpu.enqueue_dma source(%dma_start3A_412 : memref<24x512xf32, #tpu.memory_space<vmem>>) target(%dma_start3A_408 : memref<24x512xf32, #tpu.memory_space<hbm>>) target_semaphore(%arg8 : memref<!tpu.dma_semaphore, #tpu.memory_space<semaphore_mem>>)
    %dma_start3A_413 = arith.constant 0 : i32
    %dma_start3A_414 = arith.constant 2 : i32
    %dma_start3A_415 = arith.constant 0 : i32
    %dma_start3A_416 = arith.constant 0 : i32
    %dma_start3A_417 = tpu.memref_slice %arg7[%dma_start3A_413, %dma_start3A_415, %dma_start3A_416] : memref<3x24x512xf32, #tpu.memory_space<vmem>> -> memref<1x24x512xf32, #tpu.memory_space<vmem>>
    %dma_start3A_418 = tpu.memref_squeeze %dma_start3A_417 : memref<1x24x512xf32, #tpu.memory_space<vmem>> -> memref<24x512xf32, #tpu.memory_space<vmem>>
    %dma_start3A_419 = arith.constant 0 : i32
    %dma_start3A_420 = tpu.memref_slice %arg4[%dma_start3A_414, %select_n3A_361, %mul3A_381, %dma_start3A_419] : memref<8x48x48x512xf32, #tpu.memory_space<hbm>> -> memref<1x1x24x512xf32, #tpu.memory_space<hbm>>
    %dma_start3A_421 = tpu.memref_squeeze %dma_start3A_420 : memref<1x1x24x512xf32, #tpu.memory_space<hbm>> -> memref<24x512xf32, #tpu.memory_space<hbm>>
    %dma_start3A_422 = arith.constant 0 : i32
    %dma_start3A_423 = tpu.memref_slice %arg4[%dma_start3A_414, %select_n3A_361, %mul3A_381, %dma_start3A_422] : memref<8x48x48x512xf32, #tpu.memory_space<hbm>> -> memref<1x1x24x512xf32, #tpu.memory_space<hbm>>
    %dma_start3A_424 = tpu.memref_squeeze %dma_start3A_423 : memref<1x1x24x512xf32, #tpu.memory_space<hbm>> -> memref<24x512xf32, #tpu.memory_space<hbm>>
    %dma_start3A_425 = arith.constant 0 : i32
    %dma_start3A_426 = arith.constant 0 : i32
    %dma_start3A_427 = tpu.memref_slice %arg7[%dma_start3A_413, %dma_start3A_425, %dma_start3A_426] : memref<3x24x512xf32, #tpu.memory_space<vmem>> -> memref<1x24x512xf32, #tpu.memory_space<vmem>>
    %dma_start3A_428 = tpu.memref_squeeze %dma_start3A_427 : memref<1x24x512xf32, #tpu.memory_space<vmem>> -> memref<24x512xf32, #tpu.memory_space<vmem>>
    tpu.enqueue_dma source(%dma_start3A_428 : memref<24x512xf32, #tpu.memory_space<vmem>>) target(%dma_start3A_424 : memref<24x512xf32, #tpu.memory_space<hbm>>) target_semaphore(%arg8 : memref<!tpu.dma_semaphore, #tpu.memory_space<semaphore_mem>>)
    %dma_start3A_429 = arith.constant 0 : i32
    %dma_start3A_430 = arith.constant 3 : i32
    %dma_start3A_431 = arith.constant 0 : i32
    %dma_start3A_432 = arith.constant 0 : i32
    %dma_start3A_433 = tpu.memref_slice %arg7[%dma_start3A_429, %dma_start3A_431, %dma_start3A_432] : memref<3x24x512xf32, #tpu.memory_space<vmem>> -> memref<1x24x512xf32, #tpu.memory_space<vmem>>
    %dma_start3A_434 = tpu.memref_squeeze %dma_start3A_433 : memref<1x24x512xf32, #tpu.memory_space<vmem>> -> memref<24x512xf32, #tpu.memory_space<vmem>>
    %dma_start3A_435 = arith.constant 0 : i32
    %dma_start3A_436 = tpu.memref_slice %arg4[%dma_start3A_430, %select_n3A_361, %mul3A_381, %dma_start3A_435] : memref<8x48x48x512xf32, #tpu.memory_space<hbm>> -> memref<1x1x24x512xf32, #tpu.memory_space<hbm>>
    %dma_start3A_437 = tpu.memref_squeeze %dma_start3A_436 : memref<1x1x24x512xf32, #tpu.memory_space<hbm>> -> memref<24x512xf32, #tpu.memory_space<hbm>>
    %dma_start3A_438 = arith.constant 0 : i32
    %dma_start3A_439 = tpu.memref_slice %arg4[%dma_start3A_430, %select_n3A_361, %mul3A_381, %dma_start3A_438] : memref<8x48x48x512xf32, #tpu.memory_space<hbm>> -> memref<1x1x24x512xf32, #tpu.memory_space<hbm>>
    %dma_start3A_440 = tpu.memref_squeeze %dma_start3A_439 : memref<1x1x24x512xf32, #tpu.memory_space<hbm>> -> memref<24x512xf32, #tpu.memory_space<hbm>>
    %dma_start3A_441 = arith.constant 0 : i32
    %dma_start3A_442 = arith.constant 0 : i32
    %dma_start3A_443 = tpu.memref_slice %arg7[%dma_start3A_429, %dma_start3A_441, %dma_start3A_442] : memref<3x24x512xf32, #tpu.memory_space<vmem>> -> memref<1x24x512xf32, #tpu.memory_space<vmem>>
    %dma_start3A_444 = tpu.memref_squeeze %dma_start3A_443 : memref<1x24x512xf32, #tpu.memory_space<vmem>> -> memref<24x512xf32, #tpu.memory_space<vmem>>
    tpu.enqueue_dma source(%dma_start3A_444 : memref<24x512xf32, #tpu.memory_space<vmem>>) target(%dma_start3A_440 : memref<24x512xf32, #tpu.memory_space<hbm>>) target_semaphore(%arg8 : memref<!tpu.dma_semaphore, #tpu.memory_space<semaphore_mem>>)
    %dma_start3A_445 = arith.constant 0 : i32
    %dma_start3A_446 = arith.constant 4 : i32
    %dma_start3A_447 = arith.constant 0 : i32
    %dma_start3A_448 = arith.constant 0 : i32
    %dma_start3A_449 = tpu.memref_slice %arg7[%dma_start3A_445, %dma_start3A_447, %dma_start3A_448] : memref<3x24x512xf32, #tpu.memory_space<vmem>> -> memref<1x24x512xf32, #tpu.memory_space<vmem>>
    %dma_start3A_450 = tpu.memref_squeeze %dma_start3A_449 : memref<1x24x512xf32, #tpu.memory_space<vmem>> -> memref<24x512xf32, #tpu.memory_space<vmem>>
    %dma_start3A_451 = arith.constant 0 : i32
    %dma_start3A_452 = tpu.memref_slice %arg4[%dma_start3A_446, %select_n3A_361, %mul3A_381, %dma_start3A_451] : memref<8x48x48x512xf32, #tpu.memory_space<hbm>> -> memref<1x1x24x512xf32, #tpu.memory_space<hbm>>
    %dma_start3A_453 = tpu.memref_squeeze %dma_start3A_452 : memref<1x1x24x512xf32, #tpu.memory_space<hbm>> -> memref<24x512xf32, #tpu.memory_space<hbm>>
    %dma_start3A_454 = arith.constant 0 : i32
    %dma_start3A_455 = tpu.memref_slice %arg4[%dma_start3A_446, %select_n3A_361, %mul3A_381, %dma_start3A_454] : memref<8x48x48x512xf32, #tpu.memory_space<hbm>> -> memref<1x1x24x512xf32, #tpu.memory_space<hbm>>
    %dma_start3A_456 = tpu.memref_squeeze %dma_start3A_455 : memref<1x1x24x512xf32, #tpu.memory_space<hbm>> -> memref<24x512xf32, #tpu.memory_space<hbm>>
    %dma_start3A_457 = arith.constant 0 : i32
    %dma_start3A_458 = arith.constant 0 : i32
    %dma_start3A_459 = tpu.memref_slice %arg7[%dma_start3A_445, %dma_start3A_457, %dma_start3A_458] : memref<3x24x512xf32, #tpu.memory_space<vmem>> -> memref<1x24x512xf32, #tpu.memory_space<vmem>>
    %dma_start3A_460 = tpu.memref_squeeze %dma_start3A_459 : memref<1x24x512xf32, #tpu.memory_space<vmem>> -> memref<24x512xf32, #tpu.memory_space<vmem>>
    tpu.enqueue_dma source(%dma_start3A_460 : memref<24x512xf32, #tpu.memory_space<vmem>>) target(%dma_start3A_456 : memref<24x512xf32, #tpu.memory_space<hbm>>) target_semaphore(%arg8 : memref<!tpu.dma_semaphore, #tpu.memory_space<semaphore_mem>>)
    %dma_start3A_461 = arith.constant 0 : i32
    %dma_start3A_462 = arith.constant 5 : i32
    %dma_start3A_463 = arith.constant 0 : i32
    %dma_start3A_464 = arith.constant 0 : i32
    %dma_start3A_465 = tpu.memref_slice %arg7[%dma_start3A_461, %dma_start3A_463, %dma_start3A_464] : memref<3x24x512xf32, #tpu.memory_space<vmem>> -> memref<1x24x512xf32, #tpu.memory_space<vmem>>
    %dma_start3A_466 = tpu.memref_squeeze %dma_start3A_465 : memref<1x24x512xf32, #tpu.memory_space<vmem>> -> memref<24x512xf32, #tpu.memory_space<vmem>>
    %dma_start3A_467 = arith.constant 0 : i32
    %dma_start3A_468 = tpu.memref_slice %arg4[%dma_start3A_462, %select_n3A_361, %mul3A_381, %dma_start3A_467] : memref<8x48x48x512xf32, #tpu.memory_space<hbm>> -> memref<1x1x24x512xf32, #tpu.memory_space<hbm>>
    %dma_start3A_469 = tpu.memref_squeeze %dma_start3A_468 : memref<1x1x24x512xf32, #tpu.memory_space<hbm>> -> memref<24x512xf32, #tpu.memory_space<hbm>>
    %dma_start3A_470 = arith.constant 0 : i32
    %dma_start3A_471 = tpu.memref_slice %arg4[%dma_start3A_462, %select_n3A_361, %mul3A_381, %dma_start3A_470] : memref<8x48x48x512xf32, #tpu.memory_space<hbm>> -> memref<1x1x24x512xf32, #tpu.memory_space<hbm>>
    %dma_start3A_472 = tpu.memref_squeeze %dma_start3A_471 : memref<1x1x24x512xf32, #tpu.memory_space<hbm>> -> memref<24x512xf32, #tpu.memory_space<hbm>>
    %dma_start3A_473 = arith.constant 0 : i32
    %dma_start3A_474 = arith.constant 0 : i32
    %dma_start3A_475 = tpu.memref_slice %arg7[%dma_start3A_461, %dma_start3A_473, %dma_start3A_474] : memref<3x24x512xf32, #tpu.memory_space<vmem>> -> memref<1x24x512xf32, #tpu.memory_space<vmem>>
    %dma_start3A_476 = tpu.memref_squeeze %dma_start3A_475 : memref<1x24x512xf32, #tpu.memory_space<vmem>> -> memref<24x512xf32, #tpu.memory_space<vmem>>
    tpu.enqueue_dma source(%dma_start3A_476 : memref<24x512xf32, #tpu.memory_space<vmem>>) target(%dma_start3A_472 : memref<24x512xf32, #tpu.memory_space<hbm>>) target_semaphore(%arg8 : memref<!tpu.dma_semaphore, #tpu.memory_space<semaphore_mem>>)
    %dma_start3A_477 = arith.constant 0 : i32
    %dma_start3A_478 = arith.constant 6 : i32
    %dma_start3A_479 = arith.constant 0 : i32
    %dma_start3A_480 = arith.constant 0 : i32
    %dma_start3A_481 = tpu.memref_slice %arg7[%dma_start3A_477, %dma_start3A_479, %dma_start3A_480] : memref<3x24x512xf32, #tpu.memory_space<vmem>> -> memref<1x24x512xf32, #tpu.memory_space<vmem>>
    %dma_start3A_482 = tpu.memref_squeeze %dma_start3A_481 : memref<1x24x512xf32, #tpu.memory_space<vmem>> -> memref<24x512xf32, #tpu.memory_space<vmem>>
    %dma_start3A_483 = arith.constant 0 : i32
    %dma_start3A_484 = tpu.memref_slice %arg4[%dma_start3A_478, %select_n3A_361, %mul3A_381, %dma_start3A_483] : memref<8x48x48x512xf32, #tpu.memory_space<hbm>> -> memref<1x1x24x512xf32, #tpu.memory_space<hbm>>
    %dma_start3A_485 = tpu.memref_squeeze %dma_start3A_484 : memref<1x1x24x512xf32, #tpu.memory_space<hbm>> -> memref<24x512xf32, #tpu.memory_space<hbm>>
    %dma_start3A_486 = arith.constant 0 : i32
    %dma_start3A_487 = tpu.memref_slice %arg4[%dma_start3A_478, %select_n3A_361, %mul3A_381, %dma_start3A_486] : memref<8x48x48x512xf32, #tpu.memory_space<hbm>> -> memref<1x1x24x512xf32, #tpu.memory_space<hbm>>
    %dma_start3A_488 = tpu.memref_squeeze %dma_start3A_487 : memref<1x1x24x512xf32, #tpu.memory_space<hbm>> -> memref<24x512xf32, #tpu.memory_space<hbm>>
    %dma_start3A_489 = arith.constant 0 : i32
    %dma_start3A_490 = arith.constant 0 : i32
    %dma_start3A_491 = tpu.memref_slice %arg7[%dma_start3A_477, %dma_start3A_489, %dma_start3A_490] : memref<3x24x512xf32, #tpu.memory_space<vmem>> -> memref<1x24x512xf32, #tpu.memory_space<vmem>>
    %dma_start3A_492 = tpu.memref_squeeze %dma_start3A_491 : memref<1x24x512xf32, #tpu.memory_space<vmem>> -> memref<24x512xf32, #tpu.memory_space<vmem>>
    tpu.enqueue_dma source(%dma_start3A_492 : memref<24x512xf32, #tpu.memory_space<vmem>>) target(%dma_start3A_488 : memref<24x512xf32, #tpu.memory_space<hbm>>) target_semaphore(%arg8 : memref<!tpu.dma_semaphore, #tpu.memory_space<semaphore_mem>>)
    %dma_start3A_493 = arith.constant 0 : i32
    %dma_start3A_494 = arith.constant 7 : i32
    %dma_start3A_495 = arith.constant 0 : i32
    %dma_start3A_496 = arith.constant 0 : i32
    %dma_start3A_497 = tpu.memref_slice %arg7[%dma_start3A_493, %dma_start3A_495, %dma_start3A_496] : memref<3x24x512xf32, #tpu.memory_space<vmem>> -> memref<1x24x512xf32, #tpu.memory_space<vmem>>
    %dma_start3A_498 = tpu.memref_squeeze %dma_start3A_497 : memref<1x24x512xf32, #tpu.memory_space<vmem>> -> memref<24x512xf32, #tpu.memory_space<vmem>>
    %dma_start3A_499 = arith.constant 0 : i32
    %dma_start3A_500 = tpu.memref_slice %arg4[%dma_start3A_494, %select_n3A_361, %mul3A_381, %dma_start3A_499] : memref<8x48x48x512xf32, #tpu.memory_space<hbm>> -> memref<1x1x24x512xf32, #tpu.memory_space<hbm>>
    %dma_start3A_501 = tpu.memref_squeeze %dma_start3A_500 : memref<1x1x24x512xf32, #tpu.memory_space<hbm>> -> memref<24x512xf32, #tpu.memory_space<hbm>>
    %dma_start3A_502 = arith.constant 0 : i32
    %dma_start3A_503 = tpu.memref_slice %arg4[%dma_start3A_494, %select_n3A_361, %mul3A_381, %dma_start3A_502] : memref<8x48x48x512xf32, #tpu.memory_space<hbm>> -> memref<1x1x24x512xf32, #tpu.memory_space<hbm>>
    %dma_start3A_504 = tpu.memref_squeeze %dma_start3A_503 : memref<1x1x24x512xf32, #tpu.memory_space<hbm>> -> memref<24x512xf32, #tpu.memory_space<hbm>>
    %dma_start3A_505 = arith.constant 0 : i32
    %dma_start3A_506 = arith.constant 0 : i32
    %dma_start3A_507 = tpu.memref_slice %arg7[%dma_start3A_493, %dma_start3A_505, %dma_start3A_506] : memref<3x24x512xf32, #tpu.memory_space<vmem>> -> memref<1x24x512xf32, #tpu.memory_space<vmem>>
    %dma_start3A_508 = tpu.memref_squeeze %dma_start3A_507 : memref<1x24x512xf32, #tpu.memory_space<vmem>> -> memref<24x512xf32, #tpu.memory_space<vmem>>
    tpu.enqueue_dma source(%dma_start3A_508 : memref<24x512xf32, #tpu.memory_space<vmem>>) target(%dma_start3A_504 : memref<24x512xf32, #tpu.memory_space<hbm>>) target_semaphore(%arg8 : memref<!tpu.dma_semaphore, #tpu.memory_space<semaphore_mem>>)
    %add3A_509 = arith.constant 1 : i32
    %add3A_510 = arith.addi %mul3A_2, %add3A_509 : i32
    %jit3A_511 = arith.constant 2 : i32
    %div3A_512 = arith.divsi %add3A_510, %jit3A_511 : i32
    %sign3A_513 = arith.constant 0 : i32
    %sign3A_514 = arith.cmpi sgt, %add3A_510, %sign3A_513 : i32
    %sign3A_515 = arith.extui %sign3A_514 : i1 to i32
    %sign3A_516 = arith.constant 0 : i32
    %sign3A_517 = arith.cmpi slt, %add3A_510, %sign3A_516 : i32
    %sign3A_518 = arith.extui %sign3A_517 : i1 to i32
    %sign3A_519 = arith.subi %sign3A_515, %sign3A_518 : i32
    %sign3A_520 = arith.constant 0 : i32
    %sign3A_521 = arith.cmpi sgt, %jit3A_511, %sign3A_520 : i32
    %sign3A_522 = arith.extui %sign3A_521 : i1 to i32
    %sign3A_523 = arith.constant 0 : i32
    %sign3A_524 = arith.cmpi slt, %jit3A_511, %sign3A_523 : i32
    %sign3A_525 = arith.extui %sign3A_524 : i1 to i32
    %sign3A_526 = arith.subi %sign3A_522, %sign3A_525 : i32
    %ne3A_527 = arith.cmpi ne, %sign3A_519, %sign3A_526 : i32
    %rem3A_528 = arith.remsi %add3A_510, %jit3A_511 : i32
    %ne3A_529 = arith.constant 0 : i32
    %ne3A_530 = arith.cmpi ne, %rem3A_528, %ne3A_529 : i32
    %and3A_531 = arith.andi %ne3A_527, %ne3A_530 : i1
    %sub3A_532 = arith.constant 1 : i32
    %sub3A_533 = arith.subi %div3A_512, %sub3A_532 : i32
    %select_n3A_534 = arith.select %and3A_531, %sub3A_533, %div3A_512 : i32
    %add3A_535 = arith.constant 1 : i32
    %add3A_536 = arith.addi %mul3A_2, %add3A_535 : i32
    %jit3A_537 = arith.constant 2 : i32
    %eq3A_538 = arith.constant 0 : i32
    %eq3A_539 = arith.cmpi eq, %jit3A_537, %eq3A_538 : i32
    %jit3A_540 = arith.constant 1 : i32
    %select_n3A_541 = arith.select %eq3A_539, %jit3A_540, %jit3A_537 : i32
    %rem3A_542 = arith.remsi %add3A_536, %select_n3A_541 : i32
    %ne3A_543 = arith.constant 0 : i32
    %ne3A_544 = arith.cmpi ne, %rem3A_542, %ne3A_543 : i32
    %lt3A_545 = arith.constant 0 : i32
    %lt3A_546 = arith.cmpi slt, %rem3A_542, %lt3A_545 : i32
    %lt3A_547 = arith.constant 0 : i32
    %lt3A_548 = arith.cmpi slt, %select_n3A_541, %lt3A_547 : i32
    %ne3A_549 = arith.xori %lt3A_546, %lt3A_548 : i1
    %and3A_550 = arith.andi %ne3A_549, %ne3A_544 : i1
    %add3A_551 = arith.addi %rem3A_542, %select_n3A_541 : i32
    %select_n3A_552 = arith.select %and3A_550, %add3A_551, %rem3A_542 : i32
    %mul3A_553 = arith.constant 24 : i32
    %mul3A_554 = arith.muli %select_n3A_552, %mul3A_553 : i32
    %dma_start3A_555 = arith.constant 1 : i32
    %dma_start3A_556 = arith.constant 0 : i32
    %dma_start3A_557 = arith.constant 0 : i32
    %dma_start3A_558 = arith.constant 0 : i32
    %dma_start3A_559 = tpu.memref_slice %arg7[%dma_start3A_555, %dma_start3A_557, %dma_start3A_558] : memref<3x24x512xf32, #tpu.memory_space<vmem>> -> memref<1x24x512xf32, #tpu.memory_space<vmem>>
    %dma_start3A_560 = tpu.memref_squeeze %dma_start3A_559 : memref<1x24x512xf32, #tpu.memory_space<vmem>> -> memref<24x512xf32, #tpu.memory_space<vmem>>
    %dma_start3A_561 = arith.constant 0 : i32
    %dma_start3A_562 = tpu.memref_slice %arg4[%dma_start3A_556, %select_n3A_534, %mul3A_554, %dma_start3A_561] : memref<8x48x48x512xf32, #tpu.memory_space<hbm>> -> memref<1x1x24x512xf32, #tpu.memory_space<hbm>>
    %dma_start3A_563 = tpu.memref_squeeze %dma_start3A_562 : memref<1x1x24x512xf32, #tpu.memory_space<hbm>> -> memref<24x512xf32, #tpu.memory_space<hbm>>
    %dma_start3A_564 = arith.constant 0 : i32
    %dma_start3A_565 = tpu.memref_slice %arg4[%dma_start3A_556, %select_n3A_534, %mul3A_554, %dma_start3A_564] : memref<8x48x48x512xf32, #tpu.memory_space<hbm>> -> memref<1x1x24x512xf32, #tpu.memory_space<hbm>>
    %dma_start3A_566 = tpu.memref_squeeze %dma_start3A_565 : memref<1x1x24x512xf32, #tpu.memory_space<hbm>> -> memref<24x512xf32, #tpu.memory_space<hbm>>
    %dma_start3A_567 = arith.constant 0 : i32
    %dma_start3A_568 = arith.constant 0 : i32
    %dma_start3A_569 = tpu.memref_slice %arg7[%dma_start3A_555, %dma_start3A_567, %dma_start3A_568] : memref<3x24x512xf32, #tpu.memory_space<vmem>> -> memref<1x24x512xf32, #tpu.memory_space<vmem>>
    %dma_start3A_570 = tpu.memref_squeeze %dma_start3A_569 : memref<1x24x512xf32, #tpu.memory_space<vmem>> -> memref<24x512xf32, #tpu.memory_space<vmem>>
    tpu.enqueue_dma source(%dma_start3A_570 : memref<24x512xf32, #tpu.memory_space<vmem>>) target(%dma_start3A_566 : memref<24x512xf32, #tpu.memory_space<hbm>>) target_semaphore(%arg8 : memref<!tpu.dma_semaphore, #tpu.memory_space<semaphore_mem>>)
    %dma_start3A_571 = arith.constant 1 : i32
    %dma_start3A_572 = arith.constant 1 : i32
    %dma_start3A_573 = arith.constant 0 : i32
    %dma_start3A_574 = arith.constant 0 : i32
    %dma_start3A_575 = tpu.memref_slice %arg7[%dma_start3A_571, %dma_start3A_573, %dma_start3A_574] : memref<3x24x512xf32, #tpu.memory_space<vmem>> -> memref<1x24x512xf32, #tpu.memory_space<vmem>>
    %dma_start3A_576 = tpu.memref_squeeze %dma_start3A_575 : memref<1x24x512xf32, #tpu.memory_space<vmem>> -> memref<24x512xf32, #tpu.memory_space<vmem>>
    %dma_start3A_577 = arith.constant 0 : i32
    %dma_start3A_578 = tpu.memref_slice %arg4[%dma_start3A_572, %select_n3A_534, %mul3A_554, %dma_start3A_577] : memref<8x48x48x512xf32, #tpu.memory_space<hbm>> -> memref<1x1x24x512xf32, #tpu.memory_space<hbm>>
    %dma_start3A_579 = tpu.memref_squeeze %dma_start3A_578 : memref<1x1x24x512xf32, #tpu.memory_space<hbm>> -> memref<24x512xf32, #tpu.memory_space<hbm>>
    %dma_start3A_580 = arith.constant 0 : i32
    %dma_start3A_581 = tpu.memref_slice %arg4[%dma_start3A_572, %select_n3A_534, %mul3A_554, %dma_start3A_580] : memref<8x48x48x512xf32, #tpu.memory_space<hbm>> -> memref<1x1x24x512xf32, #tpu.memory_space<hbm>>
    %dma_start3A_582 = tpu.memref_squeeze %dma_start3A_581 : memref<1x1x24x512xf32, #tpu.memory_space<hbm>> -> memref<24x512xf32, #tpu.memory_space<hbm>>
    %dma_start3A_583 = arith.constant 0 : i32
    %dma_start3A_584 = arith.constant 0 : i32
    %dma_start3A_585 = tpu.memref_slice %arg7[%dma_start3A_571, %dma_start3A_583, %dma_start3A_584] : memref<3x24x512xf32, #tpu.memory_space<vmem>> -> memref<1x24x512xf32, #tpu.memory_space<vmem>>
    %dma_start3A_586 = tpu.memref_squeeze %dma_start3A_585 : memref<1x24x512xf32, #tpu.memory_space<vmem>> -> memref<24x512xf32, #tpu.memory_space<vmem>>
    tpu.enqueue_dma source(%dma_start3A_586 : memref<24x512xf32, #tpu.memory_space<vmem>>) target(%dma_start3A_582 : memref<24x512xf32, #tpu.memory_space<hbm>>) target_semaphore(%arg8 : memref<!tpu.dma_semaphore, #tpu.memory_space<semaphore_mem>>)
    %dma_start3A_587 = arith.constant 1 : i32
    %dma_start3A_588 = arith.constant 2 : i32
    %dma_start3A_589 = arith.constant 0 : i32
    %dma_start3A_590 = arith.constant 0 : i32
    %dma_start3A_591 = tpu.memref_slice %arg7[%dma_start3A_587, %dma_start3A_589, %dma_start3A_590] : memref<3x24x512xf32, #tpu.memory_space<vmem>> -> memref<1x24x512xf32, #tpu.memory_space<vmem>>
    %dma_start3A_592 = tpu.memref_squeeze %dma_start3A_591 : memref<1x24x512xf32, #tpu.memory_space<vmem>> -> memref<24x512xf32, #tpu.memory_space<vmem>>
    %dma_start3A_593 = arith.constant 0 : i32
    %dma_start3A_594 = tpu.memref_slice %arg4[%dma_start3A_588, %select_n3A_534, %mul3A_554, %dma_start3A_593] : memref<8x48x48x512xf32, #tpu.memory_space<hbm>> -> memref<1x1x24x512xf32, #tpu.memory_space<hbm>>
    %dma_start3A_595 = tpu.memref_squeeze %dma_start3A_594 : memref<1x1x24x512xf32, #tpu.memory_space<hbm>> -> memref<24x512xf32, #tpu.memory_space<hbm>>
    %dma_start3A_596 = arith.constant 0 : i32
    %dma_start3A_597 = tpu.memref_slice %arg4[%dma_start3A_588, %select_n3A_534, %mul3A_554, %dma_start3A_596] : memref<8x48x48x512xf32, #tpu.memory_space<hbm>> -> memref<1x1x24x512xf32, #tpu.memory_space<hbm>>
    %dma_start3A_598 = tpu.memref_squeeze %dma_start3A_597 : memref<1x1x24x512xf32, #tpu.memory_space<hbm>> -> memref<24x512xf32, #tpu.memory_space<hbm>>
    %dma_start3A_599 = arith.constant 0 : i32
    %dma_start3A_600 = arith.constant 0 : i32
    %dma_start3A_601 = tpu.memref_slice %arg7[%dma_start3A_587, %dma_start3A_599, %dma_start3A_600] : memref<3x24x512xf32, #tpu.memory_space<vmem>> -> memref<1x24x512xf32, #tpu.memory_space<vmem>>
    %dma_start3A_602 = tpu.memref_squeeze %dma_start3A_601 : memref<1x24x512xf32, #tpu.memory_space<vmem>> -> memref<24x512xf32, #tpu.memory_space<vmem>>
    tpu.enqueue_dma source(%dma_start3A_602 : memref<24x512xf32, #tpu.memory_space<vmem>>) target(%dma_start3A_598 : memref<24x512xf32, #tpu.memory_space<hbm>>) target_semaphore(%arg8 : memref<!tpu.dma_semaphore, #tpu.memory_space<semaphore_mem>>)
    %dma_start3A_603 = arith.constant 1 : i32
    %dma_start3A_604 = arith.constant 3 : i32
    %dma_start3A_605 = arith.constant 0 : i32
    %dma_start3A_606 = arith.constant 0 : i32
    %dma_start3A_607 = tpu.memref_slice %arg7[%dma_start3A_603, %dma_start3A_605, %dma_start3A_606] : memref<3x24x512xf32, #tpu.memory_space<vmem>> -> memref<1x24x512xf32, #tpu.memory_space<vmem>>
    %dma_start3A_608 = tpu.memref_squeeze %dma_start3A_607 : memref<1x24x512xf32, #tpu.memory_space<vmem>> -> memref<24x512xf32, #tpu.memory_space<vmem>>
    %dma_start3A_609 = arith.constant 0 : i32
    %dma_start3A_610 = tpu.memref_slice %arg4[%dma_start3A_604, %select_n3A_534, %mul3A_554, %dma_start3A_609] : memref<8x48x48x512xf32, #tpu.memory_space<hbm>> -> memref<1x1x24x512xf32, #tpu.memory_space<hbm>>
    %dma_start3A_611 = tpu.memref_squeeze %dma_start3A_610 : memref<1x1x24x512xf32, #tpu.memory_space<hbm>> -> memref<24x512xf32, #tpu.memory_space<hbm>>
    %dma_start3A_612 = arith.constant 0 : i32
    %dma_start3A_613 = tpu.memref_slice %arg4[%dma_start3A_604, %select_n3A_534, %mul3A_554, %dma_start3A_612] : memref<8x48x48x512xf32, #tpu.memory_space<hbm>> -> memref<1x1x24x512xf32, #tpu.memory_space<hbm>>
    %dma_start3A_614 = tpu.memref_squeeze %dma_start3A_613 : memref<1x1x24x512xf32, #tpu.memory_space<hbm>> -> memref<24x512xf32, #tpu.memory_space<hbm>>
    %dma_start3A_615 = arith.constant 0 : i32
    %dma_start3A_616 = arith.constant 0 : i32
    %dma_start3A_617 = tpu.memref_slice %arg7[%dma_start3A_603, %dma_start3A_615, %dma_start3A_616] : memref<3x24x512xf32, #tpu.memory_space<vmem>> -> memref<1x24x512xf32, #tpu.memory_space<vmem>>
    %dma_start3A_618 = tpu.memref_squeeze %dma_start3A_617 : memref<1x24x512xf32, #tpu.memory_space<vmem>> -> memref<24x512xf32, #tpu.memory_space<vmem>>
    tpu.enqueue_dma source(%dma_start3A_618 : memref<24x512xf32, #tpu.memory_space<vmem>>) target(%dma_start3A_614 : memref<24x512xf32, #tpu.memory_space<hbm>>) target_semaphore(%arg8 : memref<!tpu.dma_semaphore, #tpu.memory_space<semaphore_mem>>)
    %dma_start3A_619 = arith.constant 1 : i32
    %dma_start3A_620 = arith.constant 4 : i32
    %dma_start3A_621 = arith.constant 0 : i32
    %dma_start3A_622 = arith.constant 0 : i32
    %dma_start3A_623 = tpu.memref_slice %arg7[%dma_start3A_619, %dma_start3A_621, %dma_start3A_622] : memref<3x24x512xf32, #tpu.memory_space<vmem>> -> memref<1x24x512xf32, #tpu.memory_space<vmem>>
    %dma_start3A_624 = tpu.memref_squeeze %dma_start3A_623 : memref<1x24x512xf32, #tpu.memory_space<vmem>> -> memref<24x512xf32, #tpu.memory_space<vmem>>
    %dma_start3A_625 = arith.constant 0 : i32
    %dma_start3A_626 = tpu.memref_slice %arg4[%dma_start3A_620, %select_n3A_534, %mul3A_554, %dma_start3A_625] : memref<8x48x48x512xf32, #tpu.memory_space<hbm>> -> memref<1x1x24x512xf32, #tpu.memory_space<hbm>>
    %dma_start3A_627 = tpu.memref_squeeze %dma_start3A_626 : memref<1x1x24x512xf32, #tpu.memory_space<hbm>> -> memref<24x512xf32, #tpu.memory_space<hbm>>
    %dma_start3A_628 = arith.constant 0 : i32
    %dma_start3A_629 = tpu.memref_slice %arg4[%dma_start3A_620, %select_n3A_534, %mul3A_554, %dma_start3A_628] : memref<8x48x48x512xf32, #tpu.memory_space<hbm>> -> memref<1x1x24x512xf32, #tpu.memory_space<hbm>>
    %dma_start3A_630 = tpu.memref_squeeze %dma_start3A_629 : memref<1x1x24x512xf32, #tpu.memory_space<hbm>> -> memref<24x512xf32, #tpu.memory_space<hbm>>
    %dma_start3A_631 = arith.constant 0 : i32
    %dma_start3A_632 = arith.constant 0 : i32
    %dma_start3A_633 = tpu.memref_slice %arg7[%dma_start3A_619, %dma_start3A_631, %dma_start3A_632] : memref<3x24x512xf32, #tpu.memory_space<vmem>> -> memref<1x24x512xf32, #tpu.memory_space<vmem>>
    %dma_start3A_634 = tpu.memref_squeeze %dma_start3A_633 : memref<1x24x512xf32, #tpu.memory_space<vmem>> -> memref<24x512xf32, #tpu.memory_space<vmem>>
    tpu.enqueue_dma source(%dma_start3A_634 : memref<24x512xf32, #tpu.memory_space<vmem>>) target(%dma_start3A_630 : memref<24x512xf32, #tpu.memory_space<hbm>>) target_semaphore(%arg8 : memref<!tpu.dma_semaphore, #tpu.memory_space<semaphore_mem>>)
    %dma_start3A_635 = arith.constant 1 : i32
    %dma_start3A_636 = arith.constant 5 : i32
    %dma_start3A_637 = arith.constant 0 : i32
    %dma_start3A_638 = arith.constant 0 : i32
    %dma_start3A_639 = tpu.memref_slice %arg7[%dma_start3A_635, %dma_start3A_637, %dma_start3A_638] : memref<3x24x512xf32, #tpu.memory_space<vmem>> -> memref<1x24x512xf32, #tpu.memory_space<vmem>>
    %dma_start3A_640 = tpu.memref_squeeze %dma_start3A_639 : memref<1x24x512xf32, #tpu.memory_space<vmem>> -> memref<24x512xf32, #tpu.memory_space<vmem>>
    %dma_start3A_641 = arith.constant 0 : i32
    %dma_start3A_642 = tpu.memref_slice %arg4[%dma_start3A_636, %select_n3A_534, %mul3A_554, %dma_start3A_641] : memref<8x48x48x512xf32, #tpu.memory_space<hbm>> -> memref<1x1x24x512xf32, #tpu.memory_space<hbm>>
    %dma_start3A_643 = tpu.memref_squeeze %dma_start3A_642 : memref<1x1x24x512xf32, #tpu.memory_space<hbm>> -> memref<24x512xf32, #tpu.memory_space<hbm>>
    %dma_start3A_644 = arith.constant 0 : i32
    %dma_start3A_645 = tpu.memref_slice %arg4[%dma_start3A_636, %select_n3A_534, %mul3A_554, %dma_start3A_644] : memref<8x48x48x512xf32, #tpu.memory_space<hbm>> -> memref<1x1x24x512xf32, #tpu.memory_space<hbm>>
    %dma_start3A_646 = tpu.memref_squeeze %dma_start3A_645 : memref<1x1x24x512xf32, #tpu.memory_space<hbm>> -> memref<24x512xf32, #tpu.memory_space<hbm>>
    %dma_start3A_647 = arith.constant 0 : i32
    %dma_start3A_648 = arith.constant 0 : i32
    %dma_start3A_649 = tpu.memref_slice %arg7[%dma_start3A_635, %dma_start3A_647, %dma_start3A_648] : memref<3x24x512xf32, #tpu.memory_space<vmem>> -> memref<1x24x512xf32, #tpu.memory_space<vmem>>
    %dma_start3A_650 = tpu.memref_squeeze %dma_start3A_649 : memref<1x24x512xf32, #tpu.memory_space<vmem>> -> memref<24x512xf32, #tpu.memory_space<vmem>>
    tpu.enqueue_dma source(%dma_start3A_650 : memref<24x512xf32, #tpu.memory_space<vmem>>) target(%dma_start3A_646 : memref<24x512xf32, #tpu.memory_space<hbm>>) target_semaphore(%arg8 : memref<!tpu.dma_semaphore, #tpu.memory_space<semaphore_mem>>)
    %dma_start3A_651 = arith.constant 1 : i32
    %dma_start3A_652 = arith.constant 6 : i32
    %dma_start3A_653 = arith.constant 0 : i32
    %dma_start3A_654 = arith.constant 0 : i32
    %dma_start3A_655 = tpu.memref_slice %arg7[%dma_start3A_651, %dma_start3A_653, %dma_start3A_654] : memref<3x24x512xf32, #tpu.memory_space<vmem>> -> memref<1x24x512xf32, #tpu.memory_space<vmem>>
    %dma_start3A_656 = tpu.memref_squeeze %dma_start3A_655 : memref<1x24x512xf32, #tpu.memory_space<vmem>> -> memref<24x512xf32, #tpu.memory_space<vmem>>
    %dma_start3A_657 = arith.constant 0 : i32
    %dma_start3A_658 = tpu.memref_slice %arg4[%dma_start3A_652, %select_n3A_534, %mul3A_554, %dma_start3A_657] : memref<8x48x48x512xf32, #tpu.memory_space<hbm>> -> memref<1x1x24x512xf32, #tpu.memory_space<hbm>>
    %dma_start3A_659 = tpu.memref_squeeze %dma_start3A_658 : memref<1x1x24x512xf32, #tpu.memory_space<hbm>> -> memref<24x512xf32, #tpu.memory_space<hbm>>
    %dma_start3A_660 = arith.constant 0 : i32
    %dma_start3A_661 = tpu.memref_slice %arg4[%dma_start3A_652, %select_n3A_534, %mul3A_554, %dma_start3A_660] : memref<8x48x48x512xf32, #tpu.memory_space<hbm>> -> memref<1x1x24x512xf32, #tpu.memory_space<hbm>>
    %dma_start3A_662 = tpu.memref_squeeze %dma_start3A_661 : memref<1x1x24x512xf32, #tpu.memory_space<hbm>> -> memref<24x512xf32, #tpu.memory_space<hbm>>
    %dma_start3A_663 = arith.constant 0 : i32
    %dma_start3A_664 = arith.constant 0 : i32
    %dma_start3A_665 = tpu.memref_slice %arg7[%dma_start3A_651, %dma_start3A_663, %dma_start3A_664] : memref<3x24x512xf32, #tpu.memory_space<vmem>> -> memref<1x24x512xf32, #tpu.memory_space<vmem>>
    %dma_start3A_666 = tpu.memref_squeeze %dma_start3A_665 : memref<1x24x512xf32, #tpu.memory_space<vmem>> -> memref<24x512xf32, #tpu.memory_space<vmem>>
    tpu.enqueue_dma source(%dma_start3A_666 : memref<24x512xf32, #tpu.memory_space<vmem>>) target(%dma_start3A_662 : memref<24x512xf32, #tpu.memory_space<hbm>>) target_semaphore(%arg8 : memref<!tpu.dma_semaphore, #tpu.memory_space<semaphore_mem>>)
    %dma_start3A_667 = arith.constant 1 : i32
    %dma_start3A_668 = arith.constant 7 : i32
    %dma_start3A_669 = arith.constant 0 : i32
    %dma_start3A_670 = arith.constant 0 : i32
    %dma_start3A_671 = tpu.memref_slice %arg7[%dma_start3A_667, %dma_start3A_669, %dma_start3A_670] : memref<3x24x512xf32, #tpu.memory_space<vmem>> -> memref<1x24x512xf32, #tpu.memory_space<vmem>>
    %dma_start3A_672 = tpu.memref_squeeze %dma_start3A_671 : memref<1x24x512xf32, #tpu.memory_space<vmem>> -> memref<24x512xf32, #tpu.memory_space<vmem>>
    %dma_start3A_673 = arith.constant 0 : i32
    %dma_start3A_674 = tpu.memref_slice %arg4[%dma_start3A_668, %select_n3A_534, %mul3A_554, %dma_start3A_673] : memref<8x48x48x512xf32, #tpu.memory_space<hbm>> -> memref<1x1x24x512xf32, #tpu.memory_space<hbm>>
    %dma_start3A_675 = tpu.memref_squeeze %dma_start3A_674 : memref<1x1x24x512xf32, #tpu.memory_space<hbm>> -> memref<24x512xf32, #tpu.memory_space<hbm>>
    %dma_start3A_676 = arith.constant 0 : i32
    %dma_start3A_677 = tpu.memref_slice %arg4[%dma_start3A_668, %select_n3A_534, %mul3A_554, %dma_start3A_676] : memref<8x48x48x512xf32, #tpu.memory_space<hbm>> -> memref<1x1x24x512xf32, #tpu.memory_space<hbm>>
    %dma_start3A_678 = tpu.memref_squeeze %dma_start3A_677 : memref<1x1x24x512xf32, #tpu.memory_space<hbm>> -> memref<24x512xf32, #tpu.memory_space<hbm>>
    %dma_start3A_679 = arith.constant 0 : i32
    %dma_start3A_680 = arith.constant 0 : i32
    %dma_start3A_681 = tpu.memref_slice %arg7[%dma_start3A_667, %dma_start3A_679, %dma_start3A_680] : memref<3x24x512xf32, #tpu.memory_space<vmem>> -> memref<1x24x512xf32, #tpu.memory_space<vmem>>
    %dma_start3A_682 = tpu.memref_squeeze %dma_start3A_681 : memref<1x24x512xf32, #tpu.memory_space<vmem>> -> memref<24x512xf32, #tpu.memory_space<vmem>>
    tpu.enqueue_dma source(%dma_start3A_682 : memref<24x512xf32, #tpu.memory_space<vmem>>) target(%dma_start3A_678 : memref<24x512xf32, #tpu.memory_space<hbm>>) target_semaphore(%arg8 : memref<!tpu.dma_semaphore, #tpu.memory_space<semaphore_mem>>)
    %add3A_683 = arith.constant 2 : i32
    %add3A_684 = arith.addi %mul3A_2, %add3A_683 : i32
    %jit3A_685 = arith.constant 2 : i32
    %div3A_686 = arith.divsi %add3A_684, %jit3A_685 : i32
    %sign3A_687 = arith.constant 0 : i32
    %sign3A_688 = arith.cmpi sgt, %add3A_684, %sign3A_687 : i32
    %sign3A_689 = arith.extui %sign3A_688 : i1 to i32
    %sign3A_690 = arith.constant 0 : i32
    %sign3A_691 = arith.cmpi slt, %add3A_684, %sign3A_690 : i32
    %sign3A_692 = arith.extui %sign3A_691 : i1 to i32
    %sign3A_693 = arith.subi %sign3A_689, %sign3A_692 : i32
    %sign3A_694 = arith.constant 0 : i32
    %sign3A_695 = arith.cmpi sgt, %jit3A_685, %sign3A_694 : i32
    %sign3A_696 = arith.extui %sign3A_695 : i1 to i32
    %sign3A_697 = arith.constant 0 : i32
    %sign3A_698 = arith.cmpi slt, %jit3A_685, %sign3A_697 : i32
    %sign3A_699 = arith.extui %sign3A_698 : i1 to i32
    %sign3A_700 = arith.subi %sign3A_696, %sign3A_699 : i32
    %ne3A_701 = arith.cmpi ne, %sign3A_693, %sign3A_700 : i32
    %rem3A_702 = arith.remsi %add3A_684, %jit3A_685 : i32
    %ne3A_703 = arith.constant 0 : i32
    %ne3A_704 = arith.cmpi ne, %rem3A_702, %ne3A_703 : i32
    %and3A_705 = arith.andi %ne3A_701, %ne3A_704 : i1
    %sub3A_706 = arith.constant 1 : i32
    %sub3A_707 = arith.subi %div3A_686, %sub3A_706 : i32
    %select_n3A_708 = arith.select %and3A_705, %sub3A_707, %div3A_686 : i32
    %add3A_709 = arith.constant 2 : i32
    %add3A_710 = arith.addi %mul3A_2, %add3A_709 : i32
    %jit3A_711 = arith.constant 2 : i32
    %eq3A_712 = arith.constant 0 : i32
    %eq3A_713 = arith.cmpi eq, %jit3A_711, %eq3A_712 : i32
    %jit3A_714 = arith.constant 1 : i32
    %select_n3A_715 = arith.select %eq3A_713, %jit3A_714, %jit3A_711 : i32
    %rem3A_716 = arith.remsi %add3A_710, %select_n3A_715 : i32
    %ne3A_717 = arith.constant 0 : i32
    %ne3A_718 = arith.cmpi ne, %rem3A_716, %ne3A_717 : i32
    %lt3A_719 = arith.constant 0 : i32
    %lt3A_720 = arith.cmpi slt, %rem3A_716, %lt3A_719 : i32
    %lt3A_721 = arith.constant 0 : i32
    %lt3A_722 = arith.cmpi slt, %select_n3A_715, %lt3A_721 : i32
    %ne3A_723 = arith.xori %lt3A_720, %lt3A_722 : i1
    %and3A_724 = arith.andi %ne3A_723, %ne3A_718 : i1
    %add3A_725 = arith.addi %rem3A_716, %select_n3A_715 : i32
    %select_n3A_726 = arith.select %and3A_724, %add3A_725, %rem3A_716 : i32
    %mul3A_727 = arith.constant 24 : i32
    %mul3A_728 = arith.muli %select_n3A_726, %mul3A_727 : i32
    %dma_start3A_729 = arith.constant 2 : i32
    %dma_start3A_730 = arith.constant 0 : i32
    %dma_start3A_731 = arith.constant 0 : i32
    %dma_start3A_732 = arith.constant 0 : i32
    %dma_start3A_733 = tpu.memref_slice %arg7[%dma_start3A_729, %dma_start3A_731, %dma_start3A_732] : memref<3x24x512xf32, #tpu.memory_space<vmem>> -> memref<1x24x512xf32, #tpu.memory_space<vmem>>
    %dma_start3A_734 = tpu.memref_squeeze %dma_start3A_733 : memref<1x24x512xf32, #tpu.memory_space<vmem>> -> memref<24x512xf32, #tpu.memory_space<vmem>>
    %dma_start3A_735 = arith.constant 0 : i32
    %dma_start3A_736 = tpu.memref_slice %arg4[%dma_start3A_730, %select_n3A_708, %mul3A_728, %dma_start3A_735] : memref<8x48x48x512xf32, #tpu.memory_space<hbm>> -> memref<1x1x24x512xf32, #tpu.memory_space<hbm>>
    %dma_start3A_737 = tpu.memref_squeeze %dma_start3A_736 : memref<1x1x24x512xf32, #tpu.memory_space<hbm>> -> memref<24x512xf32, #tpu.memory_space<hbm>>
    %dma_start3A_738 = arith.constant 0 : i32
    %dma_start3A_739 = tpu.memref_slice %arg4[%dma_start3A_730, %select_n3A_708, %mul3A_728, %dma_start3A_738] : memref<8x48x48x512xf32, #tpu.memory_space<hbm>> -> memref<1x1x24x512xf32, #tpu.memory_space<hbm>>
    %dma_start3A_740 = tpu.memref_squeeze %dma_start3A_739 : memref<1x1x24x512xf32, #tpu.memory_space<hbm>> -> memref<24x512xf32, #tpu.memory_space<hbm>>
    %dma_start3A_741 = arith.constant 0 : i32
    %dma_start3A_742 = arith.constant 0 : i32
    %dma_start3A_743 = tpu.memref_slice %arg7[%dma_start3A_729, %dma_start3A_741, %dma_start3A_742] : memref<3x24x512xf32, #tpu.memory_space<vmem>> -> memref<1x24x512xf32, #tpu.memory_space<vmem>>
    %dma_start3A_744 = tpu.memref_squeeze %dma_start3A_743 : memref<1x24x512xf32, #tpu.memory_space<vmem>> -> memref<24x512xf32, #tpu.memory_space<vmem>>
    tpu.enqueue_dma source(%dma_start3A_744 : memref<24x512xf32, #tpu.memory_space<vmem>>) target(%dma_start3A_740 : memref<24x512xf32, #tpu.memory_space<hbm>>) target_semaphore(%arg8 : memref<!tpu.dma_semaphore, #tpu.memory_space<semaphore_mem>>)
    %dma_start3A_745 = arith.constant 2 : i32
    %dma_start3A_746 = arith.constant 1 : i32
    %dma_start3A_747 = arith.constant 0 : i32
    %dma_start3A_748 = arith.constant 0 : i32
    %dma_start3A_749 = tpu.memref_slice %arg7[%dma_start3A_745, %dma_start3A_747, %dma_start3A_748] : memref<3x24x512xf32, #tpu.memory_space<vmem>> -> memref<1x24x512xf32, #tpu.memory_space<vmem>>
    %dma_start3A_750 = tpu.memref_squeeze %dma_start3A_749 : memref<1x24x512xf32, #tpu.memory_space<vmem>> -> memref<24x512xf32, #tpu.memory_space<vmem>>
    %dma_start3A_751 = arith.constant 0 : i32
    %dma_start3A_752 = tpu.memref_slice %arg4[%dma_start3A_746, %select_n3A_708, %mul3A_728, %dma_start3A_751] : memref<8x48x48x512xf32, #tpu.memory_space<hbm>> -> memref<1x1x24x512xf32, #tpu.memory_space<hbm>>
    %dma_start3A_753 = tpu.memref_squeeze %dma_start3A_752 : memref<1x1x24x512xf32, #tpu.memory_space<hbm>> -> memref<24x512xf32, #tpu.memory_space<hbm>>
    %dma_start3A_754 = arith.constant 0 : i32
    %dma_start3A_755 = tpu.memref_slice %arg4[%dma_start3A_746, %select_n3A_708, %mul3A_728, %dma_start3A_754] : memref<8x48x48x512xf32, #tpu.memory_space<hbm>> -> memref<1x1x24x512xf32, #tpu.memory_space<hbm>>
    %dma_start3A_756 = tpu.memref_squeeze %dma_start3A_755 : memref<1x1x24x512xf32, #tpu.memory_space<hbm>> -> memref<24x512xf32, #tpu.memory_space<hbm>>
    %dma_start3A_757 = arith.constant 0 : i32
    %dma_start3A_758 = arith.constant 0 : i32
    %dma_start3A_759 = tpu.memref_slice %arg7[%dma_start3A_745, %dma_start3A_757, %dma_start3A_758] : memref<3x24x512xf32, #tpu.memory_space<vmem>> -> memref<1x24x512xf32, #tpu.memory_space<vmem>>
    %dma_start3A_760 = tpu.memref_squeeze %dma_start3A_759 : memref<1x24x512xf32, #tpu.memory_space<vmem>> -> memref<24x512xf32, #tpu.memory_space<vmem>>
    tpu.enqueue_dma source(%dma_start3A_760 : memref<24x512xf32, #tpu.memory_space<vmem>>) target(%dma_start3A_756 : memref<24x512xf32, #tpu.memory_space<hbm>>) target_semaphore(%arg8 : memref<!tpu.dma_semaphore, #tpu.memory_space<semaphore_mem>>)
    %dma_start3A_761 = arith.constant 2 : i32
    %dma_start3A_762 = arith.constant 2 : i32
    %dma_start3A_763 = arith.constant 0 : i32
    %dma_start3A_764 = arith.constant 0 : i32
    %dma_start3A_765 = tpu.memref_slice %arg7[%dma_start3A_761, %dma_start3A_763, %dma_start3A_764] : memref<3x24x512xf32, #tpu.memory_space<vmem>> -> memref<1x24x512xf32, #tpu.memory_space<vmem>>
    %dma_start3A_766 = tpu.memref_squeeze %dma_start3A_765 : memref<1x24x512xf32, #tpu.memory_space<vmem>> -> memref<24x512xf32, #tpu.memory_space<vmem>>
    %dma_start3A_767 = arith.constant 0 : i32
    %dma_start3A_768 = tpu.memref_slice %arg4[%dma_start3A_762, %select_n3A_708, %mul3A_728, %dma_start3A_767] : memref<8x48x48x512xf32, #tpu.memory_space<hbm>> -> memref<1x1x24x512xf32, #tpu.memory_space<hbm>>
    %dma_start3A_769 = tpu.memref_squeeze %dma_start3A_768 : memref<1x1x24x512xf32, #tpu.memory_space<hbm>> -> memref<24x512xf32, #tpu.memory_space<hbm>>
    %dma_start3A_770 = arith.constant 0 : i32
    %dma_start3A_771 = tpu.memref_slice %arg4[%dma_start3A_762, %select_n3A_708, %mul3A_728, %dma_start3A_770] : memref<8x48x48x512xf32, #tpu.memory_space<hbm>> -> memref<1x1x24x512xf32, #tpu.memory_space<hbm>>
    %dma_start3A_772 = tpu.memref_squeeze %dma_start3A_771 : memref<1x1x24x512xf32, #tpu.memory_space<hbm>> -> memref<24x512xf32, #tpu.memory_space<hbm>>
    %dma_start3A_773 = arith.constant 0 : i32
    %dma_start3A_774 = arith.constant 0 : i32
    %dma_start3A_775 = tpu.memref_slice %arg7[%dma_start3A_761, %dma_start3A_773, %dma_start3A_774] : memref<3x24x512xf32, #tpu.memory_space<vmem>> -> memref<1x24x512xf32, #tpu.memory_space<vmem>>
    %dma_start3A_776 = tpu.memref_squeeze %dma_start3A_775 : memref<1x24x512xf32, #tpu.memory_space<vmem>> -> memref<24x512xf32, #tpu.memory_space<vmem>>
    tpu.enqueue_dma source(%dma_start3A_776 : memref<24x512xf32, #tpu.memory_space<vmem>>) target(%dma_start3A_772 : memref<24x512xf32, #tpu.memory_space<hbm>>) target_semaphore(%arg8 : memref<!tpu.dma_semaphore, #tpu.memory_space<semaphore_mem>>)
    %dma_start3A_777 = arith.constant 2 : i32
    %dma_start3A_778 = arith.constant 3 : i32
    %dma_start3A_779 = arith.constant 0 : i32
    %dma_start3A_780 = arith.constant 0 : i32
    %dma_start3A_781 = tpu.memref_slice %arg7[%dma_start3A_777, %dma_start3A_779, %dma_start3A_780] : memref<3x24x512xf32, #tpu.memory_space<vmem>> -> memref<1x24x512xf32, #tpu.memory_space<vmem>>
    %dma_start3A_782 = tpu.memref_squeeze %dma_start3A_781 : memref<1x24x512xf32, #tpu.memory_space<vmem>> -> memref<24x512xf32, #tpu.memory_space<vmem>>
    %dma_start3A_783 = arith.constant 0 : i32
    %dma_start3A_784 = tpu.memref_slice %arg4[%dma_start3A_778, %select_n3A_708, %mul3A_728, %dma_start3A_783] : memref<8x48x48x512xf32, #tpu.memory_space<hbm>> -> memref<1x1x24x512xf32, #tpu.memory_space<hbm>>
    %dma_start3A_785 = tpu.memref_squeeze %dma_start3A_784 : memref<1x1x24x512xf32, #tpu.memory_space<hbm>> -> memref<24x512xf32, #tpu.memory_space<hbm>>
    %dma_start3A_786 = arith.constant 0 : i32
    %dma_start3A_787 = tpu.memref_slice %arg4[%dma_start3A_778, %select_n3A_708, %mul3A_728, %dma_start3A_786] : memref<8x48x48x512xf32, #tpu.memory_space<hbm>> -> memref<1x1x24x512xf32, #tpu.memory_space<hbm>>
    %dma_start3A_788 = tpu.memref_squeeze %dma_start3A_787 : memref<1x1x24x512xf32, #tpu.memory_space<hbm>> -> memref<24x512xf32, #tpu.memory_space<hbm>>
    %dma_start3A_789 = arith.constant 0 : i32
    %dma_start3A_790 = arith.constant 0 : i32
    %dma_start3A_791 = tpu.memref_slice %arg7[%dma_start3A_777, %dma_start3A_789, %dma_start3A_790] : memref<3x24x512xf32, #tpu.memory_space<vmem>> -> memref<1x24x512xf32, #tpu.memory_space<vmem>>
    %dma_start3A_792 = tpu.memref_squeeze %dma_start3A_791 : memref<1x24x512xf32, #tpu.memory_space<vmem>> -> memref<24x512xf32, #tpu.memory_space<vmem>>
    tpu.enqueue_dma source(%dma_start3A_792 : memref<24x512xf32, #tpu.memory_space<vmem>>) target(%dma_start3A_788 : memref<24x512xf32, #tpu.memory_space<hbm>>) target_semaphore(%arg8 : memref<!tpu.dma_semaphore, #tpu.memory_space<semaphore_mem>>)
    %dma_start3A_793 = arith.constant 2 : i32
    %dma_start3A_794 = arith.constant 4 : i32
    %dma_start3A_795 = arith.constant 0 : i32
    %dma_start3A_796 = arith.constant 0 : i32
    %dma_start3A_797 = tpu.memref_slice %arg7[%dma_start3A_793, %dma_start3A_795, %dma_start3A_796] : memref<3x24x512xf32, #tpu.memory_space<vmem>> -> memref<1x24x512xf32, #tpu.memory_space<vmem>>
    %dma_start3A_798 = tpu.memref_squeeze %dma_start3A_797 : memref<1x24x512xf32, #tpu.memory_space<vmem>> -> memref<24x512xf32, #tpu.memory_space<vmem>>
    %dma_start3A_799 = arith.constant 0 : i32
    %dma_start3A_800 = tpu.memref_slice %arg4[%dma_start3A_794, %select_n3A_708, %mul3A_728, %dma_start3A_799] : memref<8x48x48x512xf32, #tpu.memory_space<hbm>> -> memref<1x1x24x512xf32, #tpu.memory_space<hbm>>
    %dma_start3A_801 = tpu.memref_squeeze %dma_start3A_800 : memref<1x1x24x512xf32, #tpu.memory_space<hbm>> -> memref<24x512xf32, #tpu.memory_space<hbm>>
    %dma_start3A_802 = arith.constant 0 : i32
    %dma_start3A_803 = tpu.memref_slice %arg4[%dma_start3A_794, %select_n3A_708, %mul3A_728, %dma_start3A_802] : memref<8x48x48x512xf32, #tpu.memory_space<hbm>> -> memref<1x1x24x512xf32, #tpu.memory_space<hbm>>
    %dma_start3A_804 = tpu.memref_squeeze %dma_start3A_803 : memref<1x1x24x512xf32, #tpu.memory_space<hbm>> -> memref<24x512xf32, #tpu.memory_space<hbm>>
    %dma_start3A_805 = arith.constant 0 : i32
    %dma_start3A_806 = arith.constant 0 : i32
    %dma_start3A_807 = tpu.memref_slice %arg7[%dma_start3A_793, %dma_start3A_805, %dma_start3A_806] : memref<3x24x512xf32, #tpu.memory_space<vmem>> -> memref<1x24x512xf32, #tpu.memory_space<vmem>>
    %dma_start3A_808 = tpu.memref_squeeze %dma_start3A_807 : memref<1x24x512xf32, #tpu.memory_space<vmem>> -> memref<24x512xf32, #tpu.memory_space<vmem>>
    tpu.enqueue_dma source(%dma_start3A_808 : memref<24x512xf32, #tpu.memory_space<vmem>>) target(%dma_start3A_804 : memref<24x512xf32, #tpu.memory_space<hbm>>) target_semaphore(%arg8 : memref<!tpu.dma_semaphore, #tpu.memory_space<semaphore_mem>>)
    %dma_start3A_809 = arith.constant 2 : i32
    %dma_start3A_810 = arith.constant 5 : i32
    %dma_start3A_811 = arith.constant 0 : i32
    %dma_start3A_812 = arith.constant 0 : i32
    %dma_start3A_813 = tpu.memref_slice %arg7[%dma_start3A_809, %dma_start3A_811, %dma_start3A_812] : memref<3x24x512xf32, #tpu.memory_space<vmem>> -> memref<1x24x512xf32, #tpu.memory_space<vmem>>
    %dma_start3A_814 = tpu.memref_squeeze %dma_start3A_813 : memref<1x24x512xf32, #tpu.memory_space<vmem>> -> memref<24x512xf32, #tpu.memory_space<vmem>>
    %dma_start3A_815 = arith.constant 0 : i32
    %dma_start3A_816 = tpu.memref_slice %arg4[%dma_start3A_810, %select_n3A_708, %mul3A_728, %dma_start3A_815] : memref<8x48x48x512xf32, #tpu.memory_space<hbm>> -> memref<1x1x24x512xf32, #tpu.memory_space<hbm>>
    %dma_start3A_817 = tpu.memref_squeeze %dma_start3A_816 : memref<1x1x24x512xf32, #tpu.memory_space<hbm>> -> memref<24x512xf32, #tpu.memory_space<hbm>>
    %dma_start3A_818 = arith.constant 0 : i32
    %dma_start3A_819 = tpu.memref_slice %arg4[%dma_start3A_810, %select_n3A_708, %mul3A_728, %dma_start3A_818] : memref<8x48x48x512xf32, #tpu.memory_space<hbm>> -> memref<1x1x24x512xf32, #tpu.memory_space<hbm>>
    %dma_start3A_820 = tpu.memref_squeeze %dma_start3A_819 : memref<1x1x24x512xf32, #tpu.memory_space<hbm>> -> memref<24x512xf32, #tpu.memory_space<hbm>>
    %dma_start3A_821 = arith.constant 0 : i32
    %dma_start3A_822 = arith.constant 0 : i32
    %dma_start3A_823 = tpu.memref_slice %arg7[%dma_start3A_809, %dma_start3A_821, %dma_start3A_822] : memref<3x24x512xf32, #tpu.memory_space<vmem>> -> memref<1x24x512xf32, #tpu.memory_space<vmem>>
    %dma_start3A_824 = tpu.memref_squeeze %dma_start3A_823 : memref<1x24x512xf32, #tpu.memory_space<vmem>> -> memref<24x512xf32, #tpu.memory_space<vmem>>
    tpu.enqueue_dma source(%dma_start3A_824 : memref<24x512xf32, #tpu.memory_space<vmem>>) target(%dma_start3A_820 : memref<24x512xf32, #tpu.memory_space<hbm>>) target_semaphore(%arg8 : memref<!tpu.dma_semaphore, #tpu.memory_space<semaphore_mem>>)
    %dma_start3A_825 = arith.constant 2 : i32
    %dma_start3A_826 = arith.constant 6 : i32
    %dma_start3A_827 = arith.constant 0 : i32
    %dma_start3A_828 = arith.constant 0 : i32
    %dma_start3A_829 = tpu.memref_slice %arg7[%dma_start3A_825, %dma_start3A_827, %dma_start3A_828] : memref<3x24x512xf32, #tpu.memory_space<vmem>> -> memref<1x24x512xf32, #tpu.memory_space<vmem>>
    %dma_start3A_830 = tpu.memref_squeeze %dma_start3A_829 : memref<1x24x512xf32, #tpu.memory_space<vmem>> -> memref<24x512xf32, #tpu.memory_space<vmem>>
    %dma_start3A_831 = arith.constant 0 : i32
    %dma_start3A_832 = tpu.memref_slice %arg4[%dma_start3A_826, %select_n3A_708, %mul3A_728, %dma_start3A_831] : memref<8x48x48x512xf32, #tpu.memory_space<hbm>> -> memref<1x1x24x512xf32, #tpu.memory_space<hbm>>
    %dma_start3A_833 = tpu.memref_squeeze %dma_start3A_832 : memref<1x1x24x512xf32, #tpu.memory_space<hbm>> -> memref<24x512xf32, #tpu.memory_space<hbm>>
    %dma_start3A_834 = arith.constant 0 : i32
    %dma_start3A_835 = tpu.memref_slice %arg4[%dma_start3A_826, %select_n3A_708, %mul3A_728, %dma_start3A_834] : memref<8x48x48x512xf32, #tpu.memory_space<hbm>> -> memref<1x1x24x512xf32, #tpu.memory_space<hbm>>
    %dma_start3A_836 = tpu.memref_squeeze %dma_start3A_835 : memref<1x1x24x512xf32, #tpu.memory_space<hbm>> -> memref<24x512xf32, #tpu.memory_space<hbm>>
    %dma_start3A_837 = arith.constant 0 : i32
    %dma_start3A_838 = arith.constant 0 : i32
    %dma_start3A_839 = tpu.memref_slice %arg7[%dma_start3A_825, %dma_start3A_837, %dma_start3A_838] : memref<3x24x512xf32, #tpu.memory_space<vmem>> -> memref<1x24x512xf32, #tpu.memory_space<vmem>>
    %dma_start3A_840 = tpu.memref_squeeze %dma_start3A_839 : memref<1x24x512xf32, #tpu.memory_space<vmem>> -> memref<24x512xf32, #tpu.memory_space<vmem>>
    tpu.enqueue_dma source(%dma_start3A_840 : memref<24x512xf32, #tpu.memory_space<vmem>>) target(%dma_start3A_836 : memref<24x512xf32, #tpu.memory_space<hbm>>) target_semaphore(%arg8 : memref<!tpu.dma_semaphore, #tpu.memory_space<semaphore_mem>>)
    %dma_start3A_841 = arith.constant 2 : i32
    %dma_start3A_842 = arith.constant 7 : i32
    %dma_start3A_843 = arith.constant 0 : i32
    %dma_start3A_844 = arith.constant 0 : i32
    %dma_start3A_845 = tpu.memref_slice %arg7[%dma_start3A_841, %dma_start3A_843, %dma_start3A_844] : memref<3x24x512xf32, #tpu.memory_space<vmem>> -> memref<1x24x512xf32, #tpu.memory_space<vmem>>
    %dma_start3A_846 = tpu.memref_squeeze %dma_start3A_845 : memref<1x24x512xf32, #tpu.memory_space<vmem>> -> memref<24x512xf32, #tpu.memory_space<vmem>>
    %dma_start3A_847 = arith.constant 0 : i32
    %dma_start3A_848 = tpu.memref_slice %arg4[%dma_start3A_842, %select_n3A_708, %mul3A_728, %dma_start3A_847] : memref<8x48x48x512xf32, #tpu.memory_space<hbm>> -> memref<1x1x24x512xf32, #tpu.memory_space<hbm>>
    %dma_start3A_849 = tpu.memref_squeeze %dma_start3A_848 : memref<1x1x24x512xf32, #tpu.memory_space<hbm>> -> memref<24x512xf32, #tpu.memory_space<hbm>>
    %dma_start3A_850 = arith.constant 0 : i32
    %dma_start3A_851 = tpu.memref_slice %arg4[%dma_start3A_842, %select_n3A_708, %mul3A_728, %dma_start3A_850] : memref<8x48x48x512xf32, #tpu.memory_space<hbm>> -> memref<1x1x24x512xf32, #tpu.memory_space<hbm>>
    %dma_start3A_852 = tpu.memref_squeeze %dma_start3A_851 : memref<1x1x24x512xf32, #tpu.memory_space<hbm>> -> memref<24x512xf32, #tpu.memory_space<hbm>>
    %dma_start3A_853 = arith.constant 0 : i32
    %dma_start3A_854 = arith.constant 0 : i32
    %dma_start3A_855 = tpu.memref_slice %arg7[%dma_start3A_841, %dma_start3A_853, %dma_start3A_854] : memref<3x24x512xf32, #tpu.memory_space<vmem>> -> memref<1x24x512xf32, #tpu.memory_space<vmem>>
    %dma_start3A_856 = tpu.memref_squeeze %dma_start3A_855 : memref<1x24x512xf32, #tpu.memory_space<vmem>> -> memref<24x512xf32, #tpu.memory_space<vmem>>
    tpu.enqueue_dma source(%dma_start3A_856 : memref<24x512xf32, #tpu.memory_space<vmem>>) target(%dma_start3A_852 : memref<24x512xf32, #tpu.memory_space<hbm>>) target_semaphore(%arg8 : memref<!tpu.dma_semaphore, #tpu.memory_space<semaphore_mem>>)
    %dma_wait3A = arith.constant 0 : i32
    %dma_wait3A_857 = arith.constant 0 : i32
    %dma_wait3A_858 = arith.constant 0 : i32
    %dma_wait3A_859 = arith.constant 0 : i32
    %dma_wait3A_860 = tpu.memref_slice %arg7[%dma_wait3A, %dma_wait3A_858, %dma_wait3A_859] : memref<3x24x512xf32, #tpu.memory_space<vmem>> -> memref<1x24x512xf32, #tpu.memory_space<vmem>>
    %dma_wait3A_861 = tpu.memref_squeeze %dma_wait3A_860 : memref<1x24x512xf32, #tpu.memory_space<vmem>> -> memref<24x512xf32, #tpu.memory_space<vmem>>
    %dma_wait3A_862 = arith.constant 0 : i32
    %dma_wait3A_863 = tpu.memref_slice %arg4[%dma_wait3A_857, %select_n3A_361, %mul3A_381, %dma_wait3A_862] : memref<8x48x48x512xf32, #tpu.memory_space<hbm>> -> memref<1x1x24x512xf32, #tpu.memory_space<hbm>>
    %dma_wait3A_864 = tpu.memref_squeeze %dma_wait3A_863 : memref<1x1x24x512xf32, #tpu.memory_space<hbm>> -> memref<24x512xf32, #tpu.memory_space<hbm>>
    %dma_wait3A_865 = arith.constant 0 : i32
    %dma_wait3A_866 = tpu.memref_slice %arg4[%dma_wait3A_857, %select_n3A_361, %mul3A_381, %dma_wait3A_865] : memref<8x48x48x512xf32, #tpu.memory_space<hbm>> -> memref<1x1x24x512xf32, #tpu.memory_space<hbm>>
    %dma_wait3A_867 = tpu.memref_squeeze %dma_wait3A_866 : memref<1x1x24x512xf32, #tpu.memory_space<hbm>> -> memref<24x512xf32, #tpu.memory_space<hbm>>
    %dma_wait3A_868 = arith.constant 0 : i32
    %dma_wait3A_869 = arith.constant 0 : i32
    %dma_wait3A_870 = tpu.memref_slice %arg7[%dma_wait3A, %dma_wait3A_868, %dma_wait3A_869] : memref<3x24x512xf32, #tpu.memory_space<vmem>> -> memref<1x24x512xf32, #tpu.memory_space<vmem>>
    %dma_wait3A_871 = tpu.memref_squeeze %dma_wait3A_870 : memref<1x24x512xf32, #tpu.memory_space<vmem>> -> memref<24x512xf32, #tpu.memory_space<vmem>>
    tpu.wait_dma2 semaphore(%arg8 : memref<!tpu.dma_semaphore, #tpu.memory_space<semaphore_mem>>) src(%dma_wait3A_871 : memref<24x512xf32, #tpu.memory_space<vmem>>) dst(%dma_wait3A_867 : memref<24x512xf32, #tpu.memory_space<hbm>>)
    %dma_wait3A_872 = arith.constant 0 : i32
    %dma_wait3A_873 = arith.constant 1 : i32
    %dma_wait3A_874 = arith.constant 0 : i32
    %dma_wait3A_875 = arith.constant 0 : i32
    %dma_wait3A_876 = tpu.memref_slice %arg7[%dma_wait3A_872, %dma_wait3A_874, %dma_wait3A_875] : memref<3x24x512xf32, #tpu.memory_space<vmem>> -> memref<1x24x512xf32, #tpu.memory_space<vmem>>
    %dma_wait3A_877 = tpu.memref_squeeze %dma_wait3A_876 : memref<1x24x512xf32, #tpu.memory_space<vmem>> -> memref<24x512xf32, #tpu.memory_space<vmem>>
    %dma_wait3A_878 = arith.constant 0 : i32
    %dma_wait3A_879 = tpu.memref_slice %arg4[%dma_wait3A_873, %select_n3A_361, %mul3A_381, %dma_wait3A_878] : memref<8x48x48x512xf32, #tpu.memory_space<hbm>> -> memref<1x1x24x512xf32, #tpu.memory_space<hbm>>
    %dma_wait3A_880 = tpu.memref_squeeze %dma_wait3A_879 : memref<1x1x24x512xf32, #tpu.memory_space<hbm>> -> memref<24x512xf32, #tpu.memory_space<hbm>>
    %dma_wait3A_881 = arith.constant 0 : i32
    %dma_wait3A_882 = tpu.memref_slice %arg4[%dma_wait3A_873, %select_n3A_361, %mul3A_381, %dma_wait3A_881] : memref<8x48x48x512xf32, #tpu.memory_space<hbm>> -> memref<1x1x24x512xf32, #tpu.memory_space<hbm>>
    %dma_wait3A_883 = tpu.memref_squeeze %dma_wait3A_882 : memref<1x1x24x512xf32, #tpu.memory_space<hbm>> -> memref<24x512xf32, #tpu.memory_space<hbm>>
    %dma_wait3A_884 = arith.constant 0 : i32
    %dma_wait3A_885 = arith.constant 0 : i32
    %dma_wait3A_886 = tpu.memref_slice %arg7[%dma_wait3A_872, %dma_wait3A_884, %dma_wait3A_885] : memref<3x24x512xf32, #tpu.memory_space<vmem>> -> memref<1x24x512xf32, #tpu.memory_space<vmem>>
    %dma_wait3A_887 = tpu.memref_squeeze %dma_wait3A_886 : memref<1x24x512xf32, #tpu.memory_space<vmem>> -> memref<24x512xf32, #tpu.memory_space<vmem>>
    tpu.wait_dma2 semaphore(%arg8 : memref<!tpu.dma_semaphore, #tpu.memory_space<semaphore_mem>>) src(%dma_wait3A_887 : memref<24x512xf32, #tpu.memory_space<vmem>>) dst(%dma_wait3A_883 : memref<24x512xf32, #tpu.memory_space<hbm>>)
    %dma_wait3A_888 = arith.constant 0 : i32
    %dma_wait3A_889 = arith.constant 2 : i32
    %dma_wait3A_890 = arith.constant 0 : i32
    %dma_wait3A_891 = arith.constant 0 : i32
    %dma_wait3A_892 = tpu.memref_slice %arg7[%dma_wait3A_888, %dma_wait3A_890, %dma_wait3A_891] : memref<3x24x512xf32, #tpu.memory_space<vmem>> -> memref<1x24x512xf32, #tpu.memory_space<vmem>>
    %dma_wait3A_893 = tpu.memref_squeeze %dma_wait3A_892 : memref<1x24x512xf32, #tpu.memory_space<vmem>> -> memref<24x512xf32, #tpu.memory_space<vmem>>
    %dma_wait3A_894 = arith.constant 0 : i32
    %dma_wait3A_895 = tpu.memref_slice %arg4[%dma_wait3A_889, %select_n3A_361, %mul3A_381, %dma_wait3A_894] : memref<8x48x48x512xf32, #tpu.memory_space<hbm>> -> memref<1x1x24x512xf32, #tpu.memory_space<hbm>>
    %dma_wait3A_896 = tpu.memref_squeeze %dma_wait3A_895 : memref<1x1x24x512xf32, #tpu.memory_space<hbm>> -> memref<24x512xf32, #tpu.memory_space<hbm>>
    %dma_wait3A_897 = arith.constant 0 : i32
    %dma_wait3A_898 = tpu.memref_slice %arg4[%dma_wait3A_889, %select_n3A_361, %mul3A_381, %dma_wait3A_897] : memref<8x48x48x512xf32, #tpu.memory_space<hbm>> -> memref<1x1x24x512xf32, #tpu.memory_space<hbm>>
    %dma_wait3A_899 = tpu.memref_squeeze %dma_wait3A_898 : memref<1x1x24x512xf32, #tpu.memory_space<hbm>> -> memref<24x512xf32, #tpu.memory_space<hbm>>
    %dma_wait3A_900 = arith.constant 0 : i32
    %dma_wait3A_901 = arith.constant 0 : i32
    %dma_wait3A_902 = tpu.memref_slice %arg7[%dma_wait3A_888, %dma_wait3A_900, %dma_wait3A_901] : memref<3x24x512xf32, #tpu.memory_space<vmem>> -> memref<1x24x512xf32, #tpu.memory_space<vmem>>
    %dma_wait3A_903 = tpu.memref_squeeze %dma_wait3A_902 : memref<1x24x512xf32, #tpu.memory_space<vmem>> -> memref<24x512xf32, #tpu.memory_space<vmem>>
    tpu.wait_dma2 semaphore(%arg8 : memref<!tpu.dma_semaphore, #tpu.memory_space<semaphore_mem>>) src(%dma_wait3A_903 : memref<24x512xf32, #tpu.memory_space<vmem>>) dst(%dma_wait3A_899 : memref<24x512xf32, #tpu.memory_space<hbm>>)
    %dma_wait3A_904 = arith.constant 0 : i32
    %dma_wait3A_905 = arith.constant 3 : i32
    %dma_wait3A_906 = arith.constant 0 : i32
    %dma_wait3A_907 = arith.constant 0 : i32
    %dma_wait3A_908 = tpu.memref_slice %arg7[%dma_wait3A_904, %dma_wait3A_906, %dma_wait3A_907] : memref<3x24x512xf32, #tpu.memory_space<vmem>> -> memref<1x24x512xf32, #tpu.memory_space<vmem>>
    %dma_wait3A_909 = tpu.memref_squeeze %dma_wait3A_908 : memref<1x24x512xf32, #tpu.memory_space<vmem>> -> memref<24x512xf32, #tpu.memory_space<vmem>>
    %dma_wait3A_910 = arith.constant 0 : i32
    %dma_wait3A_911 = tpu.memref_slice %arg4[%dma_wait3A_905, %select_n3A_361, %mul3A_381, %dma_wait3A_910] : memref<8x48x48x512xf32, #tpu.memory_space<hbm>> -> memref<1x1x24x512xf32, #tpu.memory_space<hbm>>
    %dma_wait3A_912 = tpu.memref_squeeze %dma_wait3A_911 : memref<1x1x24x512xf32, #tpu.memory_space<hbm>> -> memref<24x512xf32, #tpu.memory_space<hbm>>
    %dma_wait3A_913 = arith.constant 0 : i32
    %dma_wait3A_914 = tpu.memref_slice %arg4[%dma_wait3A_905, %select_n3A_361, %mul3A_381, %dma_wait3A_913] : memref<8x48x48x512xf32, #tpu.memory_space<hbm>> -> memref<1x1x24x512xf32, #tpu.memory_space<hbm>>
    %dma_wait3A_915 = tpu.memref_squeeze %dma_wait3A_914 : memref<1x1x24x512xf32, #tpu.memory_space<hbm>> -> memref<24x512xf32, #tpu.memory_space<hbm>>
    %dma_wait3A_916 = arith.constant 0 : i32
    %dma_wait3A_917 = arith.constant 0 : i32
    %dma_wait3A_918 = tpu.memref_slice %arg7[%dma_wait3A_904, %dma_wait3A_916, %dma_wait3A_917] : memref<3x24x512xf32, #tpu.memory_space<vmem>> -> memref<1x24x512xf32, #tpu.memory_space<vmem>>
    %dma_wait3A_919 = tpu.memref_squeeze %dma_wait3A_918 : memref<1x24x512xf32, #tpu.memory_space<vmem>> -> memref<24x512xf32, #tpu.memory_space<vmem>>
    tpu.wait_dma2 semaphore(%arg8 : memref<!tpu.dma_semaphore, #tpu.memory_space<semaphore_mem>>) src(%dma_wait3A_919 : memref<24x512xf32, #tpu.memory_space<vmem>>) dst(%dma_wait3A_915 : memref<24x512xf32, #tpu.memory_space<hbm>>)
    %dma_wait3A_920 = arith.constant 0 : i32
    %dma_wait3A_921 = arith.constant 4 : i32
    %dma_wait3A_922 = arith.constant 0 : i32
    %dma_wait3A_923 = arith.constant 0 : i32
    %dma_wait3A_924 = tpu.memref_slice %arg7[%dma_wait3A_920, %dma_wait3A_922, %dma_wait3A_923] : memref<3x24x512xf32, #tpu.memory_space<vmem>> -> memref<1x24x512xf32, #tpu.memory_space<vmem>>
    %dma_wait3A_925 = tpu.memref_squeeze %dma_wait3A_924 : memref<1x24x512xf32, #tpu.memory_space<vmem>> -> memref<24x512xf32, #tpu.memory_space<vmem>>
    %dma_wait3A_926 = arith.constant 0 : i32
    %dma_wait3A_927 = tpu.memref_slice %arg4[%dma_wait3A_921, %select_n3A_361, %mul3A_381, %dma_wait3A_926] : memref<8x48x48x512xf32, #tpu.memory_space<hbm>> -> memref<1x1x24x512xf32, #tpu.memory_space<hbm>>
    %dma_wait3A_928 = tpu.memref_squeeze %dma_wait3A_927 : memref<1x1x24x512xf32, #tpu.memory_space<hbm>> -> memref<24x512xf32, #tpu.memory_space<hbm>>
    %dma_wait3A_929 = arith.constant 0 : i32
    %dma_wait3A_930 = tpu.memref_slice %arg4[%dma_wait3A_921, %select_n3A_361, %mul3A_381, %dma_wait3A_929] : memref<8x48x48x512xf32, #tpu.memory_space<hbm>> -> memref<1x1x24x512xf32, #tpu.memory_space<hbm>>
    %dma_wait3A_931 = tpu.memref_squeeze %dma_wait3A_930 : memref<1x1x24x512xf32, #tpu.memory_space<hbm>> -> memref<24x512xf32, #tpu.memory_space<hbm>>
    %dma_wait3A_932 = arith.constant 0 : i32
    %dma_wait3A_933 = arith.constant 0 : i32
    %dma_wait3A_934 = tpu.memref_slice %arg7[%dma_wait3A_920, %dma_wait3A_932, %dma_wait3A_933] : memref<3x24x512xf32, #tpu.memory_space<vmem>> -> memref<1x24x512xf32, #tpu.memory_space<vmem>>
    %dma_wait3A_935 = tpu.memref_squeeze %dma_wait3A_934 : memref<1x24x512xf32, #tpu.memory_space<vmem>> -> memref<24x512xf32, #tpu.memory_space<vmem>>
    tpu.wait_dma2 semaphore(%arg8 : memref<!tpu.dma_semaphore, #tpu.memory_space<semaphore_mem>>) src(%dma_wait3A_935 : memref<24x512xf32, #tpu.memory_space<vmem>>) dst(%dma_wait3A_931 : memref<24x512xf32, #tpu.memory_space<hbm>>)
    %dma_wait3A_936 = arith.constant 0 : i32
    %dma_wait3A_937 = arith.constant 5 : i32
    %dma_wait3A_938 = arith.constant 0 : i32
    %dma_wait3A_939 = arith.constant 0 : i32
    %dma_wait3A_940 = tpu.memref_slice %arg7[%dma_wait3A_936, %dma_wait3A_938, %dma_wait3A_939] : memref<3x24x512xf32, #tpu.memory_space<vmem>> -> memref<1x24x512xf32, #tpu.memory_space<vmem>>
    %dma_wait3A_941 = tpu.memref_squeeze %dma_wait3A_940 : memref<1x24x512xf32, #tpu.memory_space<vmem>> -> memref<24x512xf32, #tpu.memory_space<vmem>>
    %dma_wait3A_942 = arith.constant 0 : i32
    %dma_wait3A_943 = tpu.memref_slice %arg4[%dma_wait3A_937, %select_n3A_361, %mul3A_381, %dma_wait3A_942] : memref<8x48x48x512xf32, #tpu.memory_space<hbm>> -> memref<1x1x24x512xf32, #tpu.memory_space<hbm>>
    %dma_wait3A_944 = tpu.memref_squeeze %dma_wait3A_943 : memref<1x1x24x512xf32, #tpu.memory_space<hbm>> -> memref<24x512xf32, #tpu.memory_space<hbm>>
    %dma_wait3A_945 = arith.constant 0 : i32
    %dma_wait3A_946 = tpu.memref_slice %arg4[%dma_wait3A_937, %select_n3A_361, %mul3A_381, %dma_wait3A_945] : memref<8x48x48x512xf32, #tpu.memory_space<hbm>> -> memref<1x1x24x512xf32, #tpu.memory_space<hbm>>
    %dma_wait3A_947 = tpu.memref_squeeze %dma_wait3A_946 : memref<1x1x24x512xf32, #tpu.memory_space<hbm>> -> memref<24x512xf32, #tpu.memory_space<hbm>>
    %dma_wait3A_948 = arith.constant 0 : i32
    %dma_wait3A_949 = arith.constant 0 : i32
    %dma_wait3A_950 = tpu.memref_slice %arg7[%dma_wait3A_936, %dma_wait3A_948, %dma_wait3A_949] : memref<3x24x512xf32, #tpu.memory_space<vmem>> -> memref<1x24x512xf32, #tpu.memory_space<vmem>>
    %dma_wait3A_951 = tpu.memref_squeeze %dma_wait3A_950 : memref<1x24x512xf32, #tpu.memory_space<vmem>> -> memref<24x512xf32, #tpu.memory_space<vmem>>
    tpu.wait_dma2 semaphore(%arg8 : memref<!tpu.dma_semaphore, #tpu.memory_space<semaphore_mem>>) src(%dma_wait3A_951 : memref<24x512xf32, #tpu.memory_space<vmem>>) dst(%dma_wait3A_947 : memref<24x512xf32, #tpu.memory_space<hbm>>)
    %dma_wait3A_952 = arith.constant 0 : i32
    %dma_wait3A_953 = arith.constant 6 : i32
    %dma_wait3A_954 = arith.constant 0 : i32
    %dma_wait3A_955 = arith.constant 0 : i32
    %dma_wait3A_956 = tpu.memref_slice %arg7[%dma_wait3A_952, %dma_wait3A_954, %dma_wait3A_955] : memref<3x24x512xf32, #tpu.memory_space<vmem>> -> memref<1x24x512xf32, #tpu.memory_space<vmem>>
    %dma_wait3A_957 = tpu.memref_squeeze %dma_wait3A_956 : memref<1x24x512xf32, #tpu.memory_space<vmem>> -> memref<24x512xf32, #tpu.memory_space<vmem>>
    %dma_wait3A_958 = arith.constant 0 : i32
    %dma_wait3A_959 = tpu.memref_slice %arg4[%dma_wait3A_953, %select_n3A_361, %mul3A_381, %dma_wait3A_958] : memref<8x48x48x512xf32, #tpu.memory_space<hbm>> -> memref<1x1x24x512xf32, #tpu.memory_space<hbm>>
    %dma_wait3A_960 = tpu.memref_squeeze %dma_wait3A_959 : memref<1x1x24x512xf32, #tpu.memory_space<hbm>> -> memref<24x512xf32, #tpu.memory_space<hbm>>
    %dma_wait3A_961 = arith.constant 0 : i32
    %dma_wait3A_962 = tpu.memref_slice %arg4[%dma_wait3A_953, %select_n3A_361, %mul3A_381, %dma_wait3A_961] : memref<8x48x48x512xf32, #tpu.memory_space<hbm>> -> memref<1x1x24x512xf32, #tpu.memory_space<hbm>>
    %dma_wait3A_963 = tpu.memref_squeeze %dma_wait3A_962 : memref<1x1x24x512xf32, #tpu.memory_space<hbm>> -> memref<24x512xf32, #tpu.memory_space<hbm>>
    %dma_wait3A_964 = arith.constant 0 : i32
    %dma_wait3A_965 = arith.constant 0 : i32
    %dma_wait3A_966 = tpu.memref_slice %arg7[%dma_wait3A_952, %dma_wait3A_964, %dma_wait3A_965] : memref<3x24x512xf32, #tpu.memory_space<vmem>> -> memref<1x24x512xf32, #tpu.memory_space<vmem>>
    %dma_wait3A_967 = tpu.memref_squeeze %dma_wait3A_966 : memref<1x24x512xf32, #tpu.memory_space<vmem>> -> memref<24x512xf32, #tpu.memory_space<vmem>>
    tpu.wait_dma2 semaphore(%arg8 : memref<!tpu.dma_semaphore, #tpu.memory_space<semaphore_mem>>) src(%dma_wait3A_967 : memref<24x512xf32, #tpu.memory_space<vmem>>) dst(%dma_wait3A_963 : memref<24x512xf32, #tpu.memory_space<hbm>>)
    %dma_wait3A_968 = arith.constant 0 : i32
    %dma_wait3A_969 = arith.constant 7 : i32
    %dma_wait3A_970 = arith.constant 0 : i32
    %dma_wait3A_971 = arith.constant 0 : i32
    %dma_wait3A_972 = tpu.memref_slice %arg7[%dma_wait3A_968, %dma_wait3A_970, %dma_wait3A_971] : memref<3x24x512xf32, #tpu.memory_space<vmem>> -> memref<1x24x512xf32, #tpu.memory_space<vmem>>
    %dma_wait3A_973 = tpu.memref_squeeze %dma_wait3A_972 : memref<1x24x512xf32, #tpu.memory_space<vmem>> -> memref<24x512xf32, #tpu.memory_space<vmem>>
    %dma_wait3A_974 = arith.constant 0 : i32
    %dma_wait3A_975 = tpu.memref_slice %arg4[%dma_wait3A_969, %select_n3A_361, %mul3A_381, %dma_wait3A_974] : memref<8x48x48x512xf32, #tpu.memory_space<hbm>> -> memref<1x1x24x512xf32, #tpu.memory_space<hbm>>
    %dma_wait3A_976 = tpu.memref_squeeze %dma_wait3A_975 : memref<1x1x24x512xf32, #tpu.memory_space<hbm>> -> memref<24x512xf32, #tpu.memory_space<hbm>>
    %dma_wait3A_977 = arith.constant 0 : i32
    %dma_wait3A_978 = tpu.memref_slice %arg4[%dma_wait3A_969, %select_n3A_361, %mul3A_381, %dma_wait3A_977] : memref<8x48x48x512xf32, #tpu.memory_space<hbm>> -> memref<1x1x24x512xf32, #tpu.memory_space<hbm>>
    %dma_wait3A_979 = tpu.memref_squeeze %dma_wait3A_978 : memref<1x1x24x512xf32, #tpu.memory_space<hbm>> -> memref<24x512xf32, #tpu.memory_space<hbm>>
    %dma_wait3A_980 = arith.constant 0 : i32
    %dma_wait3A_981 = arith.constant 0 : i32
    %dma_wait3A_982 = tpu.memref_slice %arg7[%dma_wait3A_968, %dma_wait3A_980, %dma_wait3A_981] : memref<3x24x512xf32, #tpu.memory_space<vmem>> -> memref<1x24x512xf32, #tpu.memory_space<vmem>>
    %dma_wait3A_983 = tpu.memref_squeeze %dma_wait3A_982 : memref<1x24x512xf32, #tpu.memory_space<vmem>> -> memref<24x512xf32, #tpu.memory_space<vmem>>
    tpu.wait_dma2 semaphore(%arg8 : memref<!tpu.dma_semaphore, #tpu.memory_space<semaphore_mem>>) src(%dma_wait3A_983 : memref<24x512xf32, #tpu.memory_space<vmem>>) dst(%dma_wait3A_979 : memref<24x512xf32, #tpu.memory_space<hbm>>)
    %dma_wait3A_984 = arith.constant 1 : i32
    %dma_wait3A_985 = arith.constant 0 : i32
    %dma_wait3A_986 = arith.constant 0 : i32
    %dma_wait3A_987 = arith.constant 0 : i32
    %dma_wait3A_988 = tpu.memref_slice %arg7[%dma_wait3A_984, %dma_wait3A_986, %dma_wait3A_987] : memref<3x24x512xf32, #tpu.memory_space<vmem>> -> memref<1x24x512xf32, #tpu.memory_space<vmem>>
    %dma_wait3A_989 = tpu.memref_squeeze %dma_wait3A_988 : memref<1x24x512xf32, #tpu.memory_space<vmem>> -> memref<24x512xf32, #tpu.memory_space<vmem>>
    %dma_wait3A_990 = arith.constant 0 : i32
    %dma_wait3A_991 = tpu.memref_slice %arg4[%dma_wait3A_985, %select_n3A_534, %mul3A_554, %dma_wait3A_990] : memref<8x48x48x512xf32, #tpu.memory_space<hbm>> -> memref<1x1x24x512xf32, #tpu.memory_space<hbm>>
    %dma_wait3A_992 = tpu.memref_squeeze %dma_wait3A_991 : memref<1x1x24x512xf32, #tpu.memory_space<hbm>> -> memref<24x512xf32, #tpu.memory_space<hbm>>
    %dma_wait3A_993 = arith.constant 0 : i32
    %dma_wait3A_994 = tpu.memref_slice %arg4[%dma_wait3A_985, %select_n3A_534, %mul3A_554, %dma_wait3A_993] : memref<8x48x48x512xf32, #tpu.memory_space<hbm>> -> memref<1x1x24x512xf32, #tpu.memory_space<hbm>>
    %dma_wait3A_995 = tpu.memref_squeeze %dma_wait3A_994 : memref<1x1x24x512xf32, #tpu.memory_space<hbm>> -> memref<24x512xf32, #tpu.memory_space<hbm>>
    %dma_wait3A_996 = arith.constant 0 : i32
    %dma_wait3A_997 = arith.constant 0 : i32
    %dma_wait3A_998 = tpu.memref_slice %arg7[%dma_wait3A_984, %dma_wait3A_996, %dma_wait3A_997] : memref<3x24x512xf32, #tpu.memory_space<vmem>> -> memref<1x24x512xf32, #tpu.memory_space<vmem>>
    %dma_wait3A_999 = tpu.memref_squeeze %dma_wait3A_998 : memref<1x24x512xf32, #tpu.memory_space<vmem>> -> memref<24x512xf32, #tpu.memory_space<vmem>>
    tpu.wait_dma2 semaphore(%arg8 : memref<!tpu.dma_semaphore, #tpu.memory_space<semaphore_mem>>) src(%dma_wait3A_999 : memref<24x512xf32, #tpu.memory_space<vmem>>) dst(%dma_wait3A_995 : memref<24x512xf32, #tpu.memory_space<hbm>>)
    %dma_wait3A_1000 = arith.constant 1 : i32
    %dma_wait3A_1001 = arith.constant 1 : i32
    %dma_wait3A_1002 = arith.constant 0 : i32
    %dma_wait3A_1003 = arith.constant 0 : i32
    %dma_wait3A_1004 = tpu.memref_slice %arg7[%dma_wait3A_1000, %dma_wait3A_1002, %dma_wait3A_1003] : memref<3x24x512xf32, #tpu.memory_space<vmem>> -> memref<1x24x512xf32, #tpu.memory_space<vmem>>
    %dma_wait3A_1005 = tpu.memref_squeeze %dma_wait3A_1004 : memref<1x24x512xf32, #tpu.memory_space<vmem>> -> memref<24x512xf32, #tpu.memory_space<vmem>>
    %dma_wait3A_1006 = arith.constant 0 : i32
    %dma_wait3A_1007 = tpu.memref_slice %arg4[%dma_wait3A_1001, %select_n3A_534, %mul3A_554, %dma_wait3A_1006] : memref<8x48x48x512xf32, #tpu.memory_space<hbm>> -> memref<1x1x24x512xf32, #tpu.memory_space<hbm>>
    %dma_wait3A_1008 = tpu.memref_squeeze %dma_wait3A_1007 : memref<1x1x24x512xf32, #tpu.memory_space<hbm>> -> memref<24x512xf32, #tpu.memory_space<hbm>>
    %dma_wait3A_1009 = arith.constant 0 : i32
    %dma_wait3A_1010 = tpu.memref_slice %arg4[%dma_wait3A_1001, %select_n3A_534, %mul3A_554, %dma_wait3A_1009] : memref<8x48x48x512xf32, #tpu.memory_space<hbm>> -> memref<1x1x24x512xf32, #tpu.memory_space<hbm>>
    %dma_wait3A_1011 = tpu.memref_squeeze %dma_wait3A_1010 : memref<1x1x24x512xf32, #tpu.memory_space<hbm>> -> memref<24x512xf32, #tpu.memory_space<hbm>>
    %dma_wait3A_1012 = arith.constant 0 : i32
    %dma_wait3A_1013 = arith.constant 0 : i32
    %dma_wait3A_1014 = tpu.memref_slice %arg7[%dma_wait3A_1000, %dma_wait3A_1012, %dma_wait3A_1013] : memref<3x24x512xf32, #tpu.memory_space<vmem>> -> memref<1x24x512xf32, #tpu.memory_space<vmem>>
    %dma_wait3A_1015 = tpu.memref_squeeze %dma_wait3A_1014 : memref<1x24x512xf32, #tpu.memory_space<vmem>> -> memref<24x512xf32, #tpu.memory_space<vmem>>
    tpu.wait_dma2 semaphore(%arg8 : memref<!tpu.dma_semaphore, #tpu.memory_space<semaphore_mem>>) src(%dma_wait3A_1015 : memref<24x512xf32, #tpu.memory_space<vmem>>) dst(%dma_wait3A_1011 : memref<24x512xf32, #tpu.memory_space<hbm>>)
    %dma_wait3A_1016 = arith.constant 1 : i32
    %dma_wait3A_1017 = arith.constant 2 : i32
    %dma_wait3A_1018 = arith.constant 0 : i32
    %dma_wait3A_1019 = arith.constant 0 : i32
    %dma_wait3A_1020 = tpu.memref_slice %arg7[%dma_wait3A_1016, %dma_wait3A_1018, %dma_wait3A_1019] : memref<3x24x512xf32, #tpu.memory_space<vmem>> -> memref<1x24x512xf32, #tpu.memory_space<vmem>>
    %dma_wait3A_1021 = tpu.memref_squeeze %dma_wait3A_1020 : memref<1x24x512xf32, #tpu.memory_space<vmem>> -> memref<24x512xf32, #tpu.memory_space<vmem>>
    %dma_wait3A_1022 = arith.constant 0 : i32
    %dma_wait3A_1023 = tpu.memref_slice %arg4[%dma_wait3A_1017, %select_n3A_534, %mul3A_554, %dma_wait3A_1022] : memref<8x48x48x512xf32, #tpu.memory_space<hbm>> -> memref<1x1x24x512xf32, #tpu.memory_space<hbm>>
    %dma_wait3A_1024 = tpu.memref_squeeze %dma_wait3A_1023 : memref<1x1x24x512xf32, #tpu.memory_space<hbm>> -> memref<24x512xf32, #tpu.memory_space<hbm>>
    %dma_wait3A_1025 = arith.constant 0 : i32
    %dma_wait3A_1026 = tpu.memref_slice %arg4[%dma_wait3A_1017, %select_n3A_534, %mul3A_554, %dma_wait3A_1025] : memref<8x48x48x512xf32, #tpu.memory_space<hbm>> -> memref<1x1x24x512xf32, #tpu.memory_space<hbm>>
    %dma_wait3A_1027 = tpu.memref_squeeze %dma_wait3A_1026 : memref<1x1x24x512xf32, #tpu.memory_space<hbm>> -> memref<24x512xf32, #tpu.memory_space<hbm>>
    %dma_wait3A_1028 = arith.constant 0 : i32
    %dma_wait3A_1029 = arith.constant 0 : i32
    %dma_wait3A_1030 = tpu.memref_slice %arg7[%dma_wait3A_1016, %dma_wait3A_1028, %dma_wait3A_1029] : memref<3x24x512xf32, #tpu.memory_space<vmem>> -> memref<1x24x512xf32, #tpu.memory_space<vmem>>
    %dma_wait3A_1031 = tpu.memref_squeeze %dma_wait3A_1030 : memref<1x24x512xf32, #tpu.memory_space<vmem>> -> memref<24x512xf32, #tpu.memory_space<vmem>>
    tpu.wait_dma2 semaphore(%arg8 : memref<!tpu.dma_semaphore, #tpu.memory_space<semaphore_mem>>) src(%dma_wait3A_1031 : memref<24x512xf32, #tpu.memory_space<vmem>>) dst(%dma_wait3A_1027 : memref<24x512xf32, #tpu.memory_space<hbm>>)
    %dma_wait3A_1032 = arith.constant 1 : i32
    %dma_wait3A_1033 = arith.constant 3 : i32
    %dma_wait3A_1034 = arith.constant 0 : i32
    %dma_wait3A_1035 = arith.constant 0 : i32
    %dma_wait3A_1036 = tpu.memref_slice %arg7[%dma_wait3A_1032, %dma_wait3A_1034, %dma_wait3A_1035] : memref<3x24x512xf32, #tpu.memory_space<vmem>> -> memref<1x24x512xf32, #tpu.memory_space<vmem>>
    %dma_wait3A_1037 = tpu.memref_squeeze %dma_wait3A_1036 : memref<1x24x512xf32, #tpu.memory_space<vmem>> -> memref<24x512xf32, #tpu.memory_space<vmem>>
    %dma_wait3A_1038 = arith.constant 0 : i32
    %dma_wait3A_1039 = tpu.memref_slice %arg4[%dma_wait3A_1033, %select_n3A_534, %mul3A_554, %dma_wait3A_1038] : memref<8x48x48x512xf32, #tpu.memory_space<hbm>> -> memref<1x1x24x512xf32, #tpu.memory_space<hbm>>
    %dma_wait3A_1040 = tpu.memref_squeeze %dma_wait3A_1039 : memref<1x1x24x512xf32, #tpu.memory_space<hbm>> -> memref<24x512xf32, #tpu.memory_space<hbm>>
    %dma_wait3A_1041 = arith.constant 0 : i32
    %dma_wait3A_1042 = tpu.memref_slice %arg4[%dma_wait3A_1033, %select_n3A_534, %mul3A_554, %dma_wait3A_1041] : memref<8x48x48x512xf32, #tpu.memory_space<hbm>> -> memref<1x1x24x512xf32, #tpu.memory_space<hbm>>
    %dma_wait3A_1043 = tpu.memref_squeeze %dma_wait3A_1042 : memref<1x1x24x512xf32, #tpu.memory_space<hbm>> -> memref<24x512xf32, #tpu.memory_space<hbm>>
    %dma_wait3A_1044 = arith.constant 0 : i32
    %dma_wait3A_1045 = arith.constant 0 : i32
    %dma_wait3A_1046 = tpu.memref_slice %arg7[%dma_wait3A_1032, %dma_wait3A_1044, %dma_wait3A_1045] : memref<3x24x512xf32, #tpu.memory_space<vmem>> -> memref<1x24x512xf32, #tpu.memory_space<vmem>>
    %dma_wait3A_1047 = tpu.memref_squeeze %dma_wait3A_1046 : memref<1x24x512xf32, #tpu.memory_space<vmem>> -> memref<24x512xf32, #tpu.memory_space<vmem>>
    tpu.wait_dma2 semaphore(%arg8 : memref<!tpu.dma_semaphore, #tpu.memory_space<semaphore_mem>>) src(%dma_wait3A_1047 : memref<24x512xf32, #tpu.memory_space<vmem>>) dst(%dma_wait3A_1043 : memref<24x512xf32, #tpu.memory_space<hbm>>)
    %dma_wait3A_1048 = arith.constant 1 : i32
    %dma_wait3A_1049 = arith.constant 4 : i32
    %dma_wait3A_1050 = arith.constant 0 : i32
    %dma_wait3A_1051 = arith.constant 0 : i32
    %dma_wait3A_1052 = tpu.memref_slice %arg7[%dma_wait3A_1048, %dma_wait3A_1050, %dma_wait3A_1051] : memref<3x24x512xf32, #tpu.memory_space<vmem>> -> memref<1x24x512xf32, #tpu.memory_space<vmem>>
    %dma_wait3A_1053 = tpu.memref_squeeze %dma_wait3A_1052 : memref<1x24x512xf32, #tpu.memory_space<vmem>> -> memref<24x512xf32, #tpu.memory_space<vmem>>
    %dma_wait3A_1054 = arith.constant 0 : i32
    %dma_wait3A_1055 = tpu.memref_slice %arg4[%dma_wait3A_1049, %select_n3A_534, %mul3A_554, %dma_wait3A_1054] : memref<8x48x48x512xf32, #tpu.memory_space<hbm>> -> memref<1x1x24x512xf32, #tpu.memory_space<hbm>>
    %dma_wait3A_1056 = tpu.memref_squeeze %dma_wait3A_1055 : memref<1x1x24x512xf32, #tpu.memory_space<hbm>> -> memref<24x512xf32, #tpu.memory_space<hbm>>
    %dma_wait3A_1057 = arith.constant 0 : i32
    %dma_wait3A_1058 = tpu.memref_slice %arg4[%dma_wait3A_1049, %select_n3A_534, %mul3A_554, %dma_wait3A_1057] : memref<8x48x48x512xf32, #tpu.memory_space<hbm>> -> memref<1x1x24x512xf32, #tpu.memory_space<hbm>>
    %dma_wait3A_1059 = tpu.memref_squeeze %dma_wait3A_1058 : memref<1x1x24x512xf32, #tpu.memory_space<hbm>> -> memref<24x512xf32, #tpu.memory_space<hbm>>
    %dma_wait3A_1060 = arith.constant 0 : i32
    %dma_wait3A_1061 = arith.constant 0 : i32
    %dma_wait3A_1062 = tpu.memref_slice %arg7[%dma_wait3A_1048, %dma_wait3A_1060, %dma_wait3A_1061] : memref<3x24x512xf32, #tpu.memory_space<vmem>> -> memref<1x24x512xf32, #tpu.memory_space<vmem>>
    %dma_wait3A_1063 = tpu.memref_squeeze %dma_wait3A_1062 : memref<1x24x512xf32, #tpu.memory_space<vmem>> -> memref<24x512xf32, #tpu.memory_space<vmem>>
    tpu.wait_dma2 semaphore(%arg8 : memref<!tpu.dma_semaphore, #tpu.memory_space<semaphore_mem>>) src(%dma_wait3A_1063 : memref<24x512xf32, #tpu.memory_space<vmem>>) dst(%dma_wait3A_1059 : memref<24x512xf32, #tpu.memory_space<hbm>>)
    %dma_wait3A_1064 = arith.constant 1 : i32
    %dma_wait3A_1065 = arith.constant 5 : i32
    %dma_wait3A_1066 = arith.constant 0 : i32
    %dma_wait3A_1067 = arith.constant 0 : i32
    %dma_wait3A_1068 = tpu.memref_slice %arg7[%dma_wait3A_1064, %dma_wait3A_1066, %dma_wait3A_1067] : memref<3x24x512xf32, #tpu.memory_space<vmem>> -> memref<1x24x512xf32, #tpu.memory_space<vmem>>
    %dma_wait3A_1069 = tpu.memref_squeeze %dma_wait3A_1068 : memref<1x24x512xf32, #tpu.memory_space<vmem>> -> memref<24x512xf32, #tpu.memory_space<vmem>>
    %dma_wait3A_1070 = arith.constant 0 : i32
    %dma_wait3A_1071 = tpu.memref_slice %arg4[%dma_wait3A_1065, %select_n3A_534, %mul3A_554, %dma_wait3A_1070] : memref<8x48x48x512xf32, #tpu.memory_space<hbm>> -> memref<1x1x24x512xf32, #tpu.memory_space<hbm>>
    %dma_wait3A_1072 = tpu.memref_squeeze %dma_wait3A_1071 : memref<1x1x24x512xf32, #tpu.memory_space<hbm>> -> memref<24x512xf32, #tpu.memory_space<hbm>>
    %dma_wait3A_1073 = arith.constant 0 : i32
    %dma_wait3A_1074 = tpu.memref_slice %arg4[%dma_wait3A_1065, %select_n3A_534, %mul3A_554, %dma_wait3A_1073] : memref<8x48x48x512xf32, #tpu.memory_space<hbm>> -> memref<1x1x24x512xf32, #tpu.memory_space<hbm>>
    %dma_wait3A_1075 = tpu.memref_squeeze %dma_wait3A_1074 : memref<1x1x24x512xf32, #tpu.memory_space<hbm>> -> memref<24x512xf32, #tpu.memory_space<hbm>>
    %dma_wait3A_1076 = arith.constant 0 : i32
    %dma_wait3A_1077 = arith.constant 0 : i32
    %dma_wait3A_1078 = tpu.memref_slice %arg7[%dma_wait3A_1064, %dma_wait3A_1076, %dma_wait3A_1077] : memref<3x24x512xf32, #tpu.memory_space<vmem>> -> memref<1x24x512xf32, #tpu.memory_space<vmem>>
    %dma_wait3A_1079 = tpu.memref_squeeze %dma_wait3A_1078 : memref<1x24x512xf32, #tpu.memory_space<vmem>> -> memref<24x512xf32, #tpu.memory_space<vmem>>
    tpu.wait_dma2 semaphore(%arg8 : memref<!tpu.dma_semaphore, #tpu.memory_space<semaphore_mem>>) src(%dma_wait3A_1079 : memref<24x512xf32, #tpu.memory_space<vmem>>) dst(%dma_wait3A_1075 : memref<24x512xf32, #tpu.memory_space<hbm>>)
    %dma_wait3A_1080 = arith.constant 1 : i32
    %dma_wait3A_1081 = arith.constant 6 : i32
    %dma_wait3A_1082 = arith.constant 0 : i32
    %dma_wait3A_1083 = arith.constant 0 : i32
    %dma_wait3A_1084 = tpu.memref_slice %arg7[%dma_wait3A_1080, %dma_wait3A_1082, %dma_wait3A_1083] : memref<3x24x512xf32, #tpu.memory_space<vmem>> -> memref<1x24x512xf32, #tpu.memory_space<vmem>>
    %dma_wait3A_1085 = tpu.memref_squeeze %dma_wait3A_1084 : memref<1x24x512xf32, #tpu.memory_space<vmem>> -> memref<24x512xf32, #tpu.memory_space<vmem>>
    %dma_wait3A_1086 = arith.constant 0 : i32
    %dma_wait3A_1087 = tpu.memref_slice %arg4[%dma_wait3A_1081, %select_n3A_534, %mul3A_554, %dma_wait3A_1086] : memref<8x48x48x512xf32, #tpu.memory_space<hbm>> -> memref<1x1x24x512xf32, #tpu.memory_space<hbm>>
    %dma_wait3A_1088 = tpu.memref_squeeze %dma_wait3A_1087 : memref<1x1x24x512xf32, #tpu.memory_space<hbm>> -> memref<24x512xf32, #tpu.memory_space<hbm>>
    %dma_wait3A_1089 = arith.constant 0 : i32
    %dma_wait3A_1090 = tpu.memref_slice %arg4[%dma_wait3A_1081, %select_n3A_534, %mul3A_554, %dma_wait3A_1089] : memref<8x48x48x512xf32, #tpu.memory_space<hbm>> -> memref<1x1x24x512xf32, #tpu.memory_space<hbm>>
    %dma_wait3A_1091 = tpu.memref_squeeze %dma_wait3A_1090 : memref<1x1x24x512xf32, #tpu.memory_space<hbm>> -> memref<24x512xf32, #tpu.memory_space<hbm>>
    %dma_wait3A_1092 = arith.constant 0 : i32
    %dma_wait3A_1093 = arith.constant 0 : i32
    %dma_wait3A_1094 = tpu.memref_slice %arg7[%dma_wait3A_1080, %dma_wait3A_1092, %dma_wait3A_1093] : memref<3x24x512xf32, #tpu.memory_space<vmem>> -> memref<1x24x512xf32, #tpu.memory_space<vmem>>
    %dma_wait3A_1095 = tpu.memref_squeeze %dma_wait3A_1094 : memref<1x24x512xf32, #tpu.memory_space<vmem>> -> memref<24x512xf32, #tpu.memory_space<vmem>>
    tpu.wait_dma2 semaphore(%arg8 : memref<!tpu.dma_semaphore, #tpu.memory_space<semaphore_mem>>) src(%dma_wait3A_1095 : memref<24x512xf32, #tpu.memory_space<vmem>>) dst(%dma_wait3A_1091 : memref<24x512xf32, #tpu.memory_space<hbm>>)
    %dma_wait3A_1096 = arith.constant 1 : i32
    %dma_wait3A_1097 = arith.constant 7 : i32
    %dma_wait3A_1098 = arith.constant 0 : i32
    %dma_wait3A_1099 = arith.constant 0 : i32
    %dma_wait3A_1100 = tpu.memref_slice %arg7[%dma_wait3A_1096, %dma_wait3A_1098, %dma_wait3A_1099] : memref<3x24x512xf32, #tpu.memory_space<vmem>> -> memref<1x24x512xf32, #tpu.memory_space<vmem>>
    %dma_wait3A_1101 = tpu.memref_squeeze %dma_wait3A_1100 : memref<1x24x512xf32, #tpu.memory_space<vmem>> -> memref<24x512xf32, #tpu.memory_space<vmem>>
    %dma_wait3A_1102 = arith.constant 0 : i32
    %dma_wait3A_1103 = tpu.memref_slice %arg4[%dma_wait3A_1097, %select_n3A_534, %mul3A_554, %dma_wait3A_1102] : memref<8x48x48x512xf32, #tpu.memory_space<hbm>> -> memref<1x1x24x512xf32, #tpu.memory_space<hbm>>
    %dma_wait3A_1104 = tpu.memref_squeeze %dma_wait3A_1103 : memref<1x1x24x512xf32, #tpu.memory_space<hbm>> -> memref<24x512xf32, #tpu.memory_space<hbm>>
    %dma_wait3A_1105 = arith.constant 0 : i32
    %dma_wait3A_1106 = tpu.memref_slice %arg4[%dma_wait3A_1097, %select_n3A_534, %mul3A_554, %dma_wait3A_1105] : memref<8x48x48x512xf32, #tpu.memory_space<hbm>> -> memref<1x1x24x512xf32, #tpu.memory_space<hbm>>
    %dma_wait3A_1107 = tpu.memref_squeeze %dma_wait3A_1106 : memref<1x1x24x512xf32, #tpu.memory_space<hbm>> -> memref<24x512xf32, #tpu.memory_space<hbm>>
    %dma_wait3A_1108 = arith.constant 0 : i32
    %dma_wait3A_1109 = arith.constant 0 : i32
    %dma_wait3A_1110 = tpu.memref_slice %arg7[%dma_wait3A_1096, %dma_wait3A_1108, %dma_wait3A_1109] : memref<3x24x512xf32, #tpu.memory_space<vmem>> -> memref<1x24x512xf32, #tpu.memory_space<vmem>>
    %dma_wait3A_1111 = tpu.memref_squeeze %dma_wait3A_1110 : memref<1x24x512xf32, #tpu.memory_space<vmem>> -> memref<24x512xf32, #tpu.memory_space<vmem>>
    tpu.wait_dma2 semaphore(%arg8 : memref<!tpu.dma_semaphore, #tpu.memory_space<semaphore_mem>>) src(%dma_wait3A_1111 : memref<24x512xf32, #tpu.memory_space<vmem>>) dst(%dma_wait3A_1107 : memref<24x512xf32, #tpu.memory_space<hbm>>)
    %dma_wait3A_1112 = arith.constant 2 : i32
    %dma_wait3A_1113 = arith.constant 0 : i32
    %dma_wait3A_1114 = arith.constant 0 : i32
    %dma_wait3A_1115 = arith.constant 0 : i32
    %dma_wait3A_1116 = tpu.memref_slice %arg7[%dma_wait3A_1112, %dma_wait3A_1114, %dma_wait3A_1115] : memref<3x24x512xf32, #tpu.memory_space<vmem>> -> memref<1x24x512xf32, #tpu.memory_space<vmem>>
    %dma_wait3A_1117 = tpu.memref_squeeze %dma_wait3A_1116 : memref<1x24x512xf32, #tpu.memory_space<vmem>> -> memref<24x512xf32, #tpu.memory_space<vmem>>
    %dma_wait3A_1118 = arith.constant 0 : i32
    %dma_wait3A_1119 = tpu.memref_slice %arg4[%dma_wait3A_1113, %select_n3A_708, %mul3A_728, %dma_wait3A_1118] : memref<8x48x48x512xf32, #tpu.memory_space<hbm>> -> memref<1x1x24x512xf32, #tpu.memory_space<hbm>>
    %dma_wait3A_1120 = tpu.memref_squeeze %dma_wait3A_1119 : memref<1x1x24x512xf32, #tpu.memory_space<hbm>> -> memref<24x512xf32, #tpu.memory_space<hbm>>
    %dma_wait3A_1121 = arith.constant 0 : i32
    %dma_wait3A_1122 = tpu.memref_slice %arg4[%dma_wait3A_1113, %select_n3A_708, %mul3A_728, %dma_wait3A_1121] : memref<8x48x48x512xf32, #tpu.memory_space<hbm>> -> memref<1x1x24x512xf32, #tpu.memory_space<hbm>>
    %dma_wait3A_1123 = tpu.memref_squeeze %dma_wait3A_1122 : memref<1x1x24x512xf32, #tpu.memory_space<hbm>> -> memref<24x512xf32, #tpu.memory_space<hbm>>
    %dma_wait3A_1124 = arith.constant 0 : i32
    %dma_wait3A_1125 = arith.constant 0 : i32
    %dma_wait3A_1126 = tpu.memref_slice %arg7[%dma_wait3A_1112, %dma_wait3A_1124, %dma_wait3A_1125] : memref<3x24x512xf32, #tpu.memory_space<vmem>> -> memref<1x24x512xf32, #tpu.memory_space<vmem>>
    %dma_wait3A_1127 = tpu.memref_squeeze %dma_wait3A_1126 : memref<1x24x512xf32, #tpu.memory_space<vmem>> -> memref<24x512xf32, #tpu.memory_space<vmem>>
    tpu.wait_dma2 semaphore(%arg8 : memref<!tpu.dma_semaphore, #tpu.memory_space<semaphore_mem>>) src(%dma_wait3A_1127 : memref<24x512xf32, #tpu.memory_space<vmem>>) dst(%dma_wait3A_1123 : memref<24x512xf32, #tpu.memory_space<hbm>>)
    %dma_wait3A_1128 = arith.constant 2 : i32
    %dma_wait3A_1129 = arith.constant 1 : i32
    %dma_wait3A_1130 = arith.constant 0 : i32
    %dma_wait3A_1131 = arith.constant 0 : i32
    %dma_wait3A_1132 = tpu.memref_slice %arg7[%dma_wait3A_1128, %dma_wait3A_1130, %dma_wait3A_1131] : memref<3x24x512xf32, #tpu.memory_space<vmem>> -> memref<1x24x512xf32, #tpu.memory_space<vmem>>
    %dma_wait3A_1133 = tpu.memref_squeeze %dma_wait3A_1132 : memref<1x24x512xf32, #tpu.memory_space<vmem>> -> memref<24x512xf32, #tpu.memory_space<vmem>>
    %dma_wait3A_1134 = arith.constant 0 : i32
    %dma_wait3A_1135 = tpu.memref_slice %arg4[%dma_wait3A_1129, %select_n3A_708, %mul3A_728, %dma_wait3A_1134] : memref<8x48x48x512xf32, #tpu.memory_space<hbm>> -> memref<1x1x24x512xf32, #tpu.memory_space<hbm>>
    %dma_wait3A_1136 = tpu.memref_squeeze %dma_wait3A_1135 : memref<1x1x24x512xf32, #tpu.memory_space<hbm>> -> memref<24x512xf32, #tpu.memory_space<hbm>>
    %dma_wait3A_1137 = arith.constant 0 : i32
    %dma_wait3A_1138 = tpu.memref_slice %arg4[%dma_wait3A_1129, %select_n3A_708, %mul3A_728, %dma_wait3A_1137] : memref<8x48x48x512xf32, #tpu.memory_space<hbm>> -> memref<1x1x24x512xf32, #tpu.memory_space<hbm>>
    %dma_wait3A_1139 = tpu.memref_squeeze %dma_wait3A_1138 : memref<1x1x24x512xf32, #tpu.memory_space<hbm>> -> memref<24x512xf32, #tpu.memory_space<hbm>>
    %dma_wait3A_1140 = arith.constant 0 : i32
    %dma_wait3A_1141 = arith.constant 0 : i32
    %dma_wait3A_1142 = tpu.memref_slice %arg7[%dma_wait3A_1128, %dma_wait3A_1140, %dma_wait3A_1141] : memref<3x24x512xf32, #tpu.memory_space<vmem>> -> memref<1x24x512xf32, #tpu.memory_space<vmem>>
    %dma_wait3A_1143 = tpu.memref_squeeze %dma_wait3A_1142 : memref<1x24x512xf32, #tpu.memory_space<vmem>> -> memref<24x512xf32, #tpu.memory_space<vmem>>
    tpu.wait_dma2 semaphore(%arg8 : memref<!tpu.dma_semaphore, #tpu.memory_space<semaphore_mem>>) src(%dma_wait3A_1143 : memref<24x512xf32, #tpu.memory_space<vmem>>) dst(%dma_wait3A_1139 : memref<24x512xf32, #tpu.memory_space<hbm>>)
    %dma_wait3A_1144 = arith.constant 2 : i32
    %dma_wait3A_1145 = arith.constant 2 : i32
    %dma_wait3A_1146 = arith.constant 0 : i32
    %dma_wait3A_1147 = arith.constant 0 : i32
    %dma_wait3A_1148 = tpu.memref_slice %arg7[%dma_wait3A_1144, %dma_wait3A_1146, %dma_wait3A_1147] : memref<3x24x512xf32, #tpu.memory_space<vmem>> -> memref<1x24x512xf32, #tpu.memory_space<vmem>>
    %dma_wait3A_1149 = tpu.memref_squeeze %dma_wait3A_1148 : memref<1x24x512xf32, #tpu.memory_space<vmem>> -> memref<24x512xf32, #tpu.memory_space<vmem>>
    %dma_wait3A_1150 = arith.constant 0 : i32
    %dma_wait3A_1151 = tpu.memref_slice %arg4[%dma_wait3A_1145, %select_n3A_708, %mul3A_728, %dma_wait3A_1150] : memref<8x48x48x512xf32, #tpu.memory_space<hbm>> -> memref<1x1x24x512xf32, #tpu.memory_space<hbm>>
    %dma_wait3A_1152 = tpu.memref_squeeze %dma_wait3A_1151 : memref<1x1x24x512xf32, #tpu.memory_space<hbm>> -> memref<24x512xf32, #tpu.memory_space<hbm>>
    %dma_wait3A_1153 = arith.constant 0 : i32
    %dma_wait3A_1154 = tpu.memref_slice %arg4[%dma_wait3A_1145, %select_n3A_708, %mul3A_728, %dma_wait3A_1153] : memref<8x48x48x512xf32, #tpu.memory_space<hbm>> -> memref<1x1x24x512xf32, #tpu.memory_space<hbm>>
    %dma_wait3A_1155 = tpu.memref_squeeze %dma_wait3A_1154 : memref<1x1x24x512xf32, #tpu.memory_space<hbm>> -> memref<24x512xf32, #tpu.memory_space<hbm>>
    %dma_wait3A_1156 = arith.constant 0 : i32
    %dma_wait3A_1157 = arith.constant 0 : i32
    %dma_wait3A_1158 = tpu.memref_slice %arg7[%dma_wait3A_1144, %dma_wait3A_1156, %dma_wait3A_1157] : memref<3x24x512xf32, #tpu.memory_space<vmem>> -> memref<1x24x512xf32, #tpu.memory_space<vmem>>
    %dma_wait3A_1159 = tpu.memref_squeeze %dma_wait3A_1158 : memref<1x24x512xf32, #tpu.memory_space<vmem>> -> memref<24x512xf32, #tpu.memory_space<vmem>>
    tpu.wait_dma2 semaphore(%arg8 : memref<!tpu.dma_semaphore, #tpu.memory_space<semaphore_mem>>) src(%dma_wait3A_1159 : memref<24x512xf32, #tpu.memory_space<vmem>>) dst(%dma_wait3A_1155 : memref<24x512xf32, #tpu.memory_space<hbm>>)
    %dma_wait3A_1160 = arith.constant 2 : i32
    %dma_wait3A_1161 = arith.constant 3 : i32
    %dma_wait3A_1162 = arith.constant 0 : i32
    %dma_wait3A_1163 = arith.constant 0 : i32
    %dma_wait3A_1164 = tpu.memref_slice %arg7[%dma_wait3A_1160, %dma_wait3A_1162, %dma_wait3A_1163] : memref<3x24x512xf32, #tpu.memory_space<vmem>> -> memref<1x24x512xf32, #tpu.memory_space<vmem>>
    %dma_wait3A_1165 = tpu.memref_squeeze %dma_wait3A_1164 : memref<1x24x512xf32, #tpu.memory_space<vmem>> -> memref<24x512xf32, #tpu.memory_space<vmem>>
    %dma_wait3A_1166 = arith.constant 0 : i32
    %dma_wait3A_1167 = tpu.memref_slice %arg4[%dma_wait3A_1161, %select_n3A_708, %mul3A_728, %dma_wait3A_1166] : memref<8x48x48x512xf32, #tpu.memory_space<hbm>> -> memref<1x1x24x512xf32, #tpu.memory_space<hbm>>
    %dma_wait3A_1168 = tpu.memref_squeeze %dma_wait3A_1167 : memref<1x1x24x512xf32, #tpu.memory_space<hbm>> -> memref<24x512xf32, #tpu.memory_space<hbm>>
    %dma_wait3A_1169 = arith.constant 0 : i32
    %dma_wait3A_1170 = tpu.memref_slice %arg4[%dma_wait3A_1161, %select_n3A_708, %mul3A_728, %dma_wait3A_1169] : memref<8x48x48x512xf32, #tpu.memory_space<hbm>> -> memref<1x1x24x512xf32, #tpu.memory_space<hbm>>
    %dma_wait3A_1171 = tpu.memref_squeeze %dma_wait3A_1170 : memref<1x1x24x512xf32, #tpu.memory_space<hbm>> -> memref<24x512xf32, #tpu.memory_space<hbm>>
    %dma_wait3A_1172 = arith.constant 0 : i32
    %dma_wait3A_1173 = arith.constant 0 : i32
    %dma_wait3A_1174 = tpu.memref_slice %arg7[%dma_wait3A_1160, %dma_wait3A_1172, %dma_wait3A_1173] : memref<3x24x512xf32, #tpu.memory_space<vmem>> -> memref<1x24x512xf32, #tpu.memory_space<vmem>>
    %dma_wait3A_1175 = tpu.memref_squeeze %dma_wait3A_1174 : memref<1x24x512xf32, #tpu.memory_space<vmem>> -> memref<24x512xf32, #tpu.memory_space<vmem>>
    tpu.wait_dma2 semaphore(%arg8 : memref<!tpu.dma_semaphore, #tpu.memory_space<semaphore_mem>>) src(%dma_wait3A_1175 : memref<24x512xf32, #tpu.memory_space<vmem>>) dst(%dma_wait3A_1171 : memref<24x512xf32, #tpu.memory_space<hbm>>)
    %dma_wait3A_1176 = arith.constant 2 : i32
    %dma_wait3A_1177 = arith.constant 4 : i32
    %dma_wait3A_1178 = arith.constant 0 : i32
    %dma_wait3A_1179 = arith.constant 0 : i32
    %dma_wait3A_1180 = tpu.memref_slice %arg7[%dma_wait3A_1176, %dma_wait3A_1178, %dma_wait3A_1179] : memref<3x24x512xf32, #tpu.memory_space<vmem>> -> memref<1x24x512xf32, #tpu.memory_space<vmem>>
    %dma_wait3A_1181 = tpu.memref_squeeze %dma_wait3A_1180 : memref<1x24x512xf32, #tpu.memory_space<vmem>> -> memref<24x512xf32, #tpu.memory_space<vmem>>
    %dma_wait3A_1182 = arith.constant 0 : i32
    %dma_wait3A_1183 = tpu.memref_slice %arg4[%dma_wait3A_1177, %select_n3A_708, %mul3A_728, %dma_wait3A_1182] : memref<8x48x48x512xf32, #tpu.memory_space<hbm>> -> memref<1x1x24x512xf32, #tpu.memory_space<hbm>>
    %dma_wait3A_1184 = tpu.memref_squeeze %dma_wait3A_1183 : memref<1x1x24x512xf32, #tpu.memory_space<hbm>> -> memref<24x512xf32, #tpu.memory_space<hbm>>
    %dma_wait3A_1185 = arith.constant 0 : i32
    %dma_wait3A_1186 = tpu.memref_slice %arg4[%dma_wait3A_1177, %select_n3A_708, %mul3A_728, %dma_wait3A_1185] : memref<8x48x48x512xf32, #tpu.memory_space<hbm>> -> memref<1x1x24x512xf32, #tpu.memory_space<hbm>>
    %dma_wait3A_1187 = tpu.memref_squeeze %dma_wait3A_1186 : memref<1x1x24x512xf32, #tpu.memory_space<hbm>> -> memref<24x512xf32, #tpu.memory_space<hbm>>
    %dma_wait3A_1188 = arith.constant 0 : i32
    %dma_wait3A_1189 = arith.constant 0 : i32
    %dma_wait3A_1190 = tpu.memref_slice %arg7[%dma_wait3A_1176, %dma_wait3A_1188, %dma_wait3A_1189] : memref<3x24x512xf32, #tpu.memory_space<vmem>> -> memref<1x24x512xf32, #tpu.memory_space<vmem>>
    %dma_wait3A_1191 = tpu.memref_squeeze %dma_wait3A_1190 : memref<1x24x512xf32, #tpu.memory_space<vmem>> -> memref<24x512xf32, #tpu.memory_space<vmem>>
    tpu.wait_dma2 semaphore(%arg8 : memref<!tpu.dma_semaphore, #tpu.memory_space<semaphore_mem>>) src(%dma_wait3A_1191 : memref<24x512xf32, #tpu.memory_space<vmem>>) dst(%dma_wait3A_1187 : memref<24x512xf32, #tpu.memory_space<hbm>>)
    %dma_wait3A_1192 = arith.constant 2 : i32
    %dma_wait3A_1193 = arith.constant 5 : i32
    %dma_wait3A_1194 = arith.constant 0 : i32
    %dma_wait3A_1195 = arith.constant 0 : i32
    %dma_wait3A_1196 = tpu.memref_slice %arg7[%dma_wait3A_1192, %dma_wait3A_1194, %dma_wait3A_1195] : memref<3x24x512xf32, #tpu.memory_space<vmem>> -> memref<1x24x512xf32, #tpu.memory_space<vmem>>
    %dma_wait3A_1197 = tpu.memref_squeeze %dma_wait3A_1196 : memref<1x24x512xf32, #tpu.memory_space<vmem>> -> memref<24x512xf32, #tpu.memory_space<vmem>>
    %dma_wait3A_1198 = arith.constant 0 : i32
    %dma_wait3A_1199 = tpu.memref_slice %arg4[%dma_wait3A_1193, %select_n3A_708, %mul3A_728, %dma_wait3A_1198] : memref<8x48x48x512xf32, #tpu.memory_space<hbm>> -> memref<1x1x24x512xf32, #tpu.memory_space<hbm>>
    %dma_wait3A_1200 = tpu.memref_squeeze %dma_wait3A_1199 : memref<1x1x24x512xf32, #tpu.memory_space<hbm>> -> memref<24x512xf32, #tpu.memory_space<hbm>>
    %dma_wait3A_1201 = arith.constant 0 : i32
    %dma_wait3A_1202 = tpu.memref_slice %arg4[%dma_wait3A_1193, %select_n3A_708, %mul3A_728, %dma_wait3A_1201] : memref<8x48x48x512xf32, #tpu.memory_space<hbm>> -> memref<1x1x24x512xf32, #tpu.memory_space<hbm>>
    %dma_wait3A_1203 = tpu.memref_squeeze %dma_wait3A_1202 : memref<1x1x24x512xf32, #tpu.memory_space<hbm>> -> memref<24x512xf32, #tpu.memory_space<hbm>>
    %dma_wait3A_1204 = arith.constant 0 : i32
    %dma_wait3A_1205 = arith.constant 0 : i32
    %dma_wait3A_1206 = tpu.memref_slice %arg7[%dma_wait3A_1192, %dma_wait3A_1204, %dma_wait3A_1205] : memref<3x24x512xf32, #tpu.memory_space<vmem>> -> memref<1x24x512xf32, #tpu.memory_space<vmem>>
    %dma_wait3A_1207 = tpu.memref_squeeze %dma_wait3A_1206 : memref<1x24x512xf32, #tpu.memory_space<vmem>> -> memref<24x512xf32, #tpu.memory_space<vmem>>
    tpu.wait_dma2 semaphore(%arg8 : memref<!tpu.dma_semaphore, #tpu.memory_space<semaphore_mem>>) src(%dma_wait3A_1207 : memref<24x512xf32, #tpu.memory_space<vmem>>) dst(%dma_wait3A_1203 : memref<24x512xf32, #tpu.memory_space<hbm>>)
    %dma_wait3A_1208 = arith.constant 2 : i32
    %dma_wait3A_1209 = arith.constant 6 : i32
    %dma_wait3A_1210 = arith.constant 0 : i32
    %dma_wait3A_1211 = arith.constant 0 : i32
    %dma_wait3A_1212 = tpu.memref_slice %arg7[%dma_wait3A_1208, %dma_wait3A_1210, %dma_wait3A_1211] : memref<3x24x512xf32, #tpu.memory_space<vmem>> -> memref<1x24x512xf32, #tpu.memory_space<vmem>>
    %dma_wait3A_1213 = tpu.memref_squeeze %dma_wait3A_1212 : memref<1x24x512xf32, #tpu.memory_space<vmem>> -> memref<24x512xf32, #tpu.memory_space<vmem>>
    %dma_wait3A_1214 = arith.constant 0 : i32
    %dma_wait3A_1215 = tpu.memref_slice %arg4[%dma_wait3A_1209, %select_n3A_708, %mul3A_728, %dma_wait3A_1214] : memref<8x48x48x512xf32, #tpu.memory_space<hbm>> -> memref<1x1x24x512xf32, #tpu.memory_space<hbm>>
    %dma_wait3A_1216 = tpu.memref_squeeze %dma_wait3A_1215 : memref<1x1x24x512xf32, #tpu.memory_space<hbm>> -> memref<24x512xf32, #tpu.memory_space<hbm>>
    %dma_wait3A_1217 = arith.constant 0 : i32
    %dma_wait3A_1218 = tpu.memref_slice %arg4[%dma_wait3A_1209, %select_n3A_708, %mul3A_728, %dma_wait3A_1217] : memref<8x48x48x512xf32, #tpu.memory_space<hbm>> -> memref<1x1x24x512xf32, #tpu.memory_space<hbm>>
    %dma_wait3A_1219 = tpu.memref_squeeze %dma_wait3A_1218 : memref<1x1x24x512xf32, #tpu.memory_space<hbm>> -> memref<24x512xf32, #tpu.memory_space<hbm>>
    %dma_wait3A_1220 = arith.constant 0 : i32
    %dma_wait3A_1221 = arith.constant 0 : i32
    %dma_wait3A_1222 = tpu.memref_slice %arg7[%dma_wait3A_1208, %dma_wait3A_1220, %dma_wait3A_1221] : memref<3x24x512xf32, #tpu.memory_space<vmem>> -> memref<1x24x512xf32, #tpu.memory_space<vmem>>
    %dma_wait3A_1223 = tpu.memref_squeeze %dma_wait3A_1222 : memref<1x24x512xf32, #tpu.memory_space<vmem>> -> memref<24x512xf32, #tpu.memory_space<vmem>>
    tpu.wait_dma2 semaphore(%arg8 : memref<!tpu.dma_semaphore, #tpu.memory_space<semaphore_mem>>) src(%dma_wait3A_1223 : memref<24x512xf32, #tpu.memory_space<vmem>>) dst(%dma_wait3A_1219 : memref<24x512xf32, #tpu.memory_space<hbm>>)
    %dma_wait3A_1224 = arith.constant 2 : i32
    %dma_wait3A_1225 = arith.constant 7 : i32
    %dma_wait3A_1226 = arith.constant 0 : i32
    %dma_wait3A_1227 = arith.constant 0 : i32
    %dma_wait3A_1228 = tpu.memref_slice %arg7[%dma_wait3A_1224, %dma_wait3A_1226, %dma_wait3A_1227] : memref<3x24x512xf32, #tpu.memory_space<vmem>> -> memref<1x24x512xf32, #tpu.memory_space<vmem>>
    %dma_wait3A_1229 = tpu.memref_squeeze %dma_wait3A_1228 : memref<1x24x512xf32, #tpu.memory_space<vmem>> -> memref<24x512xf32, #tpu.memory_space<vmem>>
    %dma_wait3A_1230 = arith.constant 0 : i32
    %dma_wait3A_1231 = tpu.memref_slice %arg4[%dma_wait3A_1225, %select_n3A_708, %mul3A_728, %dma_wait3A_1230] : memref<8x48x48x512xf32, #tpu.memory_space<hbm>> -> memref<1x1x24x512xf32, #tpu.memory_space<hbm>>
    %dma_wait3A_1232 = tpu.memref_squeeze %dma_wait3A_1231 : memref<1x1x24x512xf32, #tpu.memory_space<hbm>> -> memref<24x512xf32, #tpu.memory_space<hbm>>
    %dma_wait3A_1233 = arith.constant 0 : i32
    %dma_wait3A_1234 = tpu.memref_slice %arg4[%dma_wait3A_1225, %select_n3A_708, %mul3A_728, %dma_wait3A_1233] : memref<8x48x48x512xf32, #tpu.memory_space<hbm>> -> memref<1x1x24x512xf32, #tpu.memory_space<hbm>>
    %dma_wait3A_1235 = tpu.memref_squeeze %dma_wait3A_1234 : memref<1x1x24x512xf32, #tpu.memory_space<hbm>> -> memref<24x512xf32, #tpu.memory_space<hbm>>
    %dma_wait3A_1236 = arith.constant 0 : i32
    %dma_wait3A_1237 = arith.constant 0 : i32
    %dma_wait3A_1238 = tpu.memref_slice %arg7[%dma_wait3A_1224, %dma_wait3A_1236, %dma_wait3A_1237] : memref<3x24x512xf32, #tpu.memory_space<vmem>> -> memref<1x24x512xf32, #tpu.memory_space<vmem>>
    %dma_wait3A_1239 = tpu.memref_squeeze %dma_wait3A_1238 : memref<1x24x512xf32, #tpu.memory_space<vmem>> -> memref<24x512xf32, #tpu.memory_space<vmem>>
    tpu.wait_dma2 semaphore(%arg8 : memref<!tpu.dma_semaphore, #tpu.memory_space<semaphore_mem>>) src(%dma_wait3A_1239 : memref<24x512xf32, #tpu.memory_space<vmem>>) dst(%dma_wait3A_1235 : memref<24x512xf32, #tpu.memory_space<hbm>>)
    return
  }
}

</mosaic_0001>

<sc_bundles>
// kernel: kernel.3.cloned.1.call-start
scs
__scs_entry_jumppad:
0x0: {  	(pc) =	sbr.rel $0x88, $3  }
0x1: {  	(tag) =	ssettag $0x0;
	lr =	simm.s32 $0x1  }
0x2: {  	[smem:$0x3F9F] =	sst lr;
	_ =	strace $0xD0000000  }
0x3: {  	_ = 	snop  }
0x4: {  	_ = 	snop  }
0x5: {  	_ = 	snop  }
0x6: {  	_ = 	snop  }
0x7: {  	_ = 	snop  }
__scs_overlays_trampoline_lowered:
0x8: {  	[smem:$0x3FAE] =	sst s0  }
0x9: {  	[smem:$0x3FAF] =	sst s1  }
0xa: {  	[smem:$0x3FB0] =	sst s2  }
0xb: {  	[smem:$0x3FB1] =	sst s3  }
0xc: {  	[smem:$0x3FB2] =	sst s4  }
0xd: {  	[smem:$0x3FB3] =	sst s5  }
0xe: {  	[smem:$0x3FB4] =	sst s6  }
0xf: {  	[smem:$0x3FB5] =	sst s7  }
0x10: {  	[smem:$0x3FB6] =	sst s8  }
0x11: {  	[smem:$0x3FB7] =	sst s9;
	s0 =	simm.s32 @!p0 $0x0  }
0x12: {  	s1 =	sld [smem:$0x3F9D];
	s0 =	simm.s32 @p0 $0x1  }
0x13: {  	[smem:$0x3FB8] =	sst s0;
	s0 =	simm.s32 @!p1 $0x0  }
0x14: {  	s2 =	sld [smem:$0x3F9C];
	s0 =	simm.s32 @p1 $0x1  }
0x15: {  	[smem:$0x3FB9] =	sst s0;
	s0 =	simm.s32 @!p2 $0x0  }
0x16: {  	s3 =	sld [smem:$0x3FDB];
	s0 =	simm.s32 @p2 $0x1  }
0x17: {  	s4 =	simm.s32 $0x1BF5;
	[smem:$0x3FBB] =	sst s0  }
0x18: {  	s0 =	sld [smem:$0x3F9E];
	_ =	swait.ge [sflag:s4], $0x0  }
0x19: {  	s7 =	sld [smem:$0x3F9F]  }
0x1a: {  	s8 =	sadd.s32 $0xFFFFE003, lr  }
0x1b: {  	s9 =	sadd.s32 $0xFFFFFEF7, lr;
	s5 =	simm.s32 $0xFFFFFFFF;
	p2 =	slt.u32 s8, $0xFFFFF086  }
0x1c: {  	p1 =	slt.u32 s9, $0xF7A;
	s5 =	simm.s32 @!p2 $0x0  }
0x1d: {  	s5 =	simm.s32 @p1 $0x1;
	p0 =	seq.s32 s7, s2  }
0x1e: {  	s7 =	smul.u32 @!p0 $0xF7A, s2;
	p2 =	seq.s32 @!p0 s5, $0x0  }
0x1f: {  	s9 =	smul.u32 $0xF7A, s1;
	s8 =	simm.s32 @!p0 $0x1BF5;
	p2 =	por !p2, p0  }
0x20: {  	[sflag:s8] =	ssyncset.s32 @!p0 $0xFFFFF086;
	s6 =	sadd.s32 @!p0 s3, s7;
	s7 =	simm.s32 @!p0 $0x108  }
0x21: {  	s3 =	sadd.s32 s3, s9;
	s6 =	sadd.s32 @!p0 $0x88, s6;
	s7 =	simm.s32 @p2 $0x1082  }
0x22: {  	[simem:s7], [sflag:s8] =	dma.local @!p0 [hbm:s6], $0xF7A  }
0x23: {  	s9 =	sor.u32 $0xD0000000, s2;
	s6 =	simm.s32 $0x108;
	_ =	swait.ge @!p0 [sflag:s8], $0x0  }
0x24: {  	s3 =	sadd.s32 $0x88, s3;
	s6 =	simm.s32 @!p1 $0x1082;
	[sflag:s4] =	ssyncset.s32 $0xFFFFF086  }
0x25: {  	[simem:s6], [sflag:s4] =	dma.local [hbm:s3], $0xF7A  }
0x26: {  	[smem:$0x3F9F] =	sst s1;
	(tag) =	ssettag s2;
	_ =	strace s9  }
0x27: {  	s1 =	sld [smem:$0x3FAF]  }
0x28: {  	s2 =	sld [smem:$0x3FB0]  }
0x29: {  	s4 =	sld [smem:$0x3FB2]  }
0x2a: {  	p0 =	seq.s32 s5, $0x0;
	s5 =	sld [smem:$0x3FB3]  }
0x2b: {  	s6 =	sld [smem:$0x3FB4]  }
0x2c: {  	s7 =	sld [smem:$0x3FB5]  }
0x2d: {  	s3 =	simm.s32 $0x108;
	s8 =	sld [smem:$0x3FB6]  }
0x2e: {  	s3 =	simm.s32 @!p0 $0x1082;
	s9 =	sld [smem:$0x3FB7]  }
0x2f: {  	lr =	sadd.s32 s0, s3;
	s0 =	sld [smem:$0x3FAE]  }
0x30: {  	s3 =	sld [smem:$0x3FB1]  }
0x31: {  	[smem:$0x3FBA] =	sst s10  }
0x32: {  	s10 =	sld [smem:$0x3FB8];
	_ =	sdelay $0x3  }
0x33: {  	p0 =	seq.s32 s10, $0x1;
	s10 =	sld [smem:$0x3FBA];
	_ =	sdelay $0x3  }
0x34: {  	[smem:$0x3FBA] =	sst s10  }
0x35: {  	s10 =	sld [smem:$0x3FB9];
	_ =	sdelay $0x3  }
0x36: {  	p1 =	seq.s32 s10, $0x1;
	s10 =	sld [smem:$0x3FBA];
	_ =	sdelay $0x3  }
0x37: {  	[smem:$0x3FBA] =	sst s10  }
0x38: {  	s10 =	sld [smem:$0x3FBB]  }
0x39: {  	_ = 	snop;
	(pc) =	sbr.ind lr, $3  }
0x3a: {  	_ = 	snop  }
0x3b: {  	_ = 	snop  }
0x3c: {  	p2 =	seq.s32 s10, $0x1;
	s10 =	sld [smem:$0x3FBA]  }
0x3d: {  	_ =	shalt  }
0x3e: {  	_ =	shalt  }
0x3f: {  	_ =	shalt  }
0x40: {  	_ =	shalt  }
0x41: {  	_ =	shalt  }
0x42: {  	_ =	shalt  }
0x43: {  	_ =	shalt  }
0x44: {  	_ =	shalt  }
0x45: {  	_ =	shalt  }
0x46: {  	_ =	shalt  }
0x47: {  	_ =	shalt  }
0x48: {  	_ =	shalt  }
0x49: {  	_ =	shalt  }
0x4a: {  	_ =	shalt  }
0x4b: {  	_ =	shalt  }
0x4c: {  	_ =	shalt  }
0x4d: {  	_ =	shalt  }
0x4e: {  	_ =	shalt  }
0x4f: {  	_ =	shalt  }
0x50: {  	_ =	shalt  }
0x51: {  	_ =	shalt  }
0x52: {  	_ =	shalt  }
0x53: {  	_ =	shalt  }
0x54: {  	_ =	shalt  }
0x55: {  	_ =	shalt  }
0x56: {  	_ =	shalt  }
0x57: {  	_ =	shalt  }
0x58: {  	_ =	shalt  }
0x59: {  	_ =	shalt  }
0x5a: {  	_ =	shalt  }
0x5b: {  	_ =	shalt  }
0x5c: {  	_ =	shalt  }
0x5d: {  	_ =	shalt  }
0x5e: {  	_ =	shalt  }
0x5f: {  	_ =	shalt  }
0x60: {  	_ =	shalt  }
0x61: {  	_ =	shalt  }
0x62: {  	_ =	shalt  }
0x63: {  	_ =	shalt  }
0x64: {  	_ =	shalt  }
0x65: {  	_ =	shalt  }
0x66: {  	_ =	shalt  }
0x67: {  	_ =	shalt  }
0x68: {  	_ =	shalt  }
0x69: {  	_ =	shalt  }
0x6a: {  	_ =	shalt  }
0x6b: {  	_ =	shalt  }
0x6c: {  	_ =	shalt  }
0x6d: {  	_ =	shalt  }
0x6e: {  	_ =	shalt  }
0x6f: {  	_ =	shalt  }
0x70: {  	_ =	shalt  }
0x71: {  	_ =	shalt  }
0x72: {  	_ =	shalt  }
0x73: {  	_ =	shalt  }
0x74: {  	_ =	shalt  }
0x75: {  	_ =	shalt  }
0x76: {  	_ =	shalt  }
0x77: {  	_ =	shalt  }
0x78: {  	_ =	shalt  }
0x79: {  	_ =	shalt  }
0x7a: {  	_ =	shalt  }
0x7b: {  	_ =	shalt  }
0x7c: {  	_ =	shalt  }
0x7d: {  	_ =	shalt  }
0x7e: {  	_ =	shalt  }
0x7f: {  	_ =	shalt  }
0x80: {  	_ =	shalt  }
0x81: {  	_ =	shalt  }
0x82: {  	_ =	shalt  }
0x83: {  	_ =	shalt  }
0x84: {  	_ =	shalt  }
0x85: {  	_ =	shalt  }
0x86: {  	_ =	shalt  }
0x87: {  	_ =	shalt  }
.Lfunc_end0:
.L_simem_size_0:
called_computation_lowered:
.L_overlay_start_0:
0x88: {  	s2 =	sld [smem:$0x3FD9]  }
0x89: {  	s3 =	sld [smem:$0x3FFE];
	_ =	sdelay $0x1  }
0x8a: {  	s1 =	srdreg.scid  }
0x8b: {  	s0 =	sand.u32 $0x1, s1  }
0x8c: {  	s18 =	sshll.u32 s0, $0xA;
	s2 =	sadd.s32 s3, s2  }
0x8d: {  	s2 =	sadd.s32 s2, s18  }
0x8e: {  	[smem:$0x3FC6] =	sst s2  }
0x8f: {  	_ = 	snop  }
0x90: {  	s2 =	sld [smem:$0x3FC9]  }
0x91: {  	s19 =	sld [smem:$0x3FC8]  }
0x92: {  	s4 =	sld [smem:$0x3FD0];
	(tm) =	ssettm $0x1  }
0x93: {  	s5 =	sld [smem:$0x3FFB];
	_ =	sdelay $0x3  }
0x94: {  	_ =	strace s5  }
0x95: {  	s5 =	sld [smem:$0x3FFC];
	_ =	sdelay $0x3  }
0x96: {  	_ =	strace s5  }
0x97: {  	s5 =	sld [smem:$0x3FFD];
	_ =	sdelay $0x3  }
0x98: {  	_ =	strace s5  }
0x99: {  	_ =	strace $0x8FFFFFFF  }
0x9a: {  	s20 =	sld [smem:$0x3FDB];
	_ =	sdelay $0x1  }
0x9b: {  	s6 =	simm.s32 $_scs_section_size  }
0x9c: {  	s7 =	simm.s32 $_size__tile_overlayer_lowered;
	s8 =	simm.s32 $_tile_overlayer_lowered  }
0x9d: {  	s23 =	simm.s32 $0x1BFF;
	s22 =	sshll.u32 s8, $0x1;
	s5 =	sadd.s32 s6, s20  }
0x9e: {  	s9 =	simm.s32 $0x0;
	s21 =	sshll.u32 s7, $0x1;
	s7 =	sadd.s32 s22, s5  }
0x9f: {  	[timem:s9], [sflag:s23] =	dma.local [hbm:s7], s21  }
0xa0: {  	_ =	swait.ge [sflag:s23], s21  }
0xa1: {  	s6 =	ssub.s32 $0x0, s21;
	[sflag:s23] =	ssyncset.done $0x0  }
0xa2: {  	[sflag:s23] =	ssyncadd.s32 s6;
	_ =	sdelay $0x1  }
0xa3: {  	s24 =	simm.s32 $0x1B8B  }
0xa4: {  	_ =	swait.ge [sflag:s24], $0x1  }
0xa5: {  	[sflag:s24] =	ssyncset.done $0x0  }
0xa6: {  	s25 =	simm.s32 $0x1B8E;
	[sflag:s24] =	ssyncadd.s32 $0xFFFFFFFF  }
0xa7: {  	s26 =	simm.s32 $execute0_lowered;
	[smem:$0x3FD2] =	sst s25  }
0xa8: {  	s6 =	sshll.u32 s26, $0x1;
	_ =	strace $0x80000046;
	[dreg:$0x1] =	wrdreg $0xFFFFFFFF  }
0xa9: {  	s28 =	simm.s32 $_size_execute0_lowered;
	s5 =	sadd.s32 s5, s6;
	[dreg:$0x0] =	wrdreg $0x0  }
0xaa: {  	s6 =	sshll.u32 s28, $0x1;
	[dreg:$0x2] =	wrdreg s5  }
0xab: {  	[dreg:$0x3] =	wrdreg s6  }
0xac: {  	[dreg:$0x4] =	wrdreg $0xC0  }
0xad: {  	_ =	task [dreg:s9], $0x5FFFF  }
0xae: {  	[dreg:$0x1] =	wrdreg $0xFFFFFFFF  }
0xaf: {  	[dreg:$0x0] =	wrdreg $0x60  }
0xb0: {  	[dreg:$0x2] =	wrdreg s2  }
0xb1: {  	[dreg:$0x3] =	wrdreg s19  }
0xb2: {  	[dreg:$0x4] =	wrdreg s4  }
0xb3: {  	[dreg:$0x5] =	wrdreg $0x9  }
0xb4: {  	_ =	task.clear_ibuf [dreg:s9], $0x6FFFF;
	_ =	strace $0x90000046  }
0xb5: {  	s29 =	simm.s32 $0x9;
	_ =	strace $0x80000048  }
0xb6: {  	_ =	swait.ge [sflag:s29], $0x1  }
0xb7: {  	[sflag:s29] =	ssyncadd.s32 $0xFFFFFFFF  }
0xb8: {  	_ =	strace $0x90000048  }
0xb9: {  	_ =	sfence  }
0xba: {  	s30 =	sld [smem:$0x0];
	_ =	sdelay $0x2  }
0xbb: {  	s31 =	sshll.u32 s1, $0xD;
	s1 =	sshrl.u32 s1, $0x2  }
0xbc: {  	s3 =	sand.u32 $0x4000, s31;
	s1 =	sadd.s32 s1, s30  }
0xbd: {  	s0 =	sor.u32 s3, s0;
	s1 =	sshll.u32 s1, $0x11  }
0xbe: {  	s0 =	sor.u32 s1, s0  }
0xbf: {  	s0 =	sadd.s32 $0x8F2B, s0  }
0xc0: {  	[sflag:s0] =	ssyncadd.remote.s32 $0x1  }
0xc1: {  	_ =	sfence.sel $0xFFFF  }
0xc2: {  	[dreg:$0x0] =	wrdreg $0xFFFFFFFF;
	(pc) =	sbr.abs _section_cstart, $3  }
0xc3: {  	[dreg:$0x1] =	wrdreg $0xFFFFFFFF  }
0xc4: {  	_ =	task.clear_ibuf [dreg:s9], $0x2FFFF;
	_ =	strace $0x9FFFFFFF  }
0xc5: {  	(tm) =	ssettm $0x7FFFFFFF  }
tec
execute0_lowered:
.L_overlay_start_1:
0x0: {  	(tag) =	ssettag $0x1  }
0x1: {  	s1 =	srdreg.scid;
	s2 =	stileid.u32  }
0x2: {  	s0 =	rddreg [dreg:$0x2];
	s1 =	sand.u32 $0x1, s1;
	s2 =	sshll.u32 s2, $0x1  }
0x3: {  	s4 =	simm.s32 $0x0;
	s2 =	sor.u32 s1, s2;
	s1 =	ssub.s32 $0x2, s1  }
0x4: {  	[smem:$0x7FF] =	sst s4;
	s2 =	smul.u32 $0x3, s2;
	s3 =	sshrl.u32 s1, $0x1  }
0x5: {  	s12 =	simm.s32 $0x18;
	_ =	strace $0x80000047;
	s1 =	ssub.s32 s1, s3  }
0x6: {  	s26 =	sshrl.u32 s2, $0x1;
	s5 =	sand.u32 $0x1, s2;
	s6 =	sshll.u32 s2, $0x7  }
0x7: {  	s7 =	sshll.u32 s2, $0x6;
	s30 =	sadd.s32 $0x1, s2;
	s2 =	sadd.s32 $0x2, s2  }
0x8: {  	s25 =	smax.u32 s1, $0x1;
	p0 =	seq.s32 s5, $0x1;
	s28 =	sand.u32 $0x3800, s6  }
0x9: {  	s29 =	sand.u32 $0x380, s7;
	s7 =	simm.s32 $0x18;
	s8 =	sand.u32 $0x1, s30  }
0xa: {  	s9 =	sshll.u32 s30, $0x7;
	s10 =	sshll.u32 s30, $0x6;
	s3 =	smul.u32 $0x6000, s26  }
0xb: {  	s11 =	sshll.u32 s2, $0x7;
	s14 =	sshll.u32 s2, $0x6;
	s2 =	sshrl.u32 s2, $0x1  }
0xc: {  	[dreg:$0xf] =	wrdreg s25;
	s5 =	sor.u32 s29, s28;
	s12 =	simm.s32 @!p0 $0x0  }
0xd: {  	p0 =	seq.s32 s8, $0x1;
	s9 =	sand.u32 $0x7800, s9;
	s10 =	sand.u32 $0x380, s10  }
0xe: {  	s2 =	smul.u32 $0x6000, s2;
	[dreg:$0x4] =	wrdreg s5;
	s6 =	sadd.s32 $0x3000, s5  }
0xf: {  	s5 =	sshrl.u32 s30, $0x1;
	s7 =	simm.s32 @!p0 $0x0;
	s8 =	sor.u32 s10, s9  }
0x10: {  	s13 =	sshll.u32 s12, $0x9;
	s9 =	sand.u32 $0x7800, s11;
	s10 =	sand.u32 $0x380, s14  }
0x11: {  	[dreg:$0x5] =	wrdreg s8;
	s8 =	sadd.s32 $0x3000, s8;
	s3 =	sadd.s32 s3, s13  }
0x12: {  	s9 =	sor.u32 s10, s9;
	s15 =	smul.u32 $0x6000, s5;
	s3 =	sshrl.u32 s3, $0x3  }
0x13: {  	s18 =	sshll.u32 s7, $0x9;
	s2 =	sadd.s32 s13, s2;
	s11 =	sadd.s32 s0, s3  }
0x14: {  	s25 =	sshll.u32 s7, $0x8;
	s5 =	simm.s32 $0x2;
	s16 =	sadd.s32 $0x24000, s11  }
0x15: {  	s10 =	sadd.s32 $0x3000, s9;
	s17 =	sadd.s32 $0x48000, s11;
	[dreg:$0x6] =	wrdreg s16  }
0x16: {  	s2 =	sshrl.u32 s2, $0x3;
	s14 =	sadd.s32 $0x6C000, s11;
	[dreg:$0x7] =	wrdreg s17  }
0x17: {  	s3 =	sadd.s32 s15, s18;
	s19 =	sadd.s32 $0x90000, s11;
	[dreg:$0x8] =	wrdreg s14  }
0x18: {  	s15 =	simm.s32 $0x6000;
	s20 =	sadd.s32 $0xB4000, s11;
	[dreg:$0x9] =	wrdreg s19  }
0x19: {  	s3 =	sshrl.u32 s3, $0x3;
	s21 =	sadd.s32 $0xD8000, s11;
	[dreg:$0xa] =	wrdreg s20  }
0x1a: {  	s22 =	sadd.s32 $0xFC000, s11;
	[dreg:$0xb] =	wrdreg s21;
	s18 =	sadd.s32 s0, s3  }
0x1b: {  	[dreg:$0xc] =	wrdreg s22;
	s21 =	sadd.s32 s0, s2;
	s16 =	simm.s32 $0x9000  }
0x1c: {  	s17 =	simm.s32 $0xC000;
	s19 =	simm.s32 $0x1;
	s20 =	simm.s32 $0x0  }
0x1d: {  	s23 =	sadd.s32 $0x24000, s18;
	s24 =	sadd.s32 $0x48000, s18;
	s26 =	sadd.s32 $0x6C000, s18  }
0x1e: {  	s28 =	sadd.s32 $0x90000, s18;
	s29 =	sadd.s32 $0xB4000, s18;
	[dreg:$0xd] =	wrdreg s23  }
0x1f: {  	s30 =	sadd.s32 $0xD8000, s18;
	s31 =	sadd.s32 $0xFC000, s18;
	[dreg:$0xe] =	wrdreg s24  }
0x20: {  	s2 =	sadd.s32 $0x24000, s21;
	s0 =	sadd.s32 $0x48000, s21;
	[dreg:$0x10] =	wrdreg s26  }
0x21: {  	s1 =	sadd.s32 $0x6C000, s21;
	s3 =	sadd.s32 $0x90000, s21;
	[dreg:$0x11] =	wrdreg s28  }
0x22: {  	s13 =	sadd.s32 $0xD8000, s21;
	s14 =	sadd.s32 $0xFC000, s21;
	[dreg:$0x12] =	wrdreg s29  }
0x23: {  	s24 =	sshll.u32 s12, $0x8;
	[dreg:$0x13] =	wrdreg s30;
	s12 =	sadd.s32 $0xB4000, s21  }
.LBB2_1:
0x24: {  	s7 =	rddreg [dreg:$0x0]  }
0x25: {  	[tilespmem:s4], [sflag:$0x2] =	stream.linear.gather [hbm4b:s7+s4], $0x3000, $0x38;
	[tilespmem:$0xF000] =	vst v63  }
0x26: {  	_ =	swait.ge [sflag:s5], $0x3000  }
0x27: {  	[sflag:s5] =	ssyncset.done $0x0  }
0x28: {  	[sflag:s5] =	ssyncadd.s32 $0xFFFFD000  }
0x29: {  	s22 =	simm.s32 $0x3000;
	s23 =	rddreg [dreg:$0x1]  }
0x2a: {  	[tilespmem:s22], [sflag:$0x2] =	stream.linear.gather [hbm4b:s23+s4], $0x3000, $0x38;
	[tilespmem:$0xF000] =	vst v63  }
0x2b: {  	_ =	swait.ge [sflag:s5], $0x3000  }
0x2c: {  	[sflag:s5] =	ssyncset.done $0x0  }
0x2d: {  	s26 =	rddreg [dreg:$0x4];
	[sflag:s5] =	ssyncadd.s32 $0xFFFFD000  }
0x2e: {  	v6 =	vld [tilespmem:s26+$0x3000]  }
0x2f: {  	v7 =	vld [tilespmem:s6+$0x10]  }
0x30: {  	v8 =	vld [tilespmem:s6+$0x20]  }
0x31: {  	v9 =	vld [tilespmem:s6+$0x30]  }
0x32: {  	v10 =	vld [tilespmem:s6+$0x40]  }
0x33: {  	v0 =	vld [tilespmem:s6+$0x50]  }
0x34: {  	v1 =	vld [tilespmem:s6+$0x60]  }
0x35: {  	v2 =	vld [tilespmem:s6+$0x70]  }
0x36: {  	v3 =	vld [tilespmem:s6+$0x400]  }
0x37: {  	s7 =	sand.u32 $0x3800, s24;
	s22 =	sand.u32 $0x380, s4;
	v4 =	vld [tilespmem:s6+$0x410]  }
0x38: {  	s23 =	sor.u32 s22, s7;
	v5 =	vld [tilespmem:s6+$0x420]  }
0x39: {  	v16 =	vld [tilespmem:s23+$0x0]  }
0x3a: {  	v11 =	vld [tilespmem:s6+$0x430]  }
0x3b: {  	v12 =	vld [tilespmem:s6+$0x440]  }
0x3c: {  	v13 =	vld [tilespmem:s6+$0x450];
	s26 =	sand.u32 $0x3000, s4  }
0x3d: {  	v14 =	vld [tilespmem:s6+$0x460];
	s22 =	sor.u32 s22, s26  }
0x3e: {  	v15 =	vld [tilespmem:s6+$0x470];
	[tilespmem:s22+$0x6000] =	vst v16  }
0x3f: {  	v16 =	vld [tilespmem:s23+$0x10];
	_ =	sdelay $0x4  }
0x40: {  	[tilespmem:s22+$0x6010] =	vst v16  }
0x41: {  	v16 =	vld [tilespmem:s23+$0x20];
	_ =	sdelay $0x4  }
0x42: {  	[tilespmem:s22+$0x6020] =	vst v16  }
0x43: {  	v16 =	vld [tilespmem:s23+$0x30];
	_ =	sdelay $0x4  }
0x44: {  	[tilespmem:s22+$0x6030] =	vst v16  }
0x45: {  	v16 =	vld [tilespmem:s23+$0x40];
	_ =	sdelay $0x4  }
0x46: {  	[tilespmem:s22+$0x6040] =	vst v16  }
0x47: {  	v16 =	vld [tilespmem:s23+$0x50];
	_ =	sdelay $0x4  }
0x48: {  	[tilespmem:s22+$0x6050] =	vst v16  }
0x49: {  	v16 =	vld [tilespmem:s23+$0x60];
	_ =	sdelay $0x4  }
0x4a: {  	[tilespmem:s22+$0x6060] =	vst v16  }
0x4b: {  	v16 =	vld [tilespmem:s23+$0x70];
	_ =	sdelay $0x4  }
0x4c: {  	[tilespmem:s22+$0x6070] =	vst v16  }
0x4d: {  	v16 =	vld [tilespmem:s23+$0x400];
	_ =	sdelay $0x4  }
0x4e: {  	[tilespmem:s22+$0x6400] =	vst v16  }
0x4f: {  	v16 =	vld [tilespmem:s23+$0x410];
	_ =	sdelay $0x4  }
0x50: {  	[tilespmem:s22+$0x6410] =	vst v16  }
0x51: {  	v16 =	vld [tilespmem:s23+$0x420];
	_ =	sdelay $0x4  }
0x52: {  	[tilespmem:s22+$0x6420] =	vst v16  }
0x53: {  	v16 =	vld [tilespmem:s23+$0x430];
	_ =	sdelay $0x4  }
0x54: {  	[tilespmem:s22+$0x6430] =	vst v16  }
0x55: {  	v16 =	vld [tilespmem:s23+$0x440];
	_ =	sdelay $0x4  }
0x56: {  	[tilespmem:s22+$0x6440] =	vst v16  }
0x57: {  	v16 =	vld [tilespmem:s23+$0x450];
	_ =	sdelay $0x4  }
0x58: {  	[tilespmem:s22+$0x6450] =	vst v16  }
0x59: {  	v16 =	vld [tilespmem:s23+$0x460];
	_ =	sdelay $0x4  }
0x5a: {  	[tilespmem:s22+$0x6460] =	vst v16  }
0x5b: {  	v16 =	vld [tilespmem:s23+$0x470];
	[tilespmem:s22+$0x6800] =	vst v6  }
0x5c: {  	[tilespmem:s22+$0x6810] =	vst v7  }
0x5d: {  	[tilespmem:s22+$0x6820] =	vst v8  }
0x5e: {  	[tilespmem:s22+$0x6830] =	vst v9  }
0x5f: {  	[tilespmem:s22+$0x6840] =	vst v10  }
0x60: {  	[tilespmem:s22+$0x6850] =	vst v0  }
0x61: {  	[tilespmem:s22+$0x6860] =	vst v1  }
0x62: {  	[tilespmem:s22+$0x6870] =	vst v2  }
0x63: {  	[tilespmem:s22+$0x6C00] =	vst v3  }
0x64: {  	[tilespmem:s22+$0x6C10] =	vst v4  }
0x65: {  	[tilespmem:s22+$0x6C20] =	vst v5  }
0x66: {  	[tilespmem:s22+$0x6C30] =	vst v11  }
0x67: {  	[tilespmem:s22+$0x6C40] =	vst v12  }
0x68: {  	[tilespmem:s22+$0x6C50] =	vst v13  }
0x69: {  	s28 =	simm.s32 $0x100;
	s26 =	simm.s32 $0x80;
	s23 =	sadd.s32 $0x100, s24;
	[tilespmem:s22+$0x6C60] =	vst v14  }
0x6a: {  	s30 =	sand.u32 $0x380, s26;
	s26 =	simm.s32 $0x0;
	s29 =	sand.u32 $0x3800, s23;
	[tilespmem:s22+$0x6470] =	vst v16  }
.LBB2_2:
0x6b: {  	p0 =	sne.s32 s28, $0xB80;
	s29 =	sor.u32 s30, s29;
	[tilespmem:s22+$0x6C70] =	vst v15  }
0x6c: {  	v16 =	vld [tilespmem:s29+$0x0];
	_ =	sdelay $0x1  }
0x6d: {  	s26 =	sadd.s32 $0x200, s26  }
0x6e: {  	s22 =	sand.u32 $0x3000, s26  }
0x6f: {  	s22 =	sor.u32 s30, s22  }
0x70: {  	[tilespmem:s22+$0x6000] =	vst v16  }
0x71: {  	v16 =	vld [tilespmem:s29+$0x10];
	_ =	sdelay $0x4  }
0x72: {  	[tilespmem:s22+$0x6010] =	vst v16  }
0x73: {  	v16 =	vld [tilespmem:s29+$0x20];
	_ =	sdelay $0x4  }
0x74: {  	[tilespmem:s22+$0x6020] =	vst v16  }
0x75: {  	v16 =	vld [tilespmem:s29+$0x30];
	_ =	sdelay $0x4  }
0x76: {  	[tilespmem:s22+$0x6030] =	vst v16  }
0x77: {  	v16 =	vld [tilespmem:s29+$0x40];
	_ =	sdelay $0x4  }
0x78: {  	[tilespmem:s22+$0x6040] =	vst v16  }
0x79: {  	v16 =	vld [tilespmem:s29+$0x50];
	_ =	sdelay $0x4  }
0x7a: {  	[tilespmem:s22+$0x6050] =	vst v16  }
0x7b: {  	v16 =	vld [tilespmem:s29+$0x60];
	_ =	sdelay $0x4  }
0x7c: {  	[tilespmem:s22+$0x6060] =	vst v16  }
0x7d: {  	v16 =	vld [tilespmem:s29+$0x70];
	_ =	sdelay $0x4  }
0x7e: {  	[tilespmem:s22+$0x6070] =	vst v16  }
0x7f: {  	v16 =	vld [tilespmem:s29+$0x400];
	_ =	sdelay $0x4  }
0x80: {  	[tilespmem:s22+$0x6400] =	vst v16  }
0x81: {  	v16 =	vld [tilespmem:s29+$0x410];
	_ =	sdelay $0x4  }
0x82: {  	[tilespmem:s22+$0x6410] =	vst v16  }
0x83: {  	v16 =	vld [tilespmem:s29+$0x420];
	_ =	sdelay $0x4  }
0x84: {  	[tilespmem:s22+$0x6420] =	vst v16  }
0x85: {  	v16 =	vld [tilespmem:s29+$0x430];
	_ =	sdelay $0x4  }
0x86: {  	[tilespmem:s22+$0x6430] =	vst v16  }
0x87: {  	v16 =	vld [tilespmem:s29+$0x440];
	_ =	sdelay $0x4  }
0x88: {  	[tilespmem:s22+$0x6440] =	vst v16  }
0x89: {  	v16 =	vld [tilespmem:s29+$0x450];
	_ =	sdelay $0x4  }
0x8a: {  	[tilespmem:s22+$0x6450] =	vst v16  }
0x8b: {  	v16 =	vld [tilespmem:s29+$0x460];
	_ =	sdelay $0x4  }
0x8c: {  	[tilespmem:s22+$0x6460] =	vst v16  }
0x8d: {  	v16 =	vld [tilespmem:s29+$0x470];
	[tilespmem:s22+$0x6800] =	vst v6  }
0x8e: {  	[tilespmem:s22+$0x6810] =	vst v7  }
0x8f: {  	[tilespmem:s22+$0x6820] =	vst v8  }
0x90: {  	[tilespmem:s22+$0x6830] =	vst v9  }
0x91: {  	[tilespmem:s22+$0x6840] =	vst v10  }
0x92: {  	[tilespmem:s22+$0x6470] =	vst v16  }
0x93: {  	[tilespmem:s22+$0x6850] =	vst v0  }
0x94: {  	[tilespmem:s22+$0x6860] =	vst v1  }
0x95: {  	[tilespmem:s22+$0x6870] =	vst v2  }
0x96: {  	[tilespmem:s22+$0x6C00] =	vst v3  }
0x97: {  	[tilespmem:s22+$0x6C10] =	vst v4  }
.Ltmp0:
0x98: {  	[tilespmem:s22+$0x6C20] =	vst v5;
	(pc) =	sbr.rel @p0 .LBB2_2-.Ltmp0, $4  }
0x99: {  	[tilespmem:s22+$0x6C30] =	vst v11  }
0x9a: {  	[tilespmem:s22+$0x6C40] =	vst v12  }
0x9b: {  	s23 =	sadd.s32 $0x100, s23;
	[tilespmem:s22+$0x6C50] =	vst v13  }
0x9c: {  	s30 =	sand.u32 $0x380, s28;
	s28 =	sadd.s32 $0x80, s28;
	s29 =	sand.u32 $0x3800, s23;
	[tilespmem:s22+$0x6C60] =	vst v14  }
0x9d: {  	s23 =	sor.u32 s30, s29;
	[tilespmem:s22+$0x6C70] =	vst v15  }
0x9e: {  	v16 =	vld [tilespmem:s23+$0x0];
	_ =	sdelay $0x1  }
0x9f: {  	s26 =	sadd.s32 $0x200, s26  }
0xa0: {  	s22 =	sand.u32 $0x3000, s26  }
0xa1: {  	s22 =	sor.u32 s30, s22  }
0xa2: {  	[tilespmem:s22+$0x6000] =	vst v16  }
0xa3: {  	v16 =	vld [tilespmem:s23+$0x10];
	_ =	sdelay $0x4  }
0xa4: {  	[tilespmem:s22+$0x6010] =	vst v16  }
0xa5: {  	v16 =	vld [tilespmem:s23+$0x20];
	_ =	sdelay $0x4  }
0xa6: {  	[tilespmem:s22+$0x6020] =	vst v16  }
0xa7: {  	v16 =	vld [tilespmem:s23+$0x30];
	_ =	sdelay $0x4  }
0xa8: {  	[tilespmem:s22+$0x6030] =	vst v16  }
0xa9: {  	v16 =	vld [tilespmem:s23+$0x40];
	_ =	sdelay $0x4  }
0xaa: {  	[tilespmem:s22+$0x6040] =	vst v16  }
0xab: {  	v16 =	vld [tilespmem:s23+$0x50];
	_ =	sdelay $0x4  }
0xac: {  	[tilespmem:s22+$0x6050] =	vst v16  }
0xad: {  	v16 =	vld [tilespmem:s23+$0x60];
	_ =	sdelay $0x4  }
0xae: {  	[tilespmem:s22+$0x6060] =	vst v16  }
0xaf: {  	v16 =	vld [tilespmem:s23+$0x70];
	_ =	sdelay $0x4  }
0xb0: {  	[tilespmem:s22+$0x6070] =	vst v16  }
0xb1: {  	v16 =	vld [tilespmem:s23+$0x400];
	_ =	sdelay $0x4  }
0xb2: {  	[tilespmem:s22+$0x6400] =	vst v16  }
0xb3: {  	v16 =	vld [tilespmem:s23+$0x410];
	_ =	sdelay $0x4  }
0xb4: {  	[tilespmem:s22+$0x6410] =	vst v16  }
0xb5: {  	v16 =	vld [tilespmem:s23+$0x420];
	_ =	sdelay $0x4  }
0xb6: {  	[tilespmem:s22+$0x6420] =	vst v16  }
0xb7: {  	v16 =	vld [tilespmem:s23+$0x430];
	_ =	sdelay $0x4  }
0xb8: {  	[tilespmem:s22+$0x6430] =	vst v16  }
0xb9: {  	v16 =	vld [tilespmem:s23+$0x440];
	_ =	sdelay $0x4  }
0xba: {  	[tilespmem:s22+$0x6440] =	vst v16  }
0xbb: {  	v16 =	vld [tilespmem:s23+$0x450];
	_ =	sdelay $0x4  }
0xbc: {  	[tilespmem:s22+$0x6450] =	vst v16  }
0xbd: {  	v16 =	vld [tilespmem:s23+$0x460];
	_ =	sdelay $0x4  }
0xbe: {  	[tilespmem:s22+$0x6460] =	vst v16  }
0xbf: {  	v16 =	vld [tilespmem:s23+$0x470];
	[tilespmem:s22+$0x6800] =	vst v6  }
0xc0: {  	[tilespmem:s22+$0x6810] =	vst v7  }
0xc1: {  	[tilespmem:s22+$0x6820] =	vst v8  }
0xc2: {  	[tilespmem:s22+$0x6830] =	vst v9  }
0xc3: {  	[tilespmem:s22+$0x6840] =	vst v10  }
0xc4: {  	[tilespmem:s22+$0x6850] =	vst v0  }
0xc5: {  	[tilespmem:s22+$0x6860] =	vst v1  }
0xc6: {  	[tilespmem:s22+$0x6870] =	vst v2  }
0xc7: {  	[tilespmem:s22+$0x6C00] =	vst v3  }
0xc8: {  	[tilespmem:s22+$0x6C10] =	vst v4  }
0xc9: {  	[tilespmem:s22+$0x6C20] =	vst v5  }
0xca: {  	[tilespmem:s22+$0x6C30] =	vst v11  }
0xcb: {  	[tilespmem:s22+$0x6C40] =	vst v12  }
0xcc: {  	[tilespmem:s22+$0x6C50] =	vst v13  }
0xcd: {  	[tilespmem:s22+$0x6C60] =	vst v14  }
0xce: {  	[tilespmem:s22+$0x6C70] =	vst v15  }
0xcf: {  	s26 =	rddreg [dreg:$0x5];
	[tilespmem:s22+$0x6470] =	vst v16  }
0xd0: {  	v5 =	vld [tilespmem:s26+$0x3000]  }
0xd1: {  	v6 =	vld [tilespmem:s8+$0x10]  }
0xd2: {  	v7 =	vld [tilespmem:s8+$0x20]  }
0xd3: {  	v8 =	vld [tilespmem:s8+$0x30]  }
0xd4: {  	v9 =	vld [tilespmem:s8+$0x40]  }
0xd5: {  	v0 =	vld [tilespmem:s8+$0x50]  }
0xd6: {  	v1 =	vld [tilespmem:s8+$0x60]  }
0xd7: {  	v2 =	vld [tilespmem:s8+$0x70]  }
0xd8: {  	s22 =	simm.s32 $0x0;
	v3 =	vld [tilespmem:s8+$0x400]  }
0xd9: {  	s23 =	sand.u32 $0x3800, s25;
	v4 =	vld [tilespmem:s8+$0x410];
	s26 =	sand.u32 $0x380, s22  }
0xda: {  	v10 =	vld [tilespmem:s8+$0x420];
	s28 =	sor.u32 s26, s23  }
0xdb: {  	v16 =	vld [tilespmem:s28+$0x0]  }
0xdc: {  	v11 =	vld [tilespmem:s8+$0x430]  }
0xdd: {  	v12 =	vld [tilespmem:s8+$0x440]  }
0xde: {  	v13 =	vld [tilespmem:s8+$0x450];
	s23 =	sand.u32 $0x3000, s22  }
0xdf: {  	v14 =	vld [tilespmem:s8+$0x460];
	s23 =	sor.u32 s26, s23  }
0xe0: {  	v15 =	vld [tilespmem:s8+$0x470];
	[tilespmem:s23+$0x9000] =	vst v16  }
0xe1: {  	v16 =	vld [tilespmem:s28+$0x10];
	_ =	sdelay $0x4  }
0xe2: {  	[tilespmem:s23+$0x9010] =	vst v16  }
0xe3: {  	v16 =	vld [tilespmem:s28+$0x20];
	_ =	sdelay $0x4  }
0xe4: {  	[tilespmem:s23+$0x9020] =	vst v16  }
0xe5: {  	v16 =	vld [tilespmem:s28+$0x30];
	_ =	sdelay $0x4  }
0xe6: {  	[tilespmem:s23+$0x9030] =	vst v16  }
0xe7: {  	v16 =	vld [tilespmem:s28+$0x40];
	_ =	sdelay $0x4  }
0xe8: {  	[tilespmem:s23+$0x9040] =	vst v16  }
0xe9: {  	v16 =	vld [tilespmem:s28+$0x50];
	_ =	sdelay $0x4  }
0xea: {  	[tilespmem:s23+$0x9050] =	vst v16  }
0xeb: {  	v16 =	vld [tilespmem:s28+$0x60];
	_ =	sdelay $0x4  }
0xec: {  	[tilespmem:s23+$0x9060] =	vst v16  }
0xed: {  	v16 =	vld [tilespmem:s28+$0x70];
	_ =	sdelay $0x4  }
0xee: {  	[tilespmem:s23+$0x9070] =	vst v16  }
0xef: {  	v16 =	vld [tilespmem:s28+$0x400];
	_ =	sdelay $0x4  }
0xf0: {  	[tilespmem:s23+$0x9400] =	vst v16  }
0xf1: {  	v16 =	vld [tilespmem:s28+$0x410];
	_ =	sdelay $0x4  }
0xf2: {  	[tilespmem:s23+$0x9410] =	vst v16  }
0xf3: {  	v16 =	vld [tilespmem:s28+$0x420];
	_ =	sdelay $0x4  }
0xf4: {  	[tilespmem:s23+$0x9420] =	vst v16  }
0xf5: {  	v16 =	vld [tilespmem:s28+$0x430];
	_ =	sdelay $0x4  }
0xf6: {  	[tilespmem:s23+$0x9430] =	vst v16  }
0xf7: {  	v16 =	vld [tilespmem:s28+$0x440];
	_ =	sdelay $0x4  }
0xf8: {  	[tilespmem:s23+$0x9440] =	vst v16  }
0xf9: {  	v16 =	vld [tilespmem:s28+$0x450];
	_ =	sdelay $0x4  }
0xfa: {  	[tilespmem:s23+$0x9450] =	vst v16  }
0xfb: {  	v16 =	vld [tilespmem:s28+$0x460];
	_ =	sdelay $0x4  }
0xfc: {  	[tilespmem:s23+$0x9460] =	vst v16  }
0xfd: {  	v16 =	vld [tilespmem:s28+$0x470];
	[tilespmem:s23+$0x9800] =	vst v5  }
0xfe: {  	[tilespmem:s23+$0x9810] =	vst v6  }
0xff: {  	[tilespmem:s23+$0x9820] =	vst v7  }
0x100: {  	[tilespmem:s23+$0x9830] =	vst v8  }
0x101: {  	[tilespmem:s23+$0x9840] =	vst v9  }
0x102: {  	[tilespmem:s23+$0x9850] =	vst v0  }
0x103: {  	[tilespmem:s23+$0x9860] =	vst v1  }
0x104: {  	[tilespmem:s23+$0x9870] =	vst v2  }
0x105: {  	[tilespmem:s23+$0x9C00] =	vst v3  }
0x106: {  	[tilespmem:s23+$0x9C10] =	vst v4  }
0x107: {  	[tilespmem:s23+$0x9C20] =	vst v10  }
0x108: {  	[tilespmem:s23+$0x9C30] =	vst v11  }
0x109: {  	[tilespmem:s23+$0x9C40] =	vst v12  }
0x10a: {  	[tilespmem:s23+$0x9C50] =	vst v13  }
0x10b: {  	s26 =	sadd.s32 $0x100, s25;
	s28 =	simm.s32 $0x80;
	[tilespmem:s23+$0x9C60] =	vst v14  }
0x10c: {  	s29 =	sand.u32 $0x3800, s26;
	s30 =	sand.u32 $0x380, s28;
	s28 =	simm.s32 $0x100;
	[tilespmem:s23+$0x9470] =	vst v16  }
.LBB2_4:
0x10d: {  	p0 =	sne.s32 s28, $0xB80;
	s29 =	sor.u32 s30, s29;
	[tilespmem:s23+$0x9C70] =	vst v15  }
0x10e: {  	v16 =	vld [tilespmem:s29+$0x0];
	_ =	sdelay $0x1  }
0x10f: {  	s22 =	sadd.s32 $0x200, s22  }
0x110: {  	s23 =	sand.u32 $0x3000, s22  }
0x111: {  	s23 =	sor.u32 s30, s23  }
0x112: {  	[tilespmem:s23+$0x9000] =	vst v16  }
0x113: {  	v16 =	vld [tilespmem:s29+$0x10];
	_ =	sdelay $0x4  }
0x114: {  	[tilespmem:s23+$0x9010] =	vst v16  }
0x115: {  	v16 =	vld [tilespmem:s29+$0x20];
	_ =	sdelay $0x4  }
0x116: {  	[tilespmem:s23+$0x9020] =	vst v16  }
0x117: {  	v16 =	vld [tilespmem:s29+$0x30];
	_ =	sdelay $0x4  }
0x118: {  	[tilespmem:s23+$0x9030] =	vst v16  }
0x119: {  	v16 =	vld [tilespmem:s29+$0x40];
	_ =	sdelay $0x4  }
0x11a: {  	[tilespmem:s23+$0x9040] =	vst v16  }
0x11b: {  	v16 =	vld [tilespmem:s29+$0x50];
	_ =	sdelay $0x4  }
0x11c: {  	[tilespmem:s23+$0x9050] =	vst v16  }
0x11d: {  	v16 =	vld [tilespmem:s29+$0x60];
	_ =	sdelay $0x4  }
0x11e: {  	[tilespmem:s23+$0x9060] =	vst v16  }
0x11f: {  	v16 =	vld [tilespmem:s29+$0x70];
	_ =	sdelay $0x4  }
0x120: {  	[tilespmem:s23+$0x9070] =	vst v16  }
0x121: {  	v16 =	vld [tilespmem:s29+$0x400];
	_ =	sdelay $0x4  }
0x122: {  	[tilespmem:s23+$0x9400] =	vst v16  }
0x123: {  	v16 =	vld [tilespmem:s29+$0x410];
	_ =	sdelay $0x4  }
0x124: {  	[tilespmem:s23+$0x9410] =	vst v16  }
0x125: {  	v16 =	vld [tilespmem:s29+$0x420];
	_ =	sdelay $0x4  }
0x126: {  	[tilespmem:s23+$0x9420] =	vst v16  }
0x127: {  	v16 =	vld [tilespmem:s29+$0x430];
	_ =	sdelay $0x4  }
0x128: {  	[tilespmem:s23+$0x9430] =	vst v16  }
0x129: {  	v16 =	vld [tilespmem:s29+$0x440];
	_ =	sdelay $0x4  }
0x12a: {  	[tilespmem:s23+$0x9440] =	vst v16  }
0x12b: {  	v16 =	vld [tilespmem:s29+$0x450];
	_ =	sdelay $0x4  }
0x12c: {  	[tilespmem:s23+$0x9450] =	vst v16  }
0x12d: {  	v16 =	vld [tilespmem:s29+$0x460];
	_ =	sdelay $0x4  }
0x12e: {  	[tilespmem:s23+$0x9460] =	vst v16  }
0x12f: {  	v16 =	vld [tilespmem:s29+$0x470];
	[tilespmem:s23+$0x9800] =	vst v5  }
0x130: {  	[tilespmem:s23+$0x9810] =	vst v6  }
0x131: {  	[tilespmem:s23+$0x9820] =	vst v7  }
0x132: {  	[tilespmem:s23+$0x9830] =	vst v8  }
0x133: {  	[tilespmem:s23+$0x9840] =	vst v9  }
0x134: {  	[tilespmem:s23+$0x9470] =	vst v16  }
0x135: {  	[tilespmem:s23+$0x9850] =	vst v0  }
0x136: {  	[tilespmem:s23+$0x9860] =	vst v1  }
0x137: {  	[tilespmem:s23+$0x9870] =	vst v2  }
0x138: {  	[tilespmem:s23+$0x9C00] =	vst v3  }
0x139: {  	[tilespmem:s23+$0x9C10] =	vst v4  }
.Ltmp1:
0x13a: {  	[tilespmem:s23+$0x9C20] =	vst v10;
	(pc) =	sbr.rel @p0 .LBB2_4-.Ltmp1, $4  }
0x13b: {  	[tilespmem:s23+$0x9C30] =	vst v11  }
0x13c: {  	[tilespmem:s23+$0x9C40] =	vst v12  }
0x13d: {  	s26 =	sadd.s32 $0x100, s26;
	[tilespmem:s23+$0x9C50] =	vst v13  }
0x13e: {  	s30 =	sand.u32 $0x380, s28;
	s28 =	sadd.s32 $0x80, s28;
	s29 =	sand.u32 $0x3800, s26;
	[tilespmem:s23+$0x9C60] =	vst v14  }
0x13f: {  	s26 =	sor.u32 s30, s29;
	[tilespmem:s23+$0x9C70] =	vst v15  }
0x140: {  	v16 =	vld [tilespmem:s26+$0x0];
	_ =	sdelay $0x1  }
0x141: {  	s22 =	sadd.s32 $0x200, s22  }
0x142: {  	s22 =	sand.u32 $0x3000, s22  }
0x143: {  	s22 =	sor.u32 s30, s22  }
0x144: {  	[tilespmem:s22+$0x9000] =	vst v16  }
0x145: {  	v16 =	vld [tilespmem:s26+$0x10];
	_ =	sdelay $0x4  }
0x146: {  	[tilespmem:s22+$0x9010] =	vst v16  }
0x147: {  	v16 =	vld [tilespmem:s26+$0x20];
	_ =	sdelay $0x4  }
0x148: {  	[tilespmem:s22+$0x9020] =	vst v16  }
0x149: {  	v16 =	vld [tilespmem:s26+$0x30];
	_ =	sdelay $0x4  }
0x14a: {  	[tilespmem:s22+$0x9030] =	vst v16  }
0x14b: {  	v16 =	vld [tilespmem:s26+$0x40];
	_ =	sdelay $0x4  }
0x14c: {  	[tilespmem:s22+$0x9040] =	vst v16  }
0x14d: {  	v16 =	vld [tilespmem:s26+$0x50];
	_ =	sdelay $0x4  }
0x14e: {  	[tilespmem:s22+$0x9050] =	vst v16  }
0x14f: {  	v16 =	vld [tilespmem:s26+$0x60];
	_ =	sdelay $0x4  }
0x150: {  	[tilespmem:s22+$0x9060] =	vst v16  }
0x151: {  	v16 =	vld [tilespmem:s26+$0x70];
	_ =	sdelay $0x4  }
0x152: {  	[tilespmem:s22+$0x9070] =	vst v16  }
0x153: {  	v16 =	vld [tilespmem:s26+$0x400];
	_ =	sdelay $0x4  }
0x154: {  	[tilespmem:s22+$0x9400] =	vst v16  }
0x155: {  	v16 =	vld [tilespmem:s26+$0x410];
	_ =	sdelay $0x4  }
0x156: {  	[tilespmem:s22+$0x9410] =	vst v16  }
0x157: {  	v16 =	vld [tilespmem:s26+$0x420];
	_ =	sdelay $0x4  }
0x158: {  	[tilespmem:s22+$0x9420] =	vst v16  }
0x159: {  	v16 =	vld [tilespmem:s26+$0x430];
	_ =	sdelay $0x4  }
0x15a: {  	[tilespmem:s22+$0x9430] =	vst v16  }
0x15b: {  	v16 =	vld [tilespmem:s26+$0x440];
	_ =	sdelay $0x4  }
0x15c: {  	[tilespmem:s22+$0x9440] =	vst v16  }
0x15d: {  	v16 =	vld [tilespmem:s26+$0x450];
	_ =	sdelay $0x4  }
0x15e: {  	[tilespmem:s22+$0x9450] =	vst v16  }
0x15f: {  	v16 =	vld [tilespmem:s26+$0x460];
	_ =	sdelay $0x4  }
0x160: {  	[tilespmem:s22+$0x9460] =	vst v16  }
0x161: {  	v16 =	vld [tilespmem:s26+$0x470];
	[tilespmem:s22+$0x9800] =	vst v5  }
0x162: {  	[tilespmem:s22+$0x9810] =	vst v6  }
0x163: {  	[tilespmem:s22+$0x9820] =	vst v7  }
0x164: {  	[tilespmem:s22+$0x9830] =	vst v8  }
0x165: {  	[tilespmem:s22+$0x9840] =	vst v9  }
0x166: {  	[tilespmem:s22+$0x9850] =	vst v0  }
0x167: {  	[tilespmem:s22+$0x9860] =	vst v1  }
0x168: {  	[tilespmem:s22+$0x9870] =	vst v2  }
0x169: {  	[tilespmem:s22+$0x9C00] =	vst v3  }
0x16a: {  	[tilespmem:s22+$0x9C10] =	vst v4  }
0x16b: {  	[tilespmem:s22+$0x9C20] =	vst v10  }
0x16c: {  	[tilespmem:s22+$0x9C30] =	vst v11  }
0x16d: {  	[tilespmem:s22+$0x9C40] =	vst v12  }
0x16e: {  	[tilespmem:s22+$0x9C50] =	vst v13  }
0x16f: {  	[tilespmem:s22+$0x9C60] =	vst v14  }
0x170: {  	[tilespmem:s22+$0x9C70] =	vst v15  }
0x171: {  	[tilespmem:s22+$0x9470] =	vst v16  }
0x172: {  	v5 =	vld [tilespmem:s9+$0x3000]  }
0x173: {  	v6 =	vld [tilespmem:s10+$0x10]  }
0x174: {  	v7 =	vld [tilespmem:s10+$0x20]  }
0x175: {  	v8 =	vld [tilespmem:s10+$0x30]  }
0x176: {  	v9 =	vld [tilespmem:s10+$0x40]  }
0x177: {  	v0 =	vld [tilespmem:s10+$0x50]  }
0x178: {  	v1 =	vld [tilespmem:s10+$0x60]  }
0x179: {  	v2 =	vld [tilespmem:s10+$0x70]  }
0x17a: {  	s22 =	simm.s32 $0x0;
	v3 =	vld [tilespmem:s10+$0x400]  }
0x17b: {  	v4 =	vld [tilespmem:s10+$0x410];
	s23 =	sand.u32 $0x380, s22  }
0x17c: {  	v10 =	vld [tilespmem:s10+$0x420];
	s26 =	sor.u32 s23, s7  }
0x17d: {  	v16 =	vld [tilespmem:s26+$0x0]  }
0x17e: {  	v11 =	vld [tilespmem:s10+$0x430]  }
0x17f: {  	v12 =	vld [tilespmem:s10+$0x440]  }
0x180: {  	v13 =	vld [tilespmem:s10+$0x450];
	s30 =	sand.u32 $0x3000, s22  }
0x181: {  	v14 =	vld [tilespmem:s10+$0x460];
	s7 =	sor.u32 s23, s30  }
0x182: {  	v15 =	vld [tilespmem:s10+$0x470];
	[tilespmem:s7+$0xC000] =	vst v16  }
0x183: {  	v16 =	vld [tilespmem:s26+$0x10];
	_ =	sdelay $0x4  }
0x184: {  	[tilespmem:s7+$0xC010] =	vst v16  }
0x185: {  	v16 =	vld [tilespmem:s26+$0x20];
	_ =	sdelay $0x4  }
0x186: {  	[tilespmem:s7+$0xC020] =	vst v16  }
0x187: {  	v16 =	vld [tilespmem:s26+$0x30];
	_ =	sdelay $0x4  }
0x188: {  	[tilespmem:s7+$0xC030] =	vst v16  }
0x189: {  	v16 =	vld [tilespmem:s26+$0x40];
	_ =	sdelay $0x4  }
0x18a: {  	[tilespmem:s7+$0xC040] =	vst v16  }
0x18b: {  	v16 =	vld [tilespmem:s26+$0x50];
	_ =	sdelay $0x4  }
0x18c: {  	[tilespmem:s7+$0xC050] =	vst v16  }
0x18d: {  	v16 =	vld [tilespmem:s26+$0x60];
	_ =	sdelay $0x4  }
0x18e: {  	[tilespmem:s7+$0xC060] =	vst v16  }
0x18f: {  	v16 =	vld [tilespmem:s26+$0x70];
	_ =	sdelay $0x4  }
0x190: {  	[tilespmem:s7+$0xC070] =	vst v16  }
0x191: {  	v16 =	vld [tilespmem:s26+$0x400];
	_ =	sdelay $0x4  }
0x192: {  	[tilespmem:s7+$0xC400] =	vst v16  }
0x193: {  	v16 =	vld [tilespmem:s26+$0x410];
	_ =	sdelay $0x4  }
0x194: {  	[tilespmem:s7+$0xC410] =	vst v16  }
0x195: {  	v16 =	vld [tilespmem:s26+$0x420];
	_ =	sdelay $0x4  }
0x196: {  	[tilespmem:s7+$0xC420] =	vst v16  }
0x197: {  	v16 =	vld [tilespmem:s26+$0x430];
	_ =	sdelay $0x4  }
0x198: {  	[tilespmem:s7+$0xC430] =	vst v16  }
0x199: {  	v16 =	vld [tilespmem:s26+$0x440];
	_ =	sdelay $0x4  }
0x19a: {  	[tilespmem:s7+$0xC440] =	vst v16  }
0x19b: {  	v16 =	vld [tilespmem:s26+$0x450];
	_ =	sdelay $0x4  }
0x19c: {  	[tilespmem:s7+$0xC450] =	vst v16  }
0x19d: {  	v16 =	vld [tilespmem:s26+$0x460];
	_ =	sdelay $0x4  }
0x19e: {  	[tilespmem:s7+$0xC460] =	vst v16  }
0x19f: {  	v16 =	vld [tilespmem:s26+$0x470];
	[tilespmem:s7+$0xC800] =	vst v5  }
0x1a0: {  	[tilespmem:s7+$0xC810] =	vst v6  }
0x1a1: {  	[tilespmem:s7+$0xC820] =	vst v7  }
0x1a2: {  	[tilespmem:s7+$0xC830] =	vst v8  }
0x1a3: {  	[tilespmem:s7+$0xC840] =	vst v9  }
0x1a4: {  	[tilespmem:s7+$0xC850] =	vst v0  }
0x1a5: {  	[tilespmem:s7+$0xC860] =	vst v1  }
0x1a6: {  	[tilespmem:s7+$0xC870] =	vst v2  }
0x1a7: {  	[tilespmem:s7+$0xCC00] =	vst v3  }
0x1a8: {  	[tilespmem:s7+$0xCC10] =	vst v4  }
0x1a9: {  	[tilespmem:s7+$0xCC20] =	vst v10  }
0x1aa: {  	[tilespmem:s7+$0xCC30] =	vst v11  }
0x1ab: {  	[tilespmem:s7+$0xCC40] =	vst v12  }
0x1ac: {  	[tilespmem:s7+$0xCC50] =	vst v13  }
0x1ad: {  	s30 =	simm.s32 $0x80;
	s23 =	sadd.s32 $0x100, s24;
	[tilespmem:s7+$0xCC60] =	vst v14  }
0x1ae: {  	s28 =	sand.u32 $0x3800, s23;
	s29 =	sand.u32 $0x380, s30;
	s26 =	simm.s32 $0x100;
	[tilespmem:s7+$0xC470] =	vst v16  }
.LBB2_6:
0x1af: {  	p0 =	sne.s32 s26, $0xB80;
	s28 =	sor.u32 s29, s28;
	[tilespmem:s7+$0xCC70] =	vst v15  }
0x1b0: {  	v16 =	vld [tilespmem:s28+$0x0];
	_ =	sdelay $0x1  }
0x1b1: {  	s22 =	sadd.s32 $0x200, s22  }
0x1b2: {  	s7 =	sand.u32 $0x3000, s22  }
0x1b3: {  	s7 =	sor.u32 s29, s7  }
0x1b4: {  	[tilespmem:s7+$0xC000] =	vst v16  }
0x1b5: {  	v16 =	vld [tilespmem:s28+$0x10];
	_ =	sdelay $0x4  }
0x1b6: {  	[tilespmem:s7+$0xC010] =	vst v16  }
0x1b7: {  	v16 =	vld [tilespmem:s28+$0x20];
	_ =	sdelay $0x4  }
0x1b8: {  	[tilespmem:s7+$0xC020] =	vst v16  }
0x1b9: {  	v16 =	vld [tilespmem:s28+$0x30];
	_ =	sdelay $0x4  }
0x1ba: {  	[tilespmem:s7+$0xC030] =	vst v16  }
0x1bb: {  	v16 =	vld [tilespmem:s28+$0x40];
	_ =	sdelay $0x4  }
0x1bc: {  	[tilespmem:s7+$0xC040] =	vst v16  }
0x1bd: {  	v16 =	vld [tilespmem:s28+$0x50];
	_ =	sdelay $0x4  }
0x1be: {  	[tilespmem:s7+$0xC050] =	vst v16  }
0x1bf: {  	v16 =	vld [tilespmem:s28+$0x60];
	_ =	sdelay $0x4  }
0x1c0: {  	[tilespmem:s7+$0xC060] =	vst v16  }
0x1c1: {  	v16 =	vld [tilespmem:s28+$0x70];
	_ =	sdelay $0x4  }
0x1c2: {  	[tilespmem:s7+$0xC070] =	vst v16  }
0x1c3: {  	v16 =	vld [tilespmem:s28+$0x400];
	_ =	sdelay $0x4  }
0x1c4: {  	[tilespmem:s7+$0xC400] =	vst v16  }
0x1c5: {  	v16 =	vld [tilespmem:s28+$0x410];
	_ =	sdelay $0x4  }
0x1c6: {  	[tilespmem:s7+$0xC410] =	vst v16  }
0x1c7: {  	v16 =	vld [tilespmem:s28+$0x420];
	_ =	sdelay $0x4  }
0x1c8: {  	[tilespmem:s7+$0xC420] =	vst v16  }
0x1c9: {  	v16 =	vld [tilespmem:s28+$0x430];
	_ =	sdelay $0x4  }
0x1ca: {  	[tilespmem:s7+$0xC430] =	vst v16  }
0x1cb: {  	v16 =	vld [tilespmem:s28+$0x440];
	_ =	sdelay $0x4  }
0x1cc: {  	[tilespmem:s7+$0xC440] =	vst v16  }
0x1cd: {  	v16 =	vld [tilespmem:s28+$0x450];
	_ =	sdelay $0x4  }
0x1ce: {  	[tilespmem:s7+$0xC450] =	vst v16  }
0x1cf: {  	v16 =	vld [tilespmem:s28+$0x460];
	_ =	sdelay $0x4  }
0x1d0: {  	[tilespmem:s7+$0xC460] =	vst v16  }
0x1d1: {  	v16 =	vld [tilespmem:s28+$0x470];
	[tilespmem:s7+$0xC800] =	vst v5  }
0x1d2: {  	[tilespmem:s7+$0xC810] =	vst v6  }
0x1d3: {  	[tilespmem:s7+$0xC820] =	vst v7  }
0x1d4: {  	[tilespmem:s7+$0xC830] =	vst v8  }
0x1d5: {  	[tilespmem:s7+$0xC840] =	vst v9  }
0x1d6: {  	[tilespmem:s7+$0xC470] =	vst v16  }
0x1d7: {  	[tilespmem:s7+$0xC850] =	vst v0  }
0x1d8: {  	[tilespmem:s7+$0xC860] =	vst v1  }
0x1d9: {  	[tilespmem:s7+$0xC870] =	vst v2  }
0x1da: {  	[tilespmem:s7+$0xCC00] =	vst v3  }
0x1db: {  	[tilespmem:s7+$0xCC10] =	vst v4  }
.Ltmp2:
0x1dc: {  	[tilespmem:s7+$0xCC20] =	vst v10;
	(pc) =	sbr.rel @p0 .LBB2_6-.Ltmp2, $4  }
0x1dd: {  	[tilespmem:s7+$0xCC30] =	vst v11  }
0x1de: {  	[tilespmem:s7+$0xCC40] =	vst v12  }
0x1df: {  	s23 =	sadd.s32 $0x100, s23;
	[tilespmem:s7+$0xCC50] =	vst v13  }
0x1e0: {  	s29 =	sand.u32 $0x380, s26;
	s26 =	sadd.s32 $0x80, s26;
	s28 =	sand.u32 $0x3800, s23;
	[tilespmem:s7+$0xCC60] =	vst v14  }
0x1e1: {  	[tilespmem:s7+$0xCC70] =	vst v15;
	s28 =	sor.u32 s29, s28  }
0x1e2: {  	v16 =	vld [tilespmem:s28+$0x0];
	_ =	sdelay $0x1  }
0x1e3: {  	s22 =	sadd.s32 $0x200, s22  }
0x1e4: {  	s22 =	sand.u32 $0x3000, s22  }
0x1e5: {  	s22 =	sor.u32 s29, s22  }
0x1e6: {  	[tilespmem:s22+$0xC000] =	vst v16  }
0x1e7: {  	v16 =	vld [tilespmem:s28+$0x10];
	_ =	sdelay $0x4  }
0x1e8: {  	[tilespmem:s22+$0xC010] =	vst v16  }
0x1e9: {  	v16 =	vld [tilespmem:s28+$0x20];
	_ =	sdelay $0x4  }
0x1ea: {  	[tilespmem:s22+$0xC020] =	vst v16  }
0x1eb: {  	v16 =	vld [tilespmem:s28+$0x30];
	_ =	sdelay $0x4  }
0x1ec: {  	[tilespmem:s22+$0xC030] =	vst v16  }
0x1ed: {  	v16 =	vld [tilespmem:s28+$0x40];
	_ =	sdelay $0x4  }
0x1ee: {  	[tilespmem:s22+$0xC040] =	vst v16  }
0x1ef: {  	v16 =	vld [tilespmem:s28+$0x50];
	_ =	sdelay $0x4  }
0x1f0: {  	[tilespmem:s22+$0xC050] =	vst v16  }
0x1f1: {  	v16 =	vld [tilespmem:s28+$0x60];
	_ =	sdelay $0x4  }
0x1f2: {  	[tilespmem:s22+$0xC060] =	vst v16  }
0x1f3: {  	v16 =	vld [tilespmem:s28+$0x70];
	_ =	sdelay $0x4  }
0x1f4: {  	[tilespmem:s22+$0xC070] =	vst v16  }
0x1f5: {  	v16 =	vld [tilespmem:s28+$0x400];
	_ =	sdelay $0x4  }
0x1f6: {  	[tilespmem:s22+$0xC400] =	vst v16  }
0x1f7: {  	v16 =	vld [tilespmem:s28+$0x410];
	_ =	sdelay $0x4  }
0x1f8: {  	[tilespmem:s22+$0xC410] =	vst v16  }
0x1f9: {  	v16 =	vld [tilespmem:s28+$0x420];
	_ =	sdelay $0x4  }
0x1fa: {  	[tilespmem:s22+$0xC420] =	vst v16  }
0x1fb: {  	v16 =	vld [tilespmem:s28+$0x430];
	_ =	sdelay $0x4  }
0x1fc: {  	[tilespmem:s22+$0xC430] =	vst v16  }
0x1fd: {  	v16 =	vld [tilespmem:s28+$0x440];
	_ =	sdelay $0x4  }
0x1fe: {  	[tilespmem:s22+$0xC440] =	vst v16  }
0x1ff: {  	v16 =	vld [tilespmem:s28+$0x450];
	_ =	sdelay $0x4  }
0x200: {  	[tilespmem:s22+$0xC450] =	vst v16  }
0x201: {  	v16 =	vld [tilespmem:s28+$0x460];
	_ =	sdelay $0x4  }
0x202: {  	[tilespmem:s22+$0xC460] =	vst v16  }
0x203: {  	v16 =	vld [tilespmem:s28+$0x470];
	[tilespmem:s22+$0xC800] =	vst v5  }
0x204: {  	[tilespmem:s22+$0xC810] =	vst v6  }
0x205: {  	[tilespmem:s22+$0xC820] =	vst v7  }
0x206: {  	[tilespmem:s22+$0xC830] =	vst v8  }
0x207: {  	[tilespmem:s22+$0xC840] =	vst v9  }
0x208: {  	[tilespmem:s22+$0xC850] =	vst v0  }
0x209: {  	[tilespmem:s22+$0xC860] =	vst v1  }
0x20a: {  	[tilespmem:s22+$0xC870] =	vst v2  }
0x20b: {  	[tilespmem:s22+$0xCC00] =	vst v3  }
0x20c: {  	[tilespmem:s22+$0xCC10] =	vst v4  }
0x20d: {  	[tilespmem:s22+$0xCC20] =	vst v10  }
0x20e: {  	[tilespmem:s22+$0xCC30] =	vst v11  }
0x20f: {  	[tilespmem:s22+$0xCC40] =	vst v12  }
0x210: {  	[tilespmem:s22+$0xCC50] =	vst v13  }
0x211: {  	[tilespmem:s22+$0xCC60] =	vst v14  }
0x212: {  	[tilespmem:s22+$0xCC70] =	vst v15  }
0x213: {  	[tilespmem:s22+$0xC470] =	vst v16  }
0x214: {  	[hbm4b:s11+s4] =	stream.linear.scatter [tilespmem:s15], [sflag:$0x1], $0x3000, $0x38;
	[tilespmem:$0xF000] =	vst v63  }
0x215: {  	s29 =	rddreg [dreg:$0x6]  }
0x216: {  	[hbm4b:s29+s4] =	stream.linear.scatter [tilespmem:s15], [sflag:$0x1], $0x3000, $0x38;
	[tilespmem:$0xF000] =	vst v63  }
0x217: {  	s30 =	rddreg [dreg:$0x7]  }
0x218: {  	[hbm4b:s30+s4] =	stream.linear.scatter [tilespmem:s15], [sflag:$0x1], $0x3000, $0x38;
	[tilespmem:$0xF000] =	vst v63  }
0x219: {  	s22 =	rddreg [dreg:$0x8]  }
0x21a: {  	[hbm4b:s22+s4] =	stream.linear.scatter [tilespmem:s15], [sflag:$0x1], $0x3000, $0x38;
	[tilespmem:$0xF000] =	vst v63  }
0x21b: {  	s23 =	rddreg [dreg:$0x9]  }
0x21c: {  	[hbm4b:s23+s4] =	stream.linear.scatter [tilespmem:s15], [sflag:$0x1], $0x3000, $0x38;
	[tilespmem:$0xF000] =	vst v63  }
0x21d: {  	s26 =	rddreg [dreg:$0xa]  }
0x21e: {  	[hbm4b:s26+s4] =	stream.linear.scatter [tilespmem:s15], [sflag:$0x1], $0x3000, $0x38;
	[tilespmem:$0xF000] =	vst v63  }
0x21f: {  	s28 =	rddreg [dreg:$0xb]  }
0x220: {  	[hbm4b:s28+s4] =	stream.linear.scatter [tilespmem:s15], [sflag:$0x1], $0x3000, $0x38;
	[tilespmem:$0xF000] =	vst v63  }
0x221: {  	s29 =	rddreg [dreg:$0xc]  }
0x222: {  	[hbm4b:s29+s4] =	stream.linear.scatter [tilespmem:s15], [sflag:$0x1], $0x3000, $0x38;
	[tilespmem:$0xF000] =	vst v63  }
0x223: {  	_ = 	snop  }
0x224: {  	[hbm4b:s18+s4] =	stream.linear.scatter [tilespmem:s16], [sflag:$0x1], $0x3000, $0x38;
	[tilespmem:$0xF000] =	vst v63  }
0x225: {  	s30 =	rddreg [dreg:$0xd]  }
0x226: {  	[hbm4b:s30+s4] =	stream.linear.scatter [tilespmem:s16], [sflag:$0x1], $0x3000, $0x38;
	[tilespmem:$0xF000] =	vst v63  }
0x227: {  	s22 =	rddreg [dreg:$0xe]  }
0x228: {  	[hbm4b:s22+s4] =	stream.linear.scatter [tilespmem:s16], [sflag:$0x1], $0x3000, $0x38;
	[tilespmem:$0xF000] =	vst v63  }
0x229: {  	s23 =	rddreg [dreg:$0x10]  }
0x22a: {  	[hbm4b:s23+s4] =	stream.linear.scatter [tilespmem:s16], [sflag:$0x1], $0x3000, $0x38;
	[tilespmem:$0xF000] =	vst v63  }
0x22b: {  	s26 =	rddreg [dreg:$0x11]  }
0x22c: {  	[hbm4b:s26+s4] =	stream.linear.scatter [tilespmem:s16], [sflag:$0x1], $0x3000, $0x38;
	[tilespmem:$0xF000] =	vst v63  }
0x22d: {  	s28 =	rddreg [dreg:$0x12]  }
0x22e: {  	[hbm4b:s28+s4] =	stream.linear.scatter [tilespmem:s16], [sflag:$0x1], $0x3000, $0x38;
	[tilespmem:$0xF000] =	vst v63  }
0x22f: {  	s29 =	rddreg [dreg:$0x13]  }
0x230: {  	[hbm4b:s29+s4] =	stream.linear.scatter [tilespmem:s16], [sflag:$0x1], $0x3000, $0x38;
	[tilespmem:$0xF000] =	vst v63  }
0x231: {  	_ = 	snop  }
0x232: {  	[hbm4b:s31+s4] =	stream.linear.scatter [tilespmem:s16], [sflag:$0x1], $0x3000, $0x38;
	[tilespmem:$0xF000] =	vst v63  }
0x233: {  	_ = 	snop  }
0x234: {  	[hbm4b:s21+s4] =	stream.linear.scatter [tilespmem:s17], [sflag:$0x1], $0x3000, $0x38;
	[tilespmem:$0xF000] =	vst v63  }
0x235: {  	_ = 	snop  }
0x236: {  	[hbm4b:s2+s4] =	stream.linear.scatter [tilespmem:s17], [sflag:$0x1], $0x3000, $0x38;
	[tilespmem:$0xF000] =	vst v63  }
0x237: {  	_ = 	snop  }
0x238: {  	[hbm4b:s0+s4] =	stream.linear.scatter [tilespmem:s17], [sflag:$0x1], $0x3000, $0x38;
	[tilespmem:$0xF000] =	vst v63  }
0x239: {  	_ = 	snop  }
0x23a: {  	[hbm4b:s1+s4] =	stream.linear.scatter [tilespmem:s17], [sflag:$0x1], $0x3000, $0x38;
	[tilespmem:$0xF000] =	vst v63  }
0x23b: {  	_ = 	snop  }
0x23c: {  	[hbm4b:s3+s4] =	stream.linear.scatter [tilespmem:s17], [sflag:$0x1], $0x3000, $0x38;
	[tilespmem:$0xF000] =	vst v63  }
0x23d: {  	_ = 	snop  }
0x23e: {  	[hbm4b:s12+s4] =	stream.linear.scatter [tilespmem:s17], [sflag:$0x1], $0x3000, $0x38;
	[tilespmem:$0xF000] =	vst v63  }
0x23f: {  	_ = 	snop  }
0x240: {  	[hbm4b:s13+s4] =	stream.linear.scatter [tilespmem:s17], [sflag:$0x1], $0x3000, $0x38;
	[tilespmem:$0xF000] =	vst v63  }
0x241: {  	_ = 	snop  }
0x242: {  	[hbm4b:s14+s4] =	stream.linear.scatter [tilespmem:s17], [sflag:$0x1], $0x3000, $0x38;
	[tilespmem:$0xF000] =	vst v63  }
0x243: {  	_ =	swait.ge [sflag:s19], $0x3000  }
0x244: {  	[sflag:s19] =	ssyncset.done $0x0  }
0x245: {  	[sflag:s19] =	ssyncadd.s32 $0xFFFFD000  }
0x246: {  	_ =	swait.ge [sflag:s19], $0x3000  }
0x247: {  	[sflag:s19] =	ssyncset.done $0x0  }
0x248: {  	[sflag:s19] =	ssyncadd.s32 $0xFFFFD000  }
0x249: {  	_ =	swait.ge [sflag:s19], $0x3000  }
0x24a: {  	[sflag:s19] =	ssyncset.done $0x0  }
0x24b: {  	[sflag:s19] =	ssyncadd.s32 $0xFFFFD000  }
0x24c: {  	_ =	swait.ge [sflag:s19], $0x3000  }
0x24d: {  	[sflag:s19] =	ssyncset.done $0x0  }
0x24e: {  	[sflag:s19] =	ssyncadd.s32 $0xFFFFD000  }
0x24f: {  	_ =	swait.ge [sflag:s19], $0x3000  }
0x250: {  	[sflag:s19] =	ssyncset.done $0x0  }
0x251: {  	[sflag:s19] =	ssyncadd.s32 $0xFFFFD000  }
0x252: {  	_ =	swait.ge [sflag:s19], $0x3000  }
0x253: {  	[sflag:s19] =	ssyncset.done $0x0  }
0x254: {  	[sflag:s19] =	ssyncadd.s32 $0xFFFFD000  }
0x255: {  	_ =	swait.ge [sflag:s19], $0x3000  }
0x256: {  	[sflag:s19] =	ssyncset.done $0x0  }
0x257: {  	[sflag:s19] =	ssyncadd.s32 $0xFFFFD000  }
0x258: {  	_ =	swait.ge [sflag:s19], $0x3000  }
0x259: {  	[sflag:s19] =	ssyncset.done $0x0  }
0x25a: {  	[sflag:s19] =	ssyncadd.s32 $0xFFFFD000  }
0x25b: {  	_ =	swait.ge [sflag:s19], $0x3000  }
0x25c: {  	[sflag:s19] =	ssyncset.done $0x0  }
0x25d: {  	[sflag:s19] =	ssyncadd.s32 $0xFFFFD000  }
0x25e: {  	_ =	swait.ge [sflag:s19], $0x3000  }
0x25f: {  	[sflag:s19] =	ssyncset.done $0x0  }
0x260: {  	[sflag:s19] =	ssyncadd.s32 $0xFFFFD000  }
0x261: {  	_ =	swait.ge [sflag:s19], $0x3000  }
0x262: {  	[sflag:s19] =	ssyncset.done $0x0  }
0x263: {  	[sflag:s19] =	ssyncadd.s32 $0xFFFFD000  }
0x264: {  	_ =	swait.ge [sflag:s19], $0x3000  }
0x265: {  	[sflag:s19] =	ssyncset.done $0x0  }
0x266: {  	[sflag:s19] =	ssyncadd.s32 $0xFFFFD000  }
0x267: {  	_ =	swait.ge [sflag:s19], $0x3000  }
0x268: {  	[sflag:s19] =	ssyncset.done $0x0  }
0x269: {  	[sflag:s19] =	ssyncadd.s32 $0xFFFFD000  }
0x26a: {  	_ =	swait.ge [sflag:s19], $0x3000  }
0x26b: {  	[sflag:s19] =	ssyncset.done $0x0  }
0x26c: {  	[sflag:s19] =	ssyncadd.s32 $0xFFFFD000  }
0x26d: {  	_ =	swait.ge [sflag:s19], $0x3000  }
0x26e: {  	[sflag:s19] =	ssyncset.done $0x0  }
0x26f: {  	[sflag:s19] =	ssyncadd.s32 $0xFFFFD000  }
0x270: {  	_ =	swait.ge [sflag:s19], $0x3000  }
0x271: {  	[sflag:s19] =	ssyncset.done $0x0  }
0x272: {  	[sflag:s19] =	ssyncadd.s32 $0xFFFFD000  }
0x273: {  	_ =	swait.ge [sflag:s19], $0x3000  }
0x274: {  	[sflag:s19] =	ssyncset.done $0x0  }
0x275: {  	[sflag:s19] =	ssyncadd.s32 $0xFFFFD000  }
0x276: {  	_ =	swait.ge [sflag:s19], $0x3000  }
0x277: {  	[sflag:s19] =	ssyncset.done $0x0  }
0x278: {  	[sflag:s19] =	ssyncadd.s32 $0xFFFFD000  }
0x279: {  	_ =	swait.ge [sflag:s19], $0x3000  }
0x27a: {  	[sflag:s19] =	ssyncset.done $0x0  }
0x27b: {  	[sflag:s19] =	ssyncadd.s32 $0xFFFFD000  }
0x27c: {  	_ =	swait.ge [sflag:s19], $0x3000  }
0x27d: {  	[sflag:s19] =	ssyncset.done $0x0  }
0x27e: {  	[sflag:s19] =	ssyncadd.s32 $0xFFFFD000  }
0x27f: {  	_ =	swait.ge [sflag:s19], $0x3000  }
0x280: {  	[sflag:s19] =	ssyncset.done $0x0  }
0x281: {  	[sflag:s19] =	ssyncadd.s32 $0xFFFFD000  }
0x282: {  	_ =	swait.ge [sflag:s19], $0x3000  }
0x283: {  	[sflag:s19] =	ssyncset.done $0x0  }
0x284: {  	[sflag:s19] =	ssyncadd.s32 $0xFFFFD000  }
0x285: {  	_ =	swait.ge [sflag:s19], $0x3000  }
0x286: {  	[sflag:s19] =	ssyncset.done $0x0  }
0x287: {  	[sflag:s19] =	ssyncadd.s32 $0xFFFFD000  }
0x288: {  	_ =	swait.ge [sflag:s19], $0x3000  }
0x289: {  	s20 =	sadd.s32 $0x1, s20;
	s30 =	rddreg [dreg:$0xf]  }
0x28a: {  	p0 =	sne.s32 s20, s30  }
.Ltmp3:
0x28b: {  	_ = 	snop;
	(pc) =	sbr.rel @p0 .LBB2_1-.Ltmp3, $3  }
0x28c: {  	_ =	sdelay $0x1  }
0x28d: {  	[sflag:s19] =	ssyncset.done $0x0  }
0x28e: {  	[sflag:s19] =	ssyncadd.s32 $0xFFFFD000  }
0x28f: {  	_ =	sfence.sel $0x180000  }
0x290: {  	[bflag:$0x0] =	sbarrier.arrive $0xFFFF  }
0x291: {  	_ =	strace $0x90000047  }
0x292: {  	s0 =	stileid.u32;
	[bflag:$0x2] =	sbarrier.arrive $0xFFFF  }
0x293: {  	p0 =	sne.s32 s0, $0x0;
	s0 =	rddreg [dreg:$0x3]  }
0x294: {  	s0 =	sadd.s32 @!p0 $0x100000, s0  }
0x295: {  	[sflag:s0] =	ssyncadd.tile.s32 @!p0 $0x1;
	_ =	shalt  }
.Lfunc_end2:
_tile_overlayer_lowered:
.L_overlay_start_2:
0x296: {  	(tag) =	ssettag $0x2  }
0x297: {  	s0 =	rddreg [dreg:$0x0];
	s2 =	stileid.u32  }
0x298: {  	s1 =	rddreg [dreg:$0x1];
	p0 =	sne.s32 s2, $0x0  }
0x299: {  	s3 =	rddreg [dreg:$0x2];
	[bflag:$0x3] =	sbarrier.arrive $0xFFFF;
	s2 =	simm.s32 @!p0 $0x1C02  }
0x29a: {  	[timem:s3], [sflag:s2] =	dma.local @!p0 [hbm:s0], s1  }
0x29b: {  	s0 =	simm.s32 @!p0 $0x2  }
0x29c: {  	_ =	swait.ge @!p0 [sflag:s0], s1  }
0x29d: {  	s1 =	ssub.s32 @!p0 $0x0, s1;
	[sflag:s0] =	ssyncset.done @!p0 $0x0  }
0x29e: {  	[sflag:s0] =	ssyncadd.s32 @!p0 s1  }
0x29f: {  	[bflag:$0x3] =	sbarrier.arrive $0xFFFF  }
0x2a0: {  	_ =	shalt  }

</sc_bundles>
